<compile_context>
chip_gen: v7x
topology: tpu7x:2x2x1
jax: 0.10.2.dev20260603
libtpu: 0.0.44.dev20260713+nightly
codegen_flags: <defaults>
</compile_context>

<pallas_src>
import functools

import jax
import jax.numpy as jnp
from jax import lax
from jax.experimental import pallas as pl
from jax.experimental.pallas import tpu as pltpu
from jax.experimental.pallas import tpu_sc as plsc

_NUM_EMOTIONS = 4
_HIDDEN = 768
_SEQ = 32
_BATCH = 16384

_info = plsc.get_sparse_core_info()
_NC = _info.num_cores
_NS = _info.num_subcores
_NW = _NC * _NS
_B_PER_W = _BATCH // _NW

_mesh = plsc.VectorSubcoreMesh(core_axis_name="c", subcore_axis_name="s")


@functools.partial(
    pl.kernel,
    mesh=_mesh,
    out_type=[
        jax.ShapeDtypeStruct((_BATCH, _SEQ, _HIDDEN), jnp.float32),
        jax.ShapeDtypeStruct((_BATCH, _SEQ), jnp.int32),
    ],
    scratch_types=[
        pltpu.VMEM((_NUM_EMOTIONS, _SEQ, _HIDDEN), jnp.float32),
        pltpu.VMEM((_NUM_EMOTIONS, _SEQ), jnp.int32),
        pltpu.VMEM((_B_PER_W,), jnp.int32),
        pltpu.SemaphoreType.DMA,
        pltpu.SemaphoreType.DMA,
        pltpu.SemaphoreType.DMA,
    ],
)
def _emb_lookup(idx_hbm, cond_hbm, mask_hbm, out_hbm, mout_hbm,
                table_v, mtable_v, idx_v, sem_t, sem_o, sem_m):
    wid = lax.axis_index("s") * _NC + lax.axis_index("c")
    base = wid * _B_PER_W

    c1 = pltpu.make_async_copy(cond_hbm, table_v, sem_t)
    c2 = pltpu.make_async_copy(mask_hbm, mtable_v, sem_t)
    c3 = pltpu.make_async_copy(idx_hbm.at[pl.ds(base, _B_PER_W)], idx_v, sem_t)
    c1.start(), c2.start(), c3.start()
    c1.wait(), c2.wait(), c3.wait()

    def _drain_chunk():
        for _ in range(16):
            pltpu.make_async_copy(cond_hbm.at[0], table_v.at[0], sem_o).wait()
            pltpu.make_async_copy(mask_hbm.at[0], mtable_v.at[0], sem_m).wait()

    def body(c, carry):
        vec = idx_v[pl.ds(c * 16, 16)]
        for j in range(16):
            e = vec[j]
            i = c * 16 + j
            pltpu.make_async_copy(table_v.at[e], out_hbm.at[base + i], sem_o).start()
            pltpu.make_async_copy(mtable_v.at[e], mout_hbm.at[base + i], sem_m).start()

        @pl.when(c >= 1)
        def _():
            _drain_chunk()

        return carry

    lax.fori_loop(0, _B_PER_W // 16, body, 0, unroll=False)
    _drain_chunk()


def kernel(emotion_ids, conditioning, attention_masks):
    ids = emotion_ids.astype(jnp.int32)
    out, mout = _emb_lookup(ids, conditioning, attention_masks)
    return out, mout

# --- scband reference (transcript-rebuilt; emitter-appended) ---
"""Pipeline reference for scband-emotion-embedding-30322469109852 (READ-ONLY COPY).

The authoritative reference and input builder live on the scoring server;
editing this copy changes nothing except your own understanding.
"""

import jax, jax.numpy as jnp
import numpy as np

NUM_EMOTIONS = 4
HIDDEN_DIM = 768
MAX_SEQ_LEN = 32
BATCH = 16384

def setup_inputs(seed: int = 0) -> dict:
    key = jax.random.key(seed)
    k1, k2, k3 = jax.random.split(key, 3)
    emotion_ids = jax.random.randint(k1, (BATCH,), 0, NUM_EMOTIONS, dtype=jnp.int64 if jax.config.jax_enable_x64 else jnp.int32)
    conditioning = jax.random.normal(k2, (NUM_EMOTIONS, MAX_SEQ_LEN, HIDDEN_DIM), dtype=jnp.float32)
    attention_masks = jax.random.randint(k3, (NUM_EMOTIONS, MAX_SEQ_LEN), 0, 2, dtype=jnp.int32)
    return {"emotion_ids": emotion_ids, "conditioning": conditioning, "attention_masks": attention_masks}

def reference(emotion_ids, conditioning, attention_masks):
    # hidden_states = self.conditioning[emotion_ids]
    hidden_states = jnp.take(conditioning, emotion_ids, axis=0)
    # masks = self.attention_masks[emotion_ids]
    masks = jnp.take(attention_masks, emotion_ids, axis=0)
    return (hidden_states, masks)

if __name__ == "__main__":
    import jax
    _d = setup_inputs()
    print(jax.jit(kernel)(*tuple(_d.values())))

</pallas_src>

<mosaic_0001>
#map = affine_map<(d0, d1) -> (0)>
#map1 = affine_map<(d0, d1) -> (0, 0, 0)>
#map2 = affine_map<(d0, d1) -> (0, 0)>
module attributes {stable_mosaic.version = 14 : i64} {
  func.func @_emb_lookup(%arg0: i32, %arg1: i32, %arg2: memref<16384xi32, #tpu.memory_space<hbm>>, %arg3: memref<4x32x768xf32, #tpu.memory_space<hbm>>, %arg4: memref<4x32xi32, #tpu.memory_space<hbm>>, %arg5: memref<16384x32x768xf32, #tpu.memory_space<hbm>>, %arg6: memref<16384x32xi32, #tpu.memory_space<hbm>>, %arg7: memref<4x32x768xf32, #tpu.memory_space<vmem>>, %arg8: memref<4x32xi32, #tpu.memory_space<vmem>>, %arg9: memref<512xi32, #tpu.memory_space<vmem>>, %arg10: memref<!tpu.dma_semaphore, #tpu.memory_space<semaphore_mem>>, %arg11: memref<!tpu.dma_semaphore, #tpu.memory_space<semaphore_mem>>, %arg12: memref<!tpu.dma_semaphore, #tpu.memory_space<semaphore_mem>>) attributes {dimension_semantics = [#tpu.dimension_semantics<core_parallel>, #tpu.dimension_semantics<subcore_parallel>], iteration_bounds = array<i64: 2, 16>, scalar_prefetch = 0 : i64, scratch_operands = 6 : i64, tpu.core_type = #tpu.core_type<sc_vector_subcore>, window_params = [{transform_indices = #map}, {transform_indices = #map1}, {transform_indices = #map2}, {transform_indices = #map1}, {transform_indices = #map2}]} {
    %mul3A = arith.constant 2 : i32
    %mul3A_0 = arith.muli %arg1, %mul3A : i32
    %add3A = arith.addi %mul3A_0, %arg0 : i32
    %mul3A_1 = arith.constant 512 : i32
    %mul3A_2 = arith.muli %add3A, %mul3A_1 : i32
    tpu.enqueue_dma source(%arg3 : memref<4x32x768xf32, #tpu.memory_space<hbm>>) target(%arg7 : memref<4x32x768xf32, #tpu.memory_space<vmem>>) target_semaphore(%arg10 : memref<!tpu.dma_semaphore, #tpu.memory_space<semaphore_mem>>)
    tpu.enqueue_dma source(%arg4 : memref<4x32xi32, #tpu.memory_space<hbm>>) target(%arg8 : memref<4x32xi32, #tpu.memory_space<vmem>>) target_semaphore(%arg10 : memref<!tpu.dma_semaphore, #tpu.memory_space<semaphore_mem>>)
    %dma_start3A = tpu.memref_slice %arg2[%mul3A_2] : memref<16384xi32, #tpu.memory_space<hbm>> -> memref<512xi32, #tpu.memory_space<hbm>>
    %dma_start3A_3 = tpu.memref_slice %arg2[%mul3A_2] : memref<16384xi32, #tpu.memory_space<hbm>> -> memref<512xi32, #tpu.memory_space<hbm>>
    tpu.enqueue_dma source(%dma_start3A_3 : memref<512xi32, #tpu.memory_space<hbm>>) target(%arg9 : memref<512xi32, #tpu.memory_space<vmem>>) target_semaphore(%arg10 : memref<!tpu.dma_semaphore, #tpu.memory_space<semaphore_mem>>)
    tpu.wait_dma2 semaphore(%arg10 : memref<!tpu.dma_semaphore, #tpu.memory_space<semaphore_mem>>) src(%arg3 : memref<4x32x768xf32, #tpu.memory_space<hbm>>) dst(%arg7 : memref<4x32x768xf32, #tpu.memory_space<vmem>>)
    tpu.wait_dma2 semaphore(%arg10 : memref<!tpu.dma_semaphore, #tpu.memory_space<semaphore_mem>>) src(%arg4 : memref<4x32xi32, #tpu.memory_space<hbm>>) dst(%arg8 : memref<4x32xi32, #tpu.memory_space<vmem>>)
    %dma_wait3A = tpu.memref_slice %arg2[%mul3A_2] : memref<16384xi32, #tpu.memory_space<hbm>> -> memref<512xi32, #tpu.memory_space<hbm>>
    %dma_wait3A_4 = tpu.memref_slice %arg2[%mul3A_2] : memref<16384xi32, #tpu.memory_space<hbm>> -> memref<512xi32, #tpu.memory_space<hbm>>
    tpu.wait_dma2 semaphore(%arg10 : memref<!tpu.dma_semaphore, #tpu.memory_space<semaphore_mem>>) src(%dma_wait3A_4 : memref<512xi32, #tpu.memory_space<hbm>>) dst(%arg9 : memref<512xi32, #tpu.memory_space<vmem>>)
    %scan3A = arith.constant 0 : i32
    %scan3A_5 = arith.constant 0 : i32
    %scan3A_6 = arith.constant 32 : i32
    %scan3A_7 = arith.addi %scan3A_5, %scan3A_6 : i32
    %scan3A_8 = arith.constant 1 : i32
    scf.for %scan3A_522 = %scan3A_5 to %scan3A_7 step %scan3A_8  : i32 {
      %mul3A_523 = arith.constant 16 : i32
      %mul3A_524 = arith.muli %scan3A_522, %mul3A_523 : i32
      %get3A = arith.index_cast %mul3A_524 : i32 to index
      %get3A_525 = tpu.vector_load %arg9[%get3A] {strides = array<i32>} : memref<512xi32, #tpu.memory_space<vmem>>, vector<16xi32>,
      %get3A_526 = vector.shape_cast %get3A_525 : vector<16xi32> to vector<16xi32>
      %slice3A = vector.extract_strided_slice %get3A_526 {offsets = [0], sizes = [1], strides = [1]} : vector<16xi32> to vector<1xi32>
      %squeeze3A = vector.extract %slice3A[0] : i32 from vector<1xi32>
      %mul3A_527 = arith.constant 16 : i32
      %mul3A_528 = arith.muli %scan3A_522, %mul3A_527 : i32
      %add3A_529 = arith.constant 0 : i32
      %add3A_530 = arith.addi %mul3A_528, %add3A_529 : i32
      %add3A_531 = arith.addi %mul3A_2, %add3A_530 : i32
      %dma_start3A_532 = arith.constant 0 : i32
      %dma_start3A_533 = arith.constant 0 : i32
      %dma_start3A_534 = tpu.memref_slice %arg7[%squeeze3A, %dma_start3A_532, %dma_start3A_533] : memref<4x32x768xf32, #tpu.memory_space<vmem>> -> memref<1x32x768xf32, #tpu.memory_space<vmem>>
      %dma_start3A_535 = tpu.memref_squeeze %dma_start3A_534 : memref<1x32x768xf32, #tpu.memory_space<vmem>> -> memref<32x768xf32, #tpu.memory_space<vmem>>
      %dma_start3A_536 = arith.constant 0 : i32
      %dma_start3A_537 = arith.constant 0 : i32
      %dma_start3A_538 = tpu.memref_slice %arg5[%add3A_531, %dma_start3A_536, %dma_start3A_537] : memref<16384x32x768xf32, #tpu.memory_space<hbm>> -> memref<1x32x768xf32, #tpu.memory_space<hbm>>
      %dma_start3A_539 = tpu.memref_squeeze %dma_start3A_538 : memref<1x32x768xf32, #tpu.memory_space<hbm>> -> memref<32x768xf32, #tpu.memory_space<hbm>>
      %dma_start3A_540 = arith.constant 0 : i32
      %dma_start3A_541 = arith.constant 0 : i32
      %dma_start3A_542 = tpu.memref_slice %arg5[%add3A_531, %dma_start3A_540, %dma_start3A_541] : memref<16384x32x768xf32, #tpu.memory_space<hbm>> -> memref<1x32x768xf32, #tpu.memory_space<hbm>>
      %dma_start3A_543 = tpu.memref_squeeze %dma_start3A_542 : memref<1x32x768xf32, #tpu.memory_space<hbm>> -> memref<32x768xf32, #tpu.memory_space<hbm>>
      %dma_start3A_544 = arith.constant 0 : i32
      %dma_start3A_545 = arith.constant 0 : i32
      %dma_start3A_546 = tpu.memref_slice %arg7[%squeeze3A, %dma_start3A_544, %dma_start3A_545] : memref<4x32x768xf32, #tpu.memory_space<vmem>> -> memref<1x32x768xf32, #tpu.memory_space<vmem>>
      %dma_start3A_547 = tpu.memref_squeeze %dma_start3A_546 : memref<1x32x768xf32, #tpu.memory_space<vmem>> -> memref<32x768xf32, #tpu.memory_space<vmem>>
      tpu.enqueue_dma source(%dma_start3A_547 : memref<32x768xf32, #tpu.memory_space<vmem>>) target(%dma_start3A_543 : memref<32x768xf32, #tpu.memory_space<hbm>>) target_semaphore(%arg11 : memref<!tpu.dma_semaphore, #tpu.memory_space<semaphore_mem>>)
      %add3A_548 = arith.addi %mul3A_2, %add3A_530 : i32
      %dma_start3A_549 = arith.constant 0 : i32
      %dma_start3A_550 = tpu.memref_slice %arg8[%squeeze3A, %dma_start3A_549] : memref<4x32xi32, #tpu.memory_space<vmem>> -> memref<1x32xi32, #tpu.memory_space<vmem>>
      %dma_start3A_551 = tpu.memref_squeeze %dma_start3A_550 : memref<1x32xi32, #tpu.memory_space<vmem>> -> memref<32xi32, #tpu.memory_space<vmem>>
      %dma_start3A_552 = arith.constant 0 : i32
      %dma_start3A_553 = tpu.memref_slice %arg6[%add3A_548, %dma_start3A_552] : memref<16384x32xi32, #tpu.memory_space<hbm>> -> memref<1x32xi32, #tpu.memory_space<hbm>>
      %dma_start3A_554 = tpu.memref_squeeze %dma_start3A_553 : memref<1x32xi32, #tpu.memory_space<hbm>> -> memref<32xi32, #tpu.memory_space<hbm>>
      %dma_start3A_555 = arith.constant 0 : i32
      %dma_start3A_556 = tpu.memref_slice %arg6[%add3A_548, %dma_start3A_555] : memref<16384x32xi32, #tpu.memory_space<hbm>> -> memref<1x32xi32, #tpu.memory_space<hbm>>
      %dma_start3A_557 = tpu.memref_squeeze %dma_start3A_556 : memref<1x32xi32, #tpu.memory_space<hbm>> -> memref<32xi32, #tpu.memory_space<hbm>>
      %dma_start3A_558 = arith.constant 0 : i32
      %dma_start3A_559 = tpu.memref_slice %arg8[%squeeze3A, %dma_start3A_558] : memref<4x32xi32, #tpu.memory_space<vmem>> -> memref<1x32xi32, #tpu.memory_space<vmem>>
      %dma_start3A_560 = tpu.memref_squeeze %dma_start3A_559 : memref<1x32xi32, #tpu.memory_space<vmem>> -> memref<32xi32, #tpu.memory_space<vmem>>
      tpu.enqueue_dma source(%dma_start3A_560 : memref<32xi32, #tpu.memory_space<vmem>>) target(%dma_start3A_557 : memref<32xi32, #tpu.memory_space<hbm>>) target_semaphore(%arg12 : memref<!tpu.dma_semaphore, #tpu.memory_space<semaphore_mem>>)
      %slice3A_561 = vector.extract_strided_slice %get3A_526 {offsets = [1], sizes = [1], strides = [1]} : vector<16xi32> to vector<1xi32>
      %squeeze3A_562 = vector.extract %slice3A_561[0] : i32 from vector<1xi32>
      %mul3A_563 = arith.constant 16 : i32
      %mul3A_564 = arith.muli %scan3A_522, %mul3A_563 : i32
      %add3A_565 = arith.constant 1 : i32
      %add3A_566 = arith.addi %mul3A_564, %add3A_565 : i32
      %add3A_567 = arith.addi %mul3A_2, %add3A_566 : i32
      %dma_start3A_568 = arith.constant 0 : i32
      %dma_start3A_569 = arith.constant 0 : i32
      %dma_start3A_570 = tpu.memref_slice %arg7[%squeeze3A_562, %dma_start3A_568, %dma_start3A_569] : memref<4x32x768xf32, #tpu.memory_space<vmem>> -> memref<1x32x768xf32, #tpu.memory_space<vmem>>
      %dma_start3A_571 = tpu.memref_squeeze %dma_start3A_570 : memref<1x32x768xf32, #tpu.memory_space<vmem>> -> memref<32x768xf32, #tpu.memory_space<vmem>>
      %dma_start3A_572 = arith.constant 0 : i32
      %dma_start3A_573 = arith.constant 0 : i32
      %dma_start3A_574 = tpu.memref_slice %arg5[%add3A_567, %dma_start3A_572, %dma_start3A_573] : memref<16384x32x768xf32, #tpu.memory_space<hbm>> -> memref<1x32x768xf32, #tpu.memory_space<hbm>>
      %dma_start3A_575 = tpu.memref_squeeze %dma_start3A_574 : memref<1x32x768xf32, #tpu.memory_space<hbm>> -> memref<32x768xf32, #tpu.memory_space<hbm>>
      %dma_start3A_576 = arith.constant 0 : i32
      %dma_start3A_577 = arith.constant 0 : i32
      %dma_start3A_578 = tpu.memref_slice %arg5[%add3A_567, %dma_start3A_576, %dma_start3A_577] : memref<16384x32x768xf32, #tpu.memory_space<hbm>> -> memref<1x32x768xf32, #tpu.memory_space<hbm>>
      %dma_start3A_579 = tpu.memref_squeeze %dma_start3A_578 : memref<1x32x768xf32, #tpu.memory_space<hbm>> -> memref<32x768xf32, #tpu.memory_space<hbm>>
      %dma_start3A_580 = arith.constant 0 : i32
      %dma_start3A_581 = arith.constant 0 : i32
      %dma_start3A_582 = tpu.memref_slice %arg7[%squeeze3A_562, %dma_start3A_580, %dma_start3A_581] : memref<4x32x768xf32, #tpu.memory_space<vmem>> -> memref<1x32x768xf32, #tpu.memory_space<vmem>>
      %dma_start3A_583 = tpu.memref_squeeze %dma_start3A_582 : memref<1x32x768xf32, #tpu.memory_space<vmem>> -> memref<32x768xf32, #tpu.memory_space<vmem>>
      tpu.enqueue_dma source(%dma_start3A_583 : memref<32x768xf32, #tpu.memory_space<vmem>>) target(%dma_start3A_579 : memref<32x768xf32, #tpu.memory_space<hbm>>) target_semaphore(%arg11 : memref<!tpu.dma_semaphore, #tpu.memory_space<semaphore_mem>>)
      %add3A_584 = arith.addi %mul3A_2, %add3A_566 : i32
      %dma_start3A_585 = arith.constant 0 : i32
      %dma_start3A_586 = tpu.memref_slice %arg8[%squeeze3A_562, %dma_start3A_585] : memref<4x32xi32, #tpu.memory_space<vmem>> -> memref<1x32xi32, #tpu.memory_space<vmem>>
      %dma_start3A_587 = tpu.memref_squeeze %dma_start3A_586 : memref<1x32xi32, #tpu.memory_space<vmem>> -> memref<32xi32, #tpu.memory_space<vmem>>
      %dma_start3A_588 = arith.constant 0 : i32
      %dma_start3A_589 = tpu.memref_slice %arg6[%add3A_584, %dma_start3A_588] : memref<16384x32xi32, #tpu.memory_space<hbm>> -> memref<1x32xi32, #tpu.memory_space<hbm>>
      %dma_start3A_590 = tpu.memref_squeeze %dma_start3A_589 : memref<1x32xi32, #tpu.memory_space<hbm>> -> memref<32xi32, #tpu.memory_space<hbm>>
      %dma_start3A_591 = arith.constant 0 : i32
      %dma_start3A_592 = tpu.memref_slice %arg6[%add3A_584, %dma_start3A_591] : memref<16384x32xi32, #tpu.memory_space<hbm>> -> memref<1x32xi32, #tpu.memory_space<hbm>>
      %dma_start3A_593 = tpu.memref_squeeze %dma_start3A_592 : memref<1x32xi32, #tpu.memory_space<hbm>> -> memref<32xi32, #tpu.memory_space<hbm>>
      %dma_start3A_594 = arith.constant 0 : i32
      %dma_start3A_595 = tpu.memref_slice %arg8[%squeeze3A_562, %dma_start3A_594] : memref<4x32xi32, #tpu.memory_space<vmem>> -> memref<1x32xi32, #tpu.memory_space<vmem>>
      %dma_start3A_596 = tpu.memref_squeeze %dma_start3A_595 : memref<1x32xi32, #tpu.memory_space<vmem>> -> memref<32xi32, #tpu.memory_space<vmem>>
      tpu.enqueue_dma source(%dma_start3A_596 : memref<32xi32, #tpu.memory_space<vmem>>) target(%dma_start3A_593 : memref<32xi32, #tpu.memory_space<hbm>>) target_semaphore(%arg12 : memref<!tpu.dma_semaphore, #tpu.memory_space<semaphore_mem>>)
      %slice3A_597 = vector.extract_strided_slice %get3A_526 {offsets = [2], sizes = [1], strides = [1]} : vector<16xi32> to vector<1xi32>
      %squeeze3A_598 = vector.extract %slice3A_597[0] : i32 from vector<1xi32>
      %mul3A_599 = arith.constant 16 : i32
      %mul3A_600 = arith.muli %scan3A_522, %mul3A_599 : i32
      %add3A_601 = arith.constant 2 : i32
      %add3A_602 = arith.addi %mul3A_600, %add3A_601 : i32
      %add3A_603 = arith.addi %mul3A_2, %add3A_602 : i32
      %dma_start3A_604 = arith.constant 0 : i32
      %dma_start3A_605 = arith.constant 0 : i32
      %dma_start3A_606 = tpu.memref_slice %arg7[%squeeze3A_598, %dma_start3A_604, %dma_start3A_605] : memref<4x32x768xf32, #tpu.memory_space<vmem>> -> memref<1x32x768xf32, #tpu.memory_space<vmem>>
      %dma_start3A_607 = tpu.memref_squeeze %dma_start3A_606 : memref<1x32x768xf32, #tpu.memory_space<vmem>> -> memref<32x768xf32, #tpu.memory_space<vmem>>
      %dma_start3A_608 = arith.constant 0 : i32
      %dma_start3A_609 = arith.constant 0 : i32
      %dma_start3A_610 = tpu.memref_slice %arg5[%add3A_603, %dma_start3A_608, %dma_start3A_609] : memref<16384x32x768xf32, #tpu.memory_space<hbm>> -> memref<1x32x768xf32, #tpu.memory_space<hbm>>
      %dma_start3A_611 = tpu.memref_squeeze %dma_start3A_610 : memref<1x32x768xf32, #tpu.memory_space<hbm>> -> memref<32x768xf32, #tpu.memory_space<hbm>>
      %dma_start3A_612 = arith.constant 0 : i32
      %dma_start3A_613 = arith.constant 0 : i32
      %dma_start3A_614 = tpu.memref_slice %arg5[%add3A_603, %dma_start3A_612, %dma_start3A_613] : memref<16384x32x768xf32, #tpu.memory_space<hbm>> -> memref<1x32x768xf32, #tpu.memory_space<hbm>>
      %dma_start3A_615 = tpu.memref_squeeze %dma_start3A_614 : memref<1x32x768xf32, #tpu.memory_space<hbm>> -> memref<32x768xf32, #tpu.memory_space<hbm>>
      %dma_start3A_616 = arith.constant 0 : i32
      %dma_start3A_617 = arith.constant 0 : i32
      %dma_start3A_618 = tpu.memref_slice %arg7[%squeeze3A_598, %dma_start3A_616, %dma_start3A_617] : memref<4x32x768xf32, #tpu.memory_space<vmem>> -> memref<1x32x768xf32, #tpu.memory_space<vmem>>
      %dma_start3A_619 = tpu.memref_squeeze %dma_start3A_618 : memref<1x32x768xf32, #tpu.memory_space<vmem>> -> memref<32x768xf32, #tpu.memory_space<vmem>>
      tpu.enqueue_dma source(%dma_start3A_619 : memref<32x768xf32, #tpu.memory_space<vmem>>) target(%dma_start3A_615 : memref<32x768xf32, #tpu.memory_space<hbm>>) target_semaphore(%arg11 : memref<!tpu.dma_semaphore, #tpu.memory_space<semaphore_mem>>)
      %add3A_620 = arith.addi %mul3A_2, %add3A_602 : i32
      %dma_start3A_621 = arith.constant 0 : i32
      %dma_start3A_622 = tpu.memref_slice %arg8[%squeeze3A_598, %dma_start3A_621] : memref<4x32xi32, #tpu.memory_space<vmem>> -> memref<1x32xi32, #tpu.memory_space<vmem>>
      %dma_start3A_623 = tpu.memref_squeeze %dma_start3A_622 : memref<1x32xi32, #tpu.memory_space<vmem>> -> memref<32xi32, #tpu.memory_space<vmem>>
      %dma_start3A_624 = arith.constant 0 : i32
      %dma_start3A_625 = tpu.memref_slice %arg6[%add3A_620, %dma_start3A_624] : memref<16384x32xi32, #tpu.memory_space<hbm>> -> memref<1x32xi32, #tpu.memory_space<hbm>>
      %dma_start3A_626 = tpu.memref_squeeze %dma_start3A_625 : memref<1x32xi32, #tpu.memory_space<hbm>> -> memref<32xi32, #tpu.memory_space<hbm>>
      %dma_start3A_627 = arith.constant 0 : i32
      %dma_start3A_628 = tpu.memref_slice %arg6[%add3A_620, %dma_start3A_627] : memref<16384x32xi32, #tpu.memory_space<hbm>> -> memref<1x32xi32, #tpu.memory_space<hbm>>
      %dma_start3A_629 = tpu.memref_squeeze %dma_start3A_628 : memref<1x32xi32, #tpu.memory_space<hbm>> -> memref<32xi32, #tpu.memory_space<hbm>>
      %dma_start3A_630 = arith.constant 0 : i32
      %dma_start3A_631 = tpu.memref_slice %arg8[%squeeze3A_598, %dma_start3A_630] : memref<4x32xi32, #tpu.memory_space<vmem>> -> memref<1x32xi32, #tpu.memory_space<vmem>>
      %dma_start3A_632 = tpu.memref_squeeze %dma_start3A_631 : memref<1x32xi32, #tpu.memory_space<vmem>> -> memref<32xi32, #tpu.memory_space<vmem>>
      tpu.enqueue_dma source(%dma_start3A_632 : memref<32xi32, #tpu.memory_space<vmem>>) target(%dma_start3A_629 : memref<32xi32, #tpu.memory_space<hbm>>) target_semaphore(%arg12 : memref<!tpu.dma_semaphore, #tpu.memory_space<semaphore_mem>>)
      %slice3A_633 = vector.extract_strided_slice %get3A_526 {offsets = [3], sizes = [1], strides = [1]} : vector<16xi32> to vector<1xi32>
      %squeeze3A_634 = vector.extract %slice3A_633[0] : i32 from vector<1xi32>
      %mul3A_635 = arith.constant 16 : i32
      %mul3A_636 = arith.muli %scan3A_522, %mul3A_635 : i32
      %add3A_637 = arith.constant 3 : i32
      %add3A_638 = arith.addi %mul3A_636, %add3A_637 : i32
      %add3A_639 = arith.addi %mul3A_2, %add3A_638 : i32
      %dma_start3A_640 = arith.constant 0 : i32
      %dma_start3A_641 = arith.constant 0 : i32
      %dma_start3A_642 = tpu.memref_slice %arg7[%squeeze3A_634, %dma_start3A_640, %dma_start3A_641] : memref<4x32x768xf32, #tpu.memory_space<vmem>> -> memref<1x32x768xf32, #tpu.memory_space<vmem>>
      %dma_start3A_643 = tpu.memref_squeeze %dma_start3A_642 : memref<1x32x768xf32, #tpu.memory_space<vmem>> -> memref<32x768xf32, #tpu.memory_space<vmem>>
      %dma_start3A_644 = arith.constant 0 : i32
      %dma_start3A_645 = arith.constant 0 : i32
      %dma_start3A_646 = tpu.memref_slice %arg5[%add3A_639, %dma_start3A_644, %dma_start3A_645] : memref<16384x32x768xf32, #tpu.memory_space<hbm>> -> memref<1x32x768xf32, #tpu.memory_space<hbm>>
      %dma_start3A_647 = tpu.memref_squeeze %dma_start3A_646 : memref<1x32x768xf32, #tpu.memory_space<hbm>> -> memref<32x768xf32, #tpu.memory_space<hbm>>
      %dma_start3A_648 = arith.constant 0 : i32
      %dma_start3A_649 = arith.constant 0 : i32
      %dma_start3A_650 = tpu.memref_slice %arg5[%add3A_639, %dma_start3A_648, %dma_start3A_649] : memref<16384x32x768xf32, #tpu.memory_space<hbm>> -> memref<1x32x768xf32, #tpu.memory_space<hbm>>
      %dma_start3A_651 = tpu.memref_squeeze %dma_start3A_650 : memref<1x32x768xf32, #tpu.memory_space<hbm>> -> memref<32x768xf32, #tpu.memory_space<hbm>>
      %dma_start3A_652 = arith.constant 0 : i32
      %dma_start3A_653 = arith.constant 0 : i32
      %dma_start3A_654 = tpu.memref_slice %arg7[%squeeze3A_634, %dma_start3A_652, %dma_start3A_653] : memref<4x32x768xf32, #tpu.memory_space<vmem>> -> memref<1x32x768xf32, #tpu.memory_space<vmem>>
      %dma_start3A_655 = tpu.memref_squeeze %dma_start3A_654 : memref<1x32x768xf32, #tpu.memory_space<vmem>> -> memref<32x768xf32, #tpu.memory_space<vmem>>
      tpu.enqueue_dma source(%dma_start3A_655 : memref<32x768xf32, #tpu.memory_space<vmem>>) target(%dma_start3A_651 : memref<32x768xf32, #tpu.memory_space<hbm>>) target_semaphore(%arg11 : memref<!tpu.dma_semaphore, #tpu.memory_space<semaphore_mem>>)
      %add3A_656 = arith.addi %mul3A_2, %add3A_638 : i32
      %dma_start3A_657 = arith.constant 0 : i32
      %dma_start3A_658 = tpu.memref_slice %arg8[%squeeze3A_634, %dma_start3A_657] : memref<4x32xi32, #tpu.memory_space<vmem>> -> memref<1x32xi32, #tpu.memory_space<vmem>>
      %dma_start3A_659 = tpu.memref_squeeze %dma_start3A_658 : memref<1x32xi32, #tpu.memory_space<vmem>> -> memref<32xi32, #tpu.memory_space<vmem>>
      %dma_start3A_660 = arith.constant 0 : i32
      %dma_start3A_661 = tpu.memref_slice %arg6[%add3A_656, %dma_start3A_660] : memref<16384x32xi32, #tpu.memory_space<hbm>> -> memref<1x32xi32, #tpu.memory_space<hbm>>
      %dma_start3A_662 = tpu.memref_squeeze %dma_start3A_661 : memref<1x32xi32, #tpu.memory_space<hbm>> -> memref<32xi32, #tpu.memory_space<hbm>>
      %dma_start3A_663 = arith.constant 0 : i32
      %dma_start3A_664 = tpu.memref_slice %arg6[%add3A_656, %dma_start3A_663] : memref<16384x32xi32, #tpu.memory_space<hbm>> -> memref<1x32xi32, #tpu.memory_space<hbm>>
      %dma_start3A_665 = tpu.memref_squeeze %dma_start3A_664 : memref<1x32xi32, #tpu.memory_space<hbm>> -> memref<32xi32, #tpu.memory_space<hbm>>
      %dma_start3A_666 = arith.constant 0 : i32
      %dma_start3A_667 = tpu.memref_slice %arg8[%squeeze3A_634, %dma_start3A_666] : memref<4x32xi32, #tpu.memory_space<vmem>> -> memref<1x32xi32, #tpu.memory_space<vmem>>
      %dma_start3A_668 = tpu.memref_squeeze %dma_start3A_667 : memref<1x32xi32, #tpu.memory_space<vmem>> -> memref<32xi32, #tpu.memory_space<vmem>>
      tpu.enqueue_dma source(%dma_start3A_668 : memref<32xi32, #tpu.memory_space<vmem>>) target(%dma_start3A_665 : memref<32xi32, #tpu.memory_space<hbm>>) target_semaphore(%arg12 : memref<!tpu.dma_semaphore, #tpu.memory_space<semaphore_mem>>)
      %slice3A_669 = vector.extract_strided_slice %get3A_526 {offsets = [4], sizes = [1], strides = [1]} : vector<16xi32> to vector<1xi32>
      %squeeze3A_670 = vector.extract %slice3A_669[0] : i32 from vector<1xi32>
      %mul3A_671 = arith.constant 16 : i32
      %mul3A_672 = arith.muli %scan3A_522, %mul3A_671 : i32
      %add3A_673 = arith.constant 4 : i32
      %add3A_674 = arith.addi %mul3A_672, %add3A_673 : i32
      %add3A_675 = arith.addi %mul3A_2, %add3A_674 : i32
      %dma_start3A_676 = arith.constant 0 : i32
      %dma_start3A_677 = arith.constant 0 : i32
      %dma_start3A_678 = tpu.memref_slice %arg7[%squeeze3A_670, %dma_start3A_676, %dma_start3A_677] : memref<4x32x768xf32, #tpu.memory_space<vmem>> -> memref<1x32x768xf32, #tpu.memory_space<vmem>>
      %dma_start3A_679 = tpu.memref_squeeze %dma_start3A_678 : memref<1x32x768xf32, #tpu.memory_space<vmem>> -> memref<32x768xf32, #tpu.memory_space<vmem>>
      %dma_start3A_680 = arith.constant 0 : i32
      %dma_start3A_681 = arith.constant 0 : i32
      %dma_start3A_682 = tpu.memref_slice %arg5[%add3A_675, %dma_start3A_680, %dma_start3A_681] : memref<16384x32x768xf32, #tpu.memory_space<hbm>> -> memref<1x32x768xf32, #tpu.memory_space<hbm>>
      %dma_start3A_683 = tpu.memref_squeeze %dma_start3A_682 : memref<1x32x768xf32, #tpu.memory_space<hbm>> -> memref<32x768xf32, #tpu.memory_space<hbm>>
      %dma_start3A_684 = arith.constant 0 : i32
      %dma_start3A_685 = arith.constant 0 : i32
      %dma_start3A_686 = tpu.memref_slice %arg5[%add3A_675, %dma_start3A_684, %dma_start3A_685] : memref<16384x32x768xf32, #tpu.memory_space<hbm>> -> memref<1x32x768xf32, #tpu.memory_space<hbm>>
      %dma_start3A_687 = tpu.memref_squeeze %dma_start3A_686 : memref<1x32x768xf32, #tpu.memory_space<hbm>> -> memref<32x768xf32, #tpu.memory_space<hbm>>
      %dma_start3A_688 = arith.constant 0 : i32
      %dma_start3A_689 = arith.constant 0 : i32
      %dma_start3A_690 = tpu.memref_slice %arg7[%squeeze3A_670, %dma_start3A_688, %dma_start3A_689] : memref<4x32x768xf32, #tpu.memory_space<vmem>> -> memref<1x32x768xf32, #tpu.memory_space<vmem>>
      %dma_start3A_691 = tpu.memref_squeeze %dma_start3A_690 : memref<1x32x768xf32, #tpu.memory_space<vmem>> -> memref<32x768xf32, #tpu.memory_space<vmem>>
      tpu.enqueue_dma source(%dma_start3A_691 : memref<32x768xf32, #tpu.memory_space<vmem>>) target(%dma_start3A_687 : memref<32x768xf32, #tpu.memory_space<hbm>>) target_semaphore(%arg11 : memref<!tpu.dma_semaphore, #tpu.memory_space<semaphore_mem>>)
      %add3A_692 = arith.addi %mul3A_2, %add3A_674 : i32
      %dma_start3A_693 = arith.constant 0 : i32
      %dma_start3A_694 = tpu.memref_slice %arg8[%squeeze3A_670, %dma_start3A_693] : memref<4x32xi32, #tpu.memory_space<vmem>> -> memref<1x32xi32, #tpu.memory_space<vmem>>
      %dma_start3A_695 = tpu.memref_squeeze %dma_start3A_694 : memref<1x32xi32, #tpu.memory_space<vmem>> -> memref<32xi32, #tpu.memory_space<vmem>>
      %dma_start3A_696 = arith.constant 0 : i32
      %dma_start3A_697 = tpu.memref_slice %arg6[%add3A_692, %dma_start3A_696] : memref<16384x32xi32, #tpu.memory_space<hbm>> -> memref<1x32xi32, #tpu.memory_space<hbm>>
      %dma_start3A_698 = tpu.memref_squeeze %dma_start3A_697 : memref<1x32xi32, #tpu.memory_space<hbm>> -> memref<32xi32, #tpu.memory_space<hbm>>
      %dma_start3A_699 = arith.constant 0 : i32
      %dma_start3A_700 = tpu.memref_slice %arg6[%add3A_692, %dma_start3A_699] : memref<16384x32xi32, #tpu.memory_space<hbm>> -> memref<1x32xi32, #tpu.memory_space<hbm>>
      %dma_start3A_701 = tpu.memref_squeeze %dma_start3A_700 : memref<1x32xi32, #tpu.memory_space<hbm>> -> memref<32xi32, #tpu.memory_space<hbm>>
      %dma_start3A_702 = arith.constant 0 : i32
      %dma_start3A_703 = tpu.memref_slice %arg8[%squeeze3A_670, %dma_start3A_702] : memref<4x32xi32, #tpu.memory_space<vmem>> -> memref<1x32xi32, #tpu.memory_space<vmem>>
      %dma_start3A_704 = tpu.memref_squeeze %dma_start3A_703 : memref<1x32xi32, #tpu.memory_space<vmem>> -> memref<32xi32, #tpu.memory_space<vmem>>
      tpu.enqueue_dma source(%dma_start3A_704 : memref<32xi32, #tpu.memory_space<vmem>>) target(%dma_start3A_701 : memref<32xi32, #tpu.memory_space<hbm>>) target_semaphore(%arg12 : memref<!tpu.dma_semaphore, #tpu.memory_space<semaphore_mem>>)
      %slice3A_705 = vector.extract_strided_slice %get3A_526 {offsets = [5], sizes = [1], strides = [1]} : vector<16xi32> to vector<1xi32>
      %squeeze3A_706 = vector.extract %slice3A_705[0] : i32 from vector<1xi32>
      %mul3A_707 = arith.constant 16 : i32
      %mul3A_708 = arith.muli %scan3A_522, %mul3A_707 : i32
      %add3A_709 = arith.constant 5 : i32
      %add3A_710 = arith.addi %mul3A_708, %add3A_709 : i32
      %add3A_711 = arith.addi %mul3A_2, %add3A_710 : i32
      %dma_start3A_712 = arith.constant 0 : i32
      %dma_start3A_713 = arith.constant 0 : i32
      %dma_start3A_714 = tpu.memref_slice %arg7[%squeeze3A_706, %dma_start3A_712, %dma_start3A_713] : memref<4x32x768xf32, #tpu.memory_space<vmem>> -> memref<1x32x768xf32, #tpu.memory_space<vmem>>
      %dma_start3A_715 = tpu.memref_squeeze %dma_start3A_714 : memref<1x32x768xf32, #tpu.memory_space<vmem>> -> memref<32x768xf32, #tpu.memory_space<vmem>>
      %dma_start3A_716 = arith.constant 0 : i32
      %dma_start3A_717 = arith.constant 0 : i32
      %dma_start3A_718 = tpu.memref_slice %arg5[%add3A_711, %dma_start3A_716, %dma_start3A_717] : memref<16384x32x768xf32, #tpu.memory_space<hbm>> -> memref<1x32x768xf32, #tpu.memory_space<hbm>>
      %dma_start3A_719 = tpu.memref_squeeze %dma_start3A_718 : memref<1x32x768xf32, #tpu.memory_space<hbm>> -> memref<32x768xf32, #tpu.memory_space<hbm>>
      %dma_start3A_720 = arith.constant 0 : i32
      %dma_start3A_721 = arith.constant 0 : i32
      %dma_start3A_722 = tpu.memref_slice %arg5[%add3A_711, %dma_start3A_720, %dma_start3A_721] : memref<16384x32x768xf32, #tpu.memory_space<hbm>> -> memref<1x32x768xf32, #tpu.memory_space<hbm>>
      %dma_start3A_723 = tpu.memref_squeeze %dma_start3A_722 : memref<1x32x768xf32, #tpu.memory_space<hbm>> -> memref<32x768xf32, #tpu.memory_space<hbm>>
      %dma_start3A_724 = arith.constant 0 : i32
      %dma_start3A_725 = arith.constant 0 : i32
      %dma_start3A_726 = tpu.memref_slice %arg7[%squeeze3A_706, %dma_start3A_724, %dma_start3A_725] : memref<4x32x768xf32, #tpu.memory_space<vmem>> -> memref<1x32x768xf32, #tpu.memory_space<vmem>>
      %dma_start3A_727 = tpu.memref_squeeze %dma_start3A_726 : memref<1x32x768xf32, #tpu.memory_space<vmem>> -> memref<32x768xf32, #tpu.memory_space<vmem>>
      tpu.enqueue_dma source(%dma_start3A_727 : memref<32x768xf32, #tpu.memory_space<vmem>>) target(%dma_start3A_723 : memref<32x768xf32, #tpu.memory_space<hbm>>) target_semaphore(%arg11 : memref<!tpu.dma_semaphore, #tpu.memory_space<semaphore_mem>>)
      %add3A_728 = arith.addi %mul3A_2, %add3A_710 : i32
      %dma_start3A_729 = arith.constant 0 : i32
      %dma_start3A_730 = tpu.memref_slice %arg8[%squeeze3A_706, %dma_start3A_729] : memref<4x32xi32, #tpu.memory_space<vmem>> -> memref<1x32xi32, #tpu.memory_space<vmem>>
      %dma_start3A_731 = tpu.memref_squeeze %dma_start3A_730 : memref<1x32xi32, #tpu.memory_space<vmem>> -> memref<32xi32, #tpu.memory_space<vmem>>
      %dma_start3A_732 = arith.constant 0 : i32
      %dma_start3A_733 = tpu.memref_slice %arg6[%add3A_728, %dma_start3A_732] : memref<16384x32xi32, #tpu.memory_space<hbm>> -> memref<1x32xi32, #tpu.memory_space<hbm>>
      %dma_start3A_734 = tpu.memref_squeeze %dma_start3A_733 : memref<1x32xi32, #tpu.memory_space<hbm>> -> memref<32xi32, #tpu.memory_space<hbm>>
      %dma_start3A_735 = arith.constant 0 : i32
      %dma_start3A_736 = tpu.memref_slice %arg6[%add3A_728, %dma_start3A_735] : memref<16384x32xi32, #tpu.memory_space<hbm>> -> memref<1x32xi32, #tpu.memory_space<hbm>>
      %dma_start3A_737 = tpu.memref_squeeze %dma_start3A_736 : memref<1x32xi32, #tpu.memory_space<hbm>> -> memref<32xi32, #tpu.memory_space<hbm>>
      %dma_start3A_738 = arith.constant 0 : i32
      %dma_start3A_739 = tpu.memref_slice %arg8[%squeeze3A_706, %dma_start3A_738] : memref<4x32xi32, #tpu.memory_space<vmem>> -> memref<1x32xi32, #tpu.memory_space<vmem>>
      %dma_start3A_740 = tpu.memref_squeeze %dma_start3A_739 : memref<1x32xi32, #tpu.memory_space<vmem>> -> memref<32xi32, #tpu.memory_space<vmem>>
      tpu.enqueue_dma source(%dma_start3A_740 : memref<32xi32, #tpu.memory_space<vmem>>) target(%dma_start3A_737 : memref<32xi32, #tpu.memory_space<hbm>>) target_semaphore(%arg12 : memref<!tpu.dma_semaphore, #tpu.memory_space<semaphore_mem>>)
      %slice3A_741 = vector.extract_strided_slice %get3A_526 {offsets = [6], sizes = [1], strides = [1]} : vector<16xi32> to vector<1xi32>
      %squeeze3A_742 = vector.extract %slice3A_741[0] : i32 from vector<1xi32>
      %mul3A_743 = arith.constant 16 : i32
      %mul3A_744 = arith.muli %scan3A_522, %mul3A_743 : i32
      %add3A_745 = arith.constant 6 : i32
      %add3A_746 = arith.addi %mul3A_744, %add3A_745 : i32
      %add3A_747 = arith.addi %mul3A_2, %add3A_746 : i32
      %dma_start3A_748 = arith.constant 0 : i32
      %dma_start3A_749 = arith.constant 0 : i32
      %dma_start3A_750 = tpu.memref_slice %arg7[%squeeze3A_742, %dma_start3A_748, %dma_start3A_749] : memref<4x32x768xf32, #tpu.memory_space<vmem>> -> memref<1x32x768xf32, #tpu.memory_space<vmem>>
      %dma_start3A_751 = tpu.memref_squeeze %dma_start3A_750 : memref<1x32x768xf32, #tpu.memory_space<vmem>> -> memref<32x768xf32, #tpu.memory_space<vmem>>
      %dma_start3A_752 = arith.constant 0 : i32
      %dma_start3A_753 = arith.constant 0 : i32
      %dma_start3A_754 = tpu.memref_slice %arg5[%add3A_747, %dma_start3A_752, %dma_start3A_753] : memref<16384x32x768xf32, #tpu.memory_space<hbm>> -> memref<1x32x768xf32, #tpu.memory_space<hbm>>
      %dma_start3A_755 = tpu.memref_squeeze %dma_start3A_754 : memref<1x32x768xf32, #tpu.memory_space<hbm>> -> memref<32x768xf32, #tpu.memory_space<hbm>>
      %dma_start3A_756 = arith.constant 0 : i32
      %dma_start3A_757 = arith.constant 0 : i32
      %dma_start3A_758 = tpu.memref_slice %arg5[%add3A_747, %dma_start3A_756, %dma_start3A_757] : memref<16384x32x768xf32, #tpu.memory_space<hbm>> -> memref<1x32x768xf32, #tpu.memory_space<hbm>>
      %dma_start3A_759 = tpu.memref_squeeze %dma_start3A_758 : memref<1x32x768xf32, #tpu.memory_space<hbm>> -> memref<32x768xf32, #tpu.memory_space<hbm>>
      %dma_start3A_760 = arith.constant 0 : i32
      %dma_start3A_761 = arith.constant 0 : i32
      %dma_start3A_762 = tpu.memref_slice %arg7[%squeeze3A_742, %dma_start3A_760, %dma_start3A_761] : memref<4x32x768xf32, #tpu.memory_space<vmem>> -> memref<1x32x768xf32, #tpu.memory_space<vmem>>
      %dma_start3A_763 = tpu.memref_squeeze %dma_start3A_762 : memref<1x32x768xf32, #tpu.memory_space<vmem>> -> memref<32x768xf32, #tpu.memory_space<vmem>>
      tpu.enqueue_dma source(%dma_start3A_763 : memref<32x768xf32, #tpu.memory_space<vmem>>) target(%dma_start3A_759 : memref<32x768xf32, #tpu.memory_space<hbm>>) target_semaphore(%arg11 : memref<!tpu.dma_semaphore, #tpu.memory_space<semaphore_mem>>)
      %add3A_764 = arith.addi %mul3A_2, %add3A_746 : i32
      %dma_start3A_765 = arith.constant 0 : i32
      %dma_start3A_766 = tpu.memref_slice %arg8[%squeeze3A_742, %dma_start3A_765] : memref<4x32xi32, #tpu.memory_space<vmem>> -> memref<1x32xi32, #tpu.memory_space<vmem>>
      %dma_start3A_767 = tpu.memref_squeeze %dma_start3A_766 : memref<1x32xi32, #tpu.memory_space<vmem>> -> memref<32xi32, #tpu.memory_space<vmem>>
      %dma_start3A_768 = arith.constant 0 : i32
      %dma_start3A_769 = tpu.memref_slice %arg6[%add3A_764, %dma_start3A_768] : memref<16384x32xi32, #tpu.memory_space<hbm>> -> memref<1x32xi32, #tpu.memory_space<hbm>>
      %dma_start3A_770 = tpu.memref_squeeze %dma_start3A_769 : memref<1x32xi32, #tpu.memory_space<hbm>> -> memref<32xi32, #tpu.memory_space<hbm>>
      %dma_start3A_771 = arith.constant 0 : i32
      %dma_start3A_772 = tpu.memref_slice %arg6[%add3A_764, %dma_start3A_771] : memref<16384x32xi32, #tpu.memory_space<hbm>> -> memref<1x32xi32, #tpu.memory_space<hbm>>
      %dma_start3A_773 = tpu.memref_squeeze %dma_start3A_772 : memref<1x32xi32, #tpu.memory_space<hbm>> -> memref<32xi32, #tpu.memory_space<hbm>>
      %dma_start3A_774 = arith.constant 0 : i32
      %dma_start3A_775 = tpu.memref_slice %arg8[%squeeze3A_742, %dma_start3A_774] : memref<4x32xi32, #tpu.memory_space<vmem>> -> memref<1x32xi32, #tpu.memory_space<vmem>>
      %dma_start3A_776 = tpu.memref_squeeze %dma_start3A_775 : memref<1x32xi32, #tpu.memory_space<vmem>> -> memref<32xi32, #tpu.memory_space<vmem>>
      tpu.enqueue_dma source(%dma_start3A_776 : memref<32xi32, #tpu.memory_space<vmem>>) target(%dma_start3A_773 : memref<32xi32, #tpu.memory_space<hbm>>) target_semaphore(%arg12 : memref<!tpu.dma_semaphore, #tpu.memory_space<semaphore_mem>>)
      %slice3A_777 = vector.extract_strided_slice %get3A_526 {offsets = [7], sizes = [1], strides = [1]} : vector<16xi32> to vector<1xi32>
      %squeeze3A_778 = vector.extract %slice3A_777[0] : i32 from vector<1xi32>
      %mul3A_779 = arith.constant 16 : i32
      %mul3A_780 = arith.muli %scan3A_522, %mul3A_779 : i32
      %add3A_781 = arith.constant 7 : i32
      %add3A_782 = arith.addi %mul3A_780, %add3A_781 : i32
      %add3A_783 = arith.addi %mul3A_2, %add3A_782 : i32
      %dma_start3A_784 = arith.constant 0 : i32
      %dma_start3A_785 = arith.constant 0 : i32
      %dma_start3A_786 = tpu.memref_slice %arg7[%squeeze3A_778, %dma_start3A_784, %dma_start3A_785] : memref<4x32x768xf32, #tpu.memory_space<vmem>> -> memref<1x32x768xf32, #tpu.memory_space<vmem>>
      %dma_start3A_787 = tpu.memref_squeeze %dma_start3A_786 : memref<1x32x768xf32, #tpu.memory_space<vmem>> -> memref<32x768xf32, #tpu.memory_space<vmem>>
      %dma_start3A_788 = arith.constant 0 : i32
      %dma_start3A_789 = arith.constant 0 : i32
      %dma_start3A_790 = tpu.memref_slice %arg5[%add3A_783, %dma_start3A_788, %dma_start3A_789] : memref<16384x32x768xf32, #tpu.memory_space<hbm>> -> memref<1x32x768xf32, #tpu.memory_space<hbm>>
      %dma_start3A_791 = tpu.memref_squeeze %dma_start3A_790 : memref<1x32x768xf32, #tpu.memory_space<hbm>> -> memref<32x768xf32, #tpu.memory_space<hbm>>
      %dma_start3A_792 = arith.constant 0 : i32
      %dma_start3A_793 = arith.constant 0 : i32
      %dma_start3A_794 = tpu.memref_slice %arg5[%add3A_783, %dma_start3A_792, %dma_start3A_793] : memref<16384x32x768xf32, #tpu.memory_space<hbm>> -> memref<1x32x768xf32, #tpu.memory_space<hbm>>
      %dma_start3A_795 = tpu.memref_squeeze %dma_start3A_794 : memref<1x32x768xf32, #tpu.memory_space<hbm>> -> memref<32x768xf32, #tpu.memory_space<hbm>>
      %dma_start3A_796 = arith.constant 0 : i32
      %dma_start3A_797 = arith.constant 0 : i32
      %dma_start3A_798 = tpu.memref_slice %arg7[%squeeze3A_778, %dma_start3A_796, %dma_start3A_797] : memref<4x32x768xf32, #tpu.memory_space<vmem>> -> memref<1x32x768xf32, #tpu.memory_space<vmem>>
      %dma_start3A_799 = tpu.memref_squeeze %dma_start3A_798 : memref<1x32x768xf32, #tpu.memory_space<vmem>> -> memref<32x768xf32, #tpu.memory_space<vmem>>
      tpu.enqueue_dma source(%dma_start3A_799 : memref<32x768xf32, #tpu.memory_space<vmem>>) target(%dma_start3A_795 : memref<32x768xf32, #tpu.memory_space<hbm>>) target_semaphore(%arg11 : memref<!tpu.dma_semaphore, #tpu.memory_space<semaphore_mem>>)
      %add3A_800 = arith.addi %mul3A_2, %add3A_782 : i32
      %dma_start3A_801 = arith.constant 0 : i32
      %dma_start3A_802 = tpu.memref_slice %arg8[%squeeze3A_778, %dma_start3A_801] : memref<4x32xi32, #tpu.memory_space<vmem>> -> memref<1x32xi32, #tpu.memory_space<vmem>>
      %dma_start3A_803 = tpu.memref_squeeze %dma_start3A_802 : memref<1x32xi32, #tpu.memory_space<vmem>> -> memref<32xi32, #tpu.memory_space<vmem>>
      %dma_start3A_804 = arith.constant 0 : i32
      %dma_start3A_805 = tpu.memref_slice %arg6[%add3A_800, %dma_start3A_804] : memref<16384x32xi32, #tpu.memory_space<hbm>> -> memref<1x32xi32, #tpu.memory_space<hbm>>
      %dma_start3A_806 = tpu.memref_squeeze %dma_start3A_805 : memref<1x32xi32, #tpu.memory_space<hbm>> -> memref<32xi32, #tpu.memory_space<hbm>>
      %dma_start3A_807 = arith.constant 0 : i32
      %dma_start3A_808 = tpu.memref_slice %arg6[%add3A_800, %dma_start3A_807] : memref<16384x32xi32, #tpu.memory_space<hbm>> -> memref<1x32xi32, #tpu.memory_space<hbm>>
      %dma_start3A_809 = tpu.memref_squeeze %dma_start3A_808 : memref<1x32xi32, #tpu.memory_space<hbm>> -> memref<32xi32, #tpu.memory_space<hbm>>
      %dma_start3A_810 = arith.constant 0 : i32
      %dma_start3A_811 = tpu.memref_slice %arg8[%squeeze3A_778, %dma_start3A_810] : memref<4x32xi32, #tpu.memory_space<vmem>> -> memref<1x32xi32, #tpu.memory_space<vmem>>
      %dma_start3A_812 = tpu.memref_squeeze %dma_start3A_811 : memref<1x32xi32, #tpu.memory_space<vmem>> -> memref<32xi32, #tpu.memory_space<vmem>>
      tpu.enqueue_dma source(%dma_start3A_812 : memref<32xi32, #tpu.memory_space<vmem>>) target(%dma_start3A_809 : memref<32xi32, #tpu.memory_space<hbm>>) target_semaphore(%arg12 : memref<!tpu.dma_semaphore, #tpu.memory_space<semaphore_mem>>)
      %slice3A_813 = vector.extract_strided_slice %get3A_526 {offsets = [8], sizes = [1], strides = [1]} : vector<16xi32> to vector<1xi32>
      %squeeze3A_814 = vector.extract %slice3A_813[0] : i32 from vector<1xi32>
      %mul3A_815 = arith.constant 16 : i32
      %mul3A_816 = arith.muli %scan3A_522, %mul3A_815 : i32
      %add3A_817 = arith.constant 8 : i32
      %add3A_818 = arith.addi %mul3A_816, %add3A_817 : i32
      %add3A_819 = arith.addi %mul3A_2, %add3A_818 : i32
      %dma_start3A_820 = arith.constant 0 : i32
      %dma_start3A_821 = arith.constant 0 : i32
      %dma_start3A_822 = tpu.memref_slice %arg7[%squeeze3A_814, %dma_start3A_820, %dma_start3A_821] : memref<4x32x768xf32, #tpu.memory_space<vmem>> -> memref<1x32x768xf32, #tpu.memory_space<vmem>>
      %dma_start3A_823 = tpu.memref_squeeze %dma_start3A_822 : memref<1x32x768xf32, #tpu.memory_space<vmem>> -> memref<32x768xf32, #tpu.memory_space<vmem>>
      %dma_start3A_824 = arith.constant 0 : i32
      %dma_start3A_825 = arith.constant 0 : i32
      %dma_start3A_826 = tpu.memref_slice %arg5[%add3A_819, %dma_start3A_824, %dma_start3A_825] : memref<16384x32x768xf32, #tpu.memory_space<hbm>> -> memref<1x32x768xf32, #tpu.memory_space<hbm>>
      %dma_start3A_827 = tpu.memref_squeeze %dma_start3A_826 : memref<1x32x768xf32, #tpu.memory_space<hbm>> -> memref<32x768xf32, #tpu.memory_space<hbm>>
      %dma_start3A_828 = arith.constant 0 : i32
      %dma_start3A_829 = arith.constant 0 : i32
      %dma_start3A_830 = tpu.memref_slice %arg5[%add3A_819, %dma_start3A_828, %dma_start3A_829] : memref<16384x32x768xf32, #tpu.memory_space<hbm>> -> memref<1x32x768xf32, #tpu.memory_space<hbm>>
      %dma_start3A_831 = tpu.memref_squeeze %dma_start3A_830 : memref<1x32x768xf32, #tpu.memory_space<hbm>> -> memref<32x768xf32, #tpu.memory_space<hbm>>
      %dma_start3A_832 = arith.constant 0 : i32
      %dma_start3A_833 = arith.constant 0 : i32
      %dma_start3A_834 = tpu.memref_slice %arg7[%squeeze3A_814, %dma_start3A_832, %dma_start3A_833] : memref<4x32x768xf32, #tpu.memory_space<vmem>> -> memref<1x32x768xf32, #tpu.memory_space<vmem>>
      %dma_start3A_835 = tpu.memref_squeeze %dma_start3A_834 : memref<1x32x768xf32, #tpu.memory_space<vmem>> -> memref<32x768xf32, #tpu.memory_space<vmem>>
      tpu.enqueue_dma source(%dma_start3A_835 : memref<32x768xf32, #tpu.memory_space<vmem>>) target(%dma_start3A_831 : memref<32x768xf32, #tpu.memory_space<hbm>>) target_semaphore(%arg11 : memref<!tpu.dma_semaphore, #tpu.memory_space<semaphore_mem>>)
      %add3A_836 = arith.addi %mul3A_2, %add3A_818 : i32
      %dma_start3A_837 = arith.constant 0 : i32
      %dma_start3A_838 = tpu.memref_slice %arg8[%squeeze3A_814, %dma_start3A_837] : memref<4x32xi32, #tpu.memory_space<vmem>> -> memref<1x32xi32, #tpu.memory_space<vmem>>
      %dma_start3A_839 = tpu.memref_squeeze %dma_start3A_838 : memref<1x32xi32, #tpu.memory_space<vmem>> -> memref<32xi32, #tpu.memory_space<vmem>>
      %dma_start3A_840 = arith.constant 0 : i32
      %dma_start3A_841 = tpu.memref_slice %arg6[%add3A_836, %dma_start3A_840] : memref<16384x32xi32, #tpu.memory_space<hbm>> -> memref<1x32xi32, #tpu.memory_space<hbm>>
      %dma_start3A_842 = tpu.memref_squeeze %dma_start3A_841 : memref<1x32xi32, #tpu.memory_space<hbm>> -> memref<32xi32, #tpu.memory_space<hbm>>
      %dma_start3A_843 = arith.constant 0 : i32
      %dma_start3A_844 = tpu.memref_slice %arg6[%add3A_836, %dma_start3A_843] : memref<16384x32xi32, #tpu.memory_space<hbm>> -> memref<1x32xi32, #tpu.memory_space<hbm>>
      %dma_start3A_845 = tpu.memref_squeeze %dma_start3A_844 : memref<1x32xi32, #tpu.memory_space<hbm>> -> memref<32xi32, #tpu.memory_space<hbm>>
      %dma_start3A_846 = arith.constant 0 : i32
      %dma_start3A_847 = tpu.memref_slice %arg8[%squeeze3A_814, %dma_start3A_846] : memref<4x32xi32, #tpu.memory_space<vmem>> -> memref<1x32xi32, #tpu.memory_space<vmem>>
      %dma_start3A_848 = tpu.memref_squeeze %dma_start3A_847 : memref<1x32xi32, #tpu.memory_space<vmem>> -> memref<32xi32, #tpu.memory_space<vmem>>
      tpu.enqueue_dma source(%dma_start3A_848 : memref<32xi32, #tpu.memory_space<vmem>>) target(%dma_start3A_845 : memref<32xi32, #tpu.memory_space<hbm>>) target_semaphore(%arg12 : memref<!tpu.dma_semaphore, #tpu.memory_space<semaphore_mem>>)
      %slice3A_849 = vector.extract_strided_slice %get3A_526 {offsets = [9], sizes = [1], strides = [1]} : vector<16xi32> to vector<1xi32>
      %squeeze3A_850 = vector.extract %slice3A_849[0] : i32 from vector<1xi32>
      %mul3A_851 = arith.constant 16 : i32
      %mul3A_852 = arith.muli %scan3A_522, %mul3A_851 : i32
      %add3A_853 = arith.constant 9 : i32
      %add3A_854 = arith.addi %mul3A_852, %add3A_853 : i32
      %add3A_855 = arith.addi %mul3A_2, %add3A_854 : i32
      %dma_start3A_856 = arith.constant 0 : i32
      %dma_start3A_857 = arith.constant 0 : i32
      %dma_start3A_858 = tpu.memref_slice %arg7[%squeeze3A_850, %dma_start3A_856, %dma_start3A_857] : memref<4x32x768xf32, #tpu.memory_space<vmem>> -> memref<1x32x768xf32, #tpu.memory_space<vmem>>
      %dma_start3A_859 = tpu.memref_squeeze %dma_start3A_858 : memref<1x32x768xf32, #tpu.memory_space<vmem>> -> memref<32x768xf32, #tpu.memory_space<vmem>>
      %dma_start3A_860 = arith.constant 0 : i32
      %dma_start3A_861 = arith.constant 0 : i32
      %dma_start3A_862 = tpu.memref_slice %arg5[%add3A_855, %dma_start3A_860, %dma_start3A_861] : memref<16384x32x768xf32, #tpu.memory_space<hbm>> -> memref<1x32x768xf32, #tpu.memory_space<hbm>>
      %dma_start3A_863 = tpu.memref_squeeze %dma_start3A_862 : memref<1x32x768xf32, #tpu.memory_space<hbm>> -> memref<32x768xf32, #tpu.memory_space<hbm>>
      %dma_start3A_864 = arith.constant 0 : i32
      %dma_start3A_865 = arith.constant 0 : i32
      %dma_start3A_866 = tpu.memref_slice %arg5[%add3A_855, %dma_start3A_864, %dma_start3A_865] : memref<16384x32x768xf32, #tpu.memory_space<hbm>> -> memref<1x32x768xf32, #tpu.memory_space<hbm>>
      %dma_start3A_867 = tpu.memref_squeeze %dma_start3A_866 : memref<1x32x768xf32, #tpu.memory_space<hbm>> -> memref<32x768xf32, #tpu.memory_space<hbm>>
      %dma_start3A_868 = arith.constant 0 : i32
      %dma_start3A_869 = arith.constant 0 : i32
      %dma_start3A_870 = tpu.memref_slice %arg7[%squeeze3A_850, %dma_start3A_868, %dma_start3A_869] : memref<4x32x768xf32, #tpu.memory_space<vmem>> -> memref<1x32x768xf32, #tpu.memory_space<vmem>>
      %dma_start3A_871 = tpu.memref_squeeze %dma_start3A_870 : memref<1x32x768xf32, #tpu.memory_space<vmem>> -> memref<32x768xf32, #tpu.memory_space<vmem>>
      tpu.enqueue_dma source(%dma_start3A_871 : memref<32x768xf32, #tpu.memory_space<vmem>>) target(%dma_start3A_867 : memref<32x768xf32, #tpu.memory_space<hbm>>) target_semaphore(%arg11 : memref<!tpu.dma_semaphore, #tpu.memory_space<semaphore_mem>>)
      %add3A_872 = arith.addi %mul3A_2, %add3A_854 : i32
      %dma_start3A_873 = arith.constant 0 : i32
      %dma_start3A_874 = tpu.memref_slice %arg8[%squeeze3A_850, %dma_start3A_873] : memref<4x32xi32, #tpu.memory_space<vmem>> -> memref<1x32xi32, #tpu.memory_space<vmem>>
      %dma_start3A_875 = tpu.memref_squeeze %dma_start3A_874 : memref<1x32xi32, #tpu.memory_space<vmem>> -> memref<32xi32, #tpu.memory_space<vmem>>
      %dma_start3A_876 = arith.constant 0 : i32
      %dma_start3A_877 = tpu.memref_slice %arg6[%add3A_872, %dma_start3A_876] : memref<16384x32xi32, #tpu.memory_space<hbm>> -> memref<1x32xi32, #tpu.memory_space<hbm>>
      %dma_start3A_878 = tpu.memref_squeeze %dma_start3A_877 : memref<1x32xi32, #tpu.memory_space<hbm>> -> memref<32xi32, #tpu.memory_space<hbm>>
      %dma_start3A_879 = arith.constant 0 : i32
      %dma_start3A_880 = tpu.memref_slice %arg6[%add3A_872, %dma_start3A_879] : memref<16384x32xi32, #tpu.memory_space<hbm>> -> memref<1x32xi32, #tpu.memory_space<hbm>>
      %dma_start3A_881 = tpu.memref_squeeze %dma_start3A_880 : memref<1x32xi32, #tpu.memory_space<hbm>> -> memref<32xi32, #tpu.memory_space<hbm>>
      %dma_start3A_882 = arith.constant 0 : i32
      %dma_start3A_883 = tpu.memref_slice %arg8[%squeeze3A_850, %dma_start3A_882] : memref<4x32xi32, #tpu.memory_space<vmem>> -> memref<1x32xi32, #tpu.memory_space<vmem>>
      %dma_start3A_884 = tpu.memref_squeeze %dma_start3A_883 : memref<1x32xi32, #tpu.memory_space<vmem>> -> memref<32xi32, #tpu.memory_space<vmem>>
      tpu.enqueue_dma source(%dma_start3A_884 : memref<32xi32, #tpu.memory_space<vmem>>) target(%dma_start3A_881 : memref<32xi32, #tpu.memory_space<hbm>>) target_semaphore(%arg12 : memref<!tpu.dma_semaphore, #tpu.memory_space<semaphore_mem>>)
      %slice3A_885 = vector.extract_strided_slice %get3A_526 {offsets = [10], sizes = [1], strides = [1]} : vector<16xi32> to vector<1xi32>
      %squeeze3A_886 = vector.extract %slice3A_885[0] : i32 from vector<1xi32>
      %mul3A_887 = arith.constant 16 : i32
      %mul3A_888 = arith.muli %scan3A_522, %mul3A_887 : i32
      %add3A_889 = arith.constant 10 : i32
      %add3A_890 = arith.addi %mul3A_888, %add3A_889 : i32
      %add3A_891 = arith.addi %mul3A_2, %add3A_890 : i32
      %dma_start3A_892 = arith.constant 0 : i32
      %dma_start3A_893 = arith.constant 0 : i32
      %dma_start3A_894 = tpu.memref_slice %arg7[%squeeze3A_886, %dma_start3A_892, %dma_start3A_893] : memref<4x32x768xf32, #tpu.memory_space<vmem>> -> memref<1x32x768xf32, #tpu.memory_space<vmem>>
      %dma_start3A_895 = tpu.memref_squeeze %dma_start3A_894 : memref<1x32x768xf32, #tpu.memory_space<vmem>> -> memref<32x768xf32, #tpu.memory_space<vmem>>
      %dma_start3A_896 = arith.constant 0 : i32
      %dma_start3A_897 = arith.constant 0 : i32
      %dma_start3A_898 = tpu.memref_slice %arg5[%add3A_891, %dma_start3A_896, %dma_start3A_897] : memref<16384x32x768xf32, #tpu.memory_space<hbm>> -> memref<1x32x768xf32, #tpu.memory_space<hbm>>
      %dma_start3A_899 = tpu.memref_squeeze %dma_start3A_898 : memref<1x32x768xf32, #tpu.memory_space<hbm>> -> memref<32x768xf32, #tpu.memory_space<hbm>>
      %dma_start3A_900 = arith.constant 0 : i32
      %dma_start3A_901 = arith.constant 0 : i32
      %dma_start3A_902 = tpu.memref_slice %arg5[%add3A_891, %dma_start3A_900, %dma_start3A_901] : memref<16384x32x768xf32, #tpu.memory_space<hbm>> -> memref<1x32x768xf32, #tpu.memory_space<hbm>>
      %dma_start3A_903 = tpu.memref_squeeze %dma_start3A_902 : memref<1x32x768xf32, #tpu.memory_space<hbm>> -> memref<32x768xf32, #tpu.memory_space<hbm>>
      %dma_start3A_904 = arith.constant 0 : i32
      %dma_start3A_905 = arith.constant 0 : i32
      %dma_start3A_906 = tpu.memref_slice %arg7[%squeeze3A_886, %dma_start3A_904, %dma_start3A_905] : memref<4x32x768xf32, #tpu.memory_space<vmem>> -> memref<1x32x768xf32, #tpu.memory_space<vmem>>
      %dma_start3A_907 = tpu.memref_squeeze %dma_start3A_906 : memref<1x32x768xf32, #tpu.memory_space<vmem>> -> memref<32x768xf32, #tpu.memory_space<vmem>>
      tpu.enqueue_dma source(%dma_start3A_907 : memref<32x768xf32, #tpu.memory_space<vmem>>) target(%dma_start3A_903 : memref<32x768xf32, #tpu.memory_space<hbm>>) target_semaphore(%arg11 : memref<!tpu.dma_semaphore, #tpu.memory_space<semaphore_mem>>)
      %add3A_908 = arith.addi %mul3A_2, %add3A_890 : i32
      %dma_start3A_909 = arith.constant 0 : i32
      %dma_start3A_910 = tpu.memref_slice %arg8[%squeeze3A_886, %dma_start3A_909] : memref<4x32xi32, #tpu.memory_space<vmem>> -> memref<1x32xi32, #tpu.memory_space<vmem>>
      %dma_start3A_911 = tpu.memref_squeeze %dma_start3A_910 : memref<1x32xi32, #tpu.memory_space<vmem>> -> memref<32xi32, #tpu.memory_space<vmem>>
      %dma_start3A_912 = arith.constant 0 : i32
      %dma_start3A_913 = tpu.memref_slice %arg6[%add3A_908, %dma_start3A_912] : memref<16384x32xi32, #tpu.memory_space<hbm>> -> memref<1x32xi32, #tpu.memory_space<hbm>>
      %dma_start3A_914 = tpu.memref_squeeze %dma_start3A_913 : memref<1x32xi32, #tpu.memory_space<hbm>> -> memref<32xi32, #tpu.memory_space<hbm>>
      %dma_start3A_915 = arith.constant 0 : i32
      %dma_start3A_916 = tpu.memref_slice %arg6[%add3A_908, %dma_start3A_915] : memref<16384x32xi32, #tpu.memory_space<hbm>> -> memref<1x32xi32, #tpu.memory_space<hbm>>
      %dma_start3A_917 = tpu.memref_squeeze %dma_start3A_916 : memref<1x32xi32, #tpu.memory_space<hbm>> -> memref<32xi32, #tpu.memory_space<hbm>>
      %dma_start3A_918 = arith.constant 0 : i32
      %dma_start3A_919 = tpu.memref_slice %arg8[%squeeze3A_886, %dma_start3A_918] : memref<4x32xi32, #tpu.memory_space<vmem>> -> memref<1x32xi32, #tpu.memory_space<vmem>>
      %dma_start3A_920 = tpu.memref_squeeze %dma_start3A_919 : memref<1x32xi32, #tpu.memory_space<vmem>> -> memref<32xi32, #tpu.memory_space<vmem>>
      tpu.enqueue_dma source(%dma_start3A_920 : memref<32xi32, #tpu.memory_space<vmem>>) target(%dma_start3A_917 : memref<32xi32, #tpu.memory_space<hbm>>) target_semaphore(%arg12 : memref<!tpu.dma_semaphore, #tpu.memory_space<semaphore_mem>>)
      %slice3A_921 = vector.extract_strided_slice %get3A_526 {offsets = [11], sizes = [1], strides = [1]} : vector<16xi32> to vector<1xi32>
      %squeeze3A_922 = vector.extract %slice3A_921[0] : i32 from vector<1xi32>
      %mul3A_923 = arith.constant 16 : i32
      %mul3A_924 = arith.muli %scan3A_522, %mul3A_923 : i32
      %add3A_925 = arith.constant 11 : i32
      %add3A_926 = arith.addi %mul3A_924, %add3A_925 : i32
      %add3A_927 = arith.addi %mul3A_2, %add3A_926 : i32
      %dma_start3A_928 = arith.constant 0 : i32
      %dma_start3A_929 = arith.constant 0 : i32
      %dma_start3A_930 = tpu.memref_slice %arg7[%squeeze3A_922, %dma_start3A_928, %dma_start3A_929] : memref<4x32x768xf32, #tpu.memory_space<vmem>> -> memref<1x32x768xf32, #tpu.memory_space<vmem>>
      %dma_start3A_931 = tpu.memref_squeeze %dma_start3A_930 : memref<1x32x768xf32, #tpu.memory_space<vmem>> -> memref<32x768xf32, #tpu.memory_space<vmem>>
      %dma_start3A_932 = arith.constant 0 : i32
      %dma_start3A_933 = arith.constant 0 : i32
      %dma_start3A_934 = tpu.memref_slice %arg5[%add3A_927, %dma_start3A_932, %dma_start3A_933] : memref<16384x32x768xf32, #tpu.memory_space<hbm>> -> memref<1x32x768xf32, #tpu.memory_space<hbm>>
      %dma_start3A_935 = tpu.memref_squeeze %dma_start3A_934 : memref<1x32x768xf32, #tpu.memory_space<hbm>> -> memref<32x768xf32, #tpu.memory_space<hbm>>
      %dma_start3A_936 = arith.constant 0 : i32
      %dma_start3A_937 = arith.constant 0 : i32
      %dma_start3A_938 = tpu.memref_slice %arg5[%add3A_927, %dma_start3A_936, %dma_start3A_937] : memref<16384x32x768xf32, #tpu.memory_space<hbm>> -> memref<1x32x768xf32, #tpu.memory_space<hbm>>
      %dma_start3A_939 = tpu.memref_squeeze %dma_start3A_938 : memref<1x32x768xf32, #tpu.memory_space<hbm>> -> memref<32x768xf32, #tpu.memory_space<hbm>>
      %dma_start3A_940 = arith.constant 0 : i32
      %dma_start3A_941 = arith.constant 0 : i32
      %dma_start3A_942 = tpu.memref_slice %arg7[%squeeze3A_922, %dma_start3A_940, %dma_start3A_941] : memref<4x32x768xf32, #tpu.memory_space<vmem>> -> memref<1x32x768xf32, #tpu.memory_space<vmem>>
      %dma_start3A_943 = tpu.memref_squeeze %dma_start3A_942 : memref<1x32x768xf32, #tpu.memory_space<vmem>> -> memref<32x768xf32, #tpu.memory_space<vmem>>
      tpu.enqueue_dma source(%dma_start3A_943 : memref<32x768xf32, #tpu.memory_space<vmem>>) target(%dma_start3A_939 : memref<32x768xf32, #tpu.memory_space<hbm>>) target_semaphore(%arg11 : memref<!tpu.dma_semaphore, #tpu.memory_space<semaphore_mem>>)
      %add3A_944 = arith.addi %mul3A_2, %add3A_926 : i32
      %dma_start3A_945 = arith.constant 0 : i32
      %dma_start3A_946 = tpu.memref_slice %arg8[%squeeze3A_922, %dma_start3A_945] : memref<4x32xi32, #tpu.memory_space<vmem>> -> memref<1x32xi32, #tpu.memory_space<vmem>>
      %dma_start3A_947 = tpu.memref_squeeze %dma_start3A_946 : memref<1x32xi32, #tpu.memory_space<vmem>> -> memref<32xi32, #tpu.memory_space<vmem>>
      %dma_start3A_948 = arith.constant 0 : i32
      %dma_start3A_949 = tpu.memref_slice %arg6[%add3A_944, %dma_start3A_948] : memref<16384x32xi32, #tpu.memory_space<hbm>> -> memref<1x32xi32, #tpu.memory_space<hbm>>
      %dma_start3A_950 = tpu.memref_squeeze %dma_start3A_949 : memref<1x32xi32, #tpu.memory_space<hbm>> -> memref<32xi32, #tpu.memory_space<hbm>>
      %dma_start3A_951 = arith.constant 0 : i32
      %dma_start3A_952 = tpu.memref_slice %arg6[%add3A_944, %dma_start3A_951] : memref<16384x32xi32, #tpu.memory_space<hbm>> -> memref<1x32xi32, #tpu.memory_space<hbm>>
      %dma_start3A_953 = tpu.memref_squeeze %dma_start3A_952 : memref<1x32xi32, #tpu.memory_space<hbm>> -> memref<32xi32, #tpu.memory_space<hbm>>
      %dma_start3A_954 = arith.constant 0 : i32
      %dma_start3A_955 = tpu.memref_slice %arg8[%squeeze3A_922, %dma_start3A_954] : memref<4x32xi32, #tpu.memory_space<vmem>> -> memref<1x32xi32, #tpu.memory_space<vmem>>
      %dma_start3A_956 = tpu.memref_squeeze %dma_start3A_955 : memref<1x32xi32, #tpu.memory_space<vmem>> -> memref<32xi32, #tpu.memory_space<vmem>>
      tpu.enqueue_dma source(%dma_start3A_956 : memref<32xi32, #tpu.memory_space<vmem>>) target(%dma_start3A_953 : memref<32xi32, #tpu.memory_space<hbm>>) target_semaphore(%arg12 : memref<!tpu.dma_semaphore, #tpu.memory_space<semaphore_mem>>)
      %slice3A_957 = vector.extract_strided_slice %get3A_526 {offsets = [12], sizes = [1], strides = [1]} : vector<16xi32> to vector<1xi32>
      %squeeze3A_958 = vector.extract %slice3A_957[0] : i32 from vector<1xi32>
      %mul3A_959 = arith.constant 16 : i32
      %mul3A_960 = arith.muli %scan3A_522, %mul3A_959 : i32
      %add3A_961 = arith.constant 12 : i32
      %add3A_962 = arith.addi %mul3A_960, %add3A_961 : i32
      %add3A_963 = arith.addi %mul3A_2, %add3A_962 : i32
      %dma_start3A_964 = arith.constant 0 : i32
      %dma_start3A_965 = arith.constant 0 : i32
      %dma_start3A_966 = tpu.memref_slice %arg7[%squeeze3A_958, %dma_start3A_964, %dma_start3A_965] : memref<4x32x768xf32, #tpu.memory_space<vmem>> -> memref<1x32x768xf32, #tpu.memory_space<vmem>>
      %dma_start3A_967 = tpu.memref_squeeze %dma_start3A_966 : memref<1x32x768xf32, #tpu.memory_space<vmem>> -> memref<32x768xf32, #tpu.memory_space<vmem>>
      %dma_start3A_968 = arith.constant 0 : i32
      %dma_start3A_969 = arith.constant 0 : i32
      %dma_start3A_970 = tpu.memref_slice %arg5[%add3A_963, %dma_start3A_968, %dma_start3A_969] : memref<16384x32x768xf32, #tpu.memory_space<hbm>> -> memref<1x32x768xf32, #tpu.memory_space<hbm>>
      %dma_start3A_971 = tpu.memref_squeeze %dma_start3A_970 : memref<1x32x768xf32, #tpu.memory_space<hbm>> -> memref<32x768xf32, #tpu.memory_space<hbm>>
      %dma_start3A_972 = arith.constant 0 : i32
      %dma_start3A_973 = arith.constant 0 : i32
      %dma_start3A_974 = tpu.memref_slice %arg5[%add3A_963, %dma_start3A_972, %dma_start3A_973] : memref<16384x32x768xf32, #tpu.memory_space<hbm>> -> memref<1x32x768xf32, #tpu.memory_space<hbm>>
      %dma_start3A_975 = tpu.memref_squeeze %dma_start3A_974 : memref<1x32x768xf32, #tpu.memory_space<hbm>> -> memref<32x768xf32, #tpu.memory_space<hbm>>
      %dma_start3A_976 = arith.constant 0 : i32
      %dma_start3A_977 = arith.constant 0 : i32
      %dma_start3A_978 = tpu.memref_slice %arg7[%squeeze3A_958, %dma_start3A_976, %dma_start3A_977] : memref<4x32x768xf32, #tpu.memory_space<vmem>> -> memref<1x32x768xf32, #tpu.memory_space<vmem>>
      %dma_start3A_979 = tpu.memref_squeeze %dma_start3A_978 : memref<1x32x768xf32, #tpu.memory_space<vmem>> -> memref<32x768xf32, #tpu.memory_space<vmem>>
      tpu.enqueue_dma source(%dma_start3A_979 : memref<32x768xf32, #tpu.memory_space<vmem>>) target(%dma_start3A_975 : memref<32x768xf32, #tpu.memory_space<hbm>>) target_semaphore(%arg11 : memref<!tpu.dma_semaphore, #tpu.memory_space<semaphore_mem>>)
      %add3A_980 = arith.addi %mul3A_2, %add3A_962 : i32
      %dma_start3A_981 = arith.constant 0 : i32
      %dma_start3A_982 = tpu.memref_slice %arg8[%squeeze3A_958, %dma_start3A_981] : memref<4x32xi32, #tpu.memory_space<vmem>> -> memref<1x32xi32, #tpu.memory_space<vmem>>
      %dma_start3A_983 = tpu.memref_squeeze %dma_start3A_982 : memref<1x32xi32, #tpu.memory_space<vmem>> -> memref<32xi32, #tpu.memory_space<vmem>>
      %dma_start3A_984 = arith.constant 0 : i32
      %dma_start3A_985 = tpu.memref_slice %arg6[%add3A_980, %dma_start3A_984] : memref<16384x32xi32, #tpu.memory_space<hbm>> -> memref<1x32xi32, #tpu.memory_space<hbm>>
      %dma_start3A_986 = tpu.memref_squeeze %dma_start3A_985 : memref<1x32xi32, #tpu.memory_space<hbm>> -> memref<32xi32, #tpu.memory_space<hbm>>
      %dma_start3A_987 = arith.constant 0 : i32
      %dma_start3A_988 = tpu.memref_slice %arg6[%add3A_980, %dma_start3A_987] : memref<16384x32xi32, #tpu.memory_space<hbm>> -> memref<1x32xi32, #tpu.memory_space<hbm>>
      %dma_start3A_989 = tpu.memref_squeeze %dma_start3A_988 : memref<1x32xi32, #tpu.memory_space<hbm>> -> memref<32xi32, #tpu.memory_space<hbm>>
      %dma_start3A_990 = arith.constant 0 : i32
      %dma_start3A_991 = tpu.memref_slice %arg8[%squeeze3A_958, %dma_start3A_990] : memref<4x32xi32, #tpu.memory_space<vmem>> -> memref<1x32xi32, #tpu.memory_space<vmem>>
      %dma_start3A_992 = tpu.memref_squeeze %dma_start3A_991 : memref<1x32xi32, #tpu.memory_space<vmem>> -> memref<32xi32, #tpu.memory_space<vmem>>
      tpu.enqueue_dma source(%dma_start3A_992 : memref<32xi32, #tpu.memory_space<vmem>>) target(%dma_start3A_989 : memref<32xi32, #tpu.memory_space<hbm>>) target_semaphore(%arg12 : memref<!tpu.dma_semaphore, #tpu.memory_space<semaphore_mem>>)
      %slice3A_993 = vector.extract_strided_slice %get3A_526 {offsets = [13], sizes = [1], strides = [1]} : vector<16xi32> to vector<1xi32>
      %squeeze3A_994 = vector.extract %slice3A_993[0] : i32 from vector<1xi32>
      %mul3A_995 = arith.constant 16 : i32
      %mul3A_996 = arith.muli %scan3A_522, %mul3A_995 : i32
      %add3A_997 = arith.constant 13 : i32
      %add3A_998 = arith.addi %mul3A_996, %add3A_997 : i32
      %add3A_999 = arith.addi %mul3A_2, %add3A_998 : i32
      %dma_start3A_1000 = arith.constant 0 : i32
      %dma_start3A_1001 = arith.constant 0 : i32
      %dma_start3A_1002 = tpu.memref_slice %arg7[%squeeze3A_994, %dma_start3A_1000, %dma_start3A_1001] : memref<4x32x768xf32, #tpu.memory_space<vmem>> -> memref<1x32x768xf32, #tpu.memory_space<vmem>>
      %dma_start3A_1003 = tpu.memref_squeeze %dma_start3A_1002 : memref<1x32x768xf32, #tpu.memory_space<vmem>> -> memref<32x768xf32, #tpu.memory_space<vmem>>
      %dma_start3A_1004 = arith.constant 0 : i32
      %dma_start3A_1005 = arith.constant 0 : i32
      %dma_start3A_1006 = tpu.memref_slice %arg5[%add3A_999, %dma_start3A_1004, %dma_start3A_1005] : memref<16384x32x768xf32, #tpu.memory_space<hbm>> -> memref<1x32x768xf32, #tpu.memory_space<hbm>>
      %dma_start3A_1007 = tpu.memref_squeeze %dma_start3A_1006 : memref<1x32x768xf32, #tpu.memory_space<hbm>> -> memref<32x768xf32, #tpu.memory_space<hbm>>
      %dma_start3A_1008 = arith.constant 0 : i32
      %dma_start3A_1009 = arith.constant 0 : i32
      %dma_start3A_1010 = tpu.memref_slice %arg5[%add3A_999, %dma_start3A_1008, %dma_start3A_1009] : memref<16384x32x768xf32, #tpu.memory_space<hbm>> -> memref<1x32x768xf32, #tpu.memory_space<hbm>>
      %dma_start3A_1011 = tpu.memref_squeeze %dma_start3A_1010 : memref<1x32x768xf32, #tpu.memory_space<hbm>> -> memref<32x768xf32, #tpu.memory_space<hbm>>
      %dma_start3A_1012 = arith.constant 0 : i32
      %dma_start3A_1013 = arith.constant 0 : i32
      %dma_start3A_1014 = tpu.memref_slice %arg7[%squeeze3A_994, %dma_start3A_1012, %dma_start3A_1013] : memref<4x32x768xf32, #tpu.memory_space<vmem>> -> memref<1x32x768xf32, #tpu.memory_space<vmem>>
      %dma_start3A_1015 = tpu.memref_squeeze %dma_start3A_1014 : memref<1x32x768xf32, #tpu.memory_space<vmem>> -> memref<32x768xf32, #tpu.memory_space<vmem>>
      tpu.enqueue_dma source(%dma_start3A_1015 : memref<32x768xf32, #tpu.memory_space<vmem>>) target(%dma_start3A_1011 : memref<32x768xf32, #tpu.memory_space<hbm>>) target_semaphore(%arg11 : memref<!tpu.dma_semaphore, #tpu.memory_space<semaphore_mem>>)
      %add3A_1016 = arith.addi %mul3A_2, %add3A_998 : i32
      %dma_start3A_1017 = arith.constant 0 : i32
      %dma_start3A_1018 = tpu.memref_slice %arg8[%squeeze3A_994, %dma_start3A_1017] : memref<4x32xi32, #tpu.memory_space<vmem>> -> memref<1x32xi32, #tpu.memory_space<vmem>>
      %dma_start3A_1019 = tpu.memref_squeeze %dma_start3A_1018 : memref<1x32xi32, #tpu.memory_space<vmem>> -> memref<32xi32, #tpu.memory_space<vmem>>
      %dma_start3A_1020 = arith.constant 0 : i32
      %dma_start3A_1021 = tpu.memref_slice %arg6[%add3A_1016, %dma_start3A_1020] : memref<16384x32xi32, #tpu.memory_space<hbm>> -> memref<1x32xi32, #tpu.memory_space<hbm>>
      %dma_start3A_1022 = tpu.memref_squeeze %dma_start3A_1021 : memref<1x32xi32, #tpu.memory_space<hbm>> -> memref<32xi32, #tpu.memory_space<hbm>>
      %dma_start3A_1023 = arith.constant 0 : i32
      %dma_start3A_1024 = tpu.memref_slice %arg6[%add3A_1016, %dma_start3A_1023] : memref<16384x32xi32, #tpu.memory_space<hbm>> -> memref<1x32xi32, #tpu.memory_space<hbm>>
      %dma_start3A_1025 = tpu.memref_squeeze %dma_start3A_1024 : memref<1x32xi32, #tpu.memory_space<hbm>> -> memref<32xi32, #tpu.memory_space<hbm>>
      %dma_start3A_1026 = arith.constant 0 : i32
      %dma_start3A_1027 = tpu.memref_slice %arg8[%squeeze3A_994, %dma_start3A_1026] : memref<4x32xi32, #tpu.memory_space<vmem>> -> memref<1x32xi32, #tpu.memory_space<vmem>>
      %dma_start3A_1028 = tpu.memref_squeeze %dma_start3A_1027 : memref<1x32xi32, #tpu.memory_space<vmem>> -> memref<32xi32, #tpu.memory_space<vmem>>
      tpu.enqueue_dma source(%dma_start3A_1028 : memref<32xi32, #tpu.memory_space<vmem>>) target(%dma_start3A_1025 : memref<32xi32, #tpu.memory_space<hbm>>) target_semaphore(%arg12 : memref<!tpu.dma_semaphore, #tpu.memory_space<semaphore_mem>>)
      %slice3A_1029 = vector.extract_strided_slice %get3A_526 {offsets = [14], sizes = [1], strides = [1]} : vector<16xi32> to vector<1xi32>
      %squeeze3A_1030 = vector.extract %slice3A_1029[0] : i32 from vector<1xi32>
      %mul3A_1031 = arith.constant 16 : i32
      %mul3A_1032 = arith.muli %scan3A_522, %mul3A_1031 : i32
      %add3A_1033 = arith.constant 14 : i32
      %add3A_1034 = arith.addi %mul3A_1032, %add3A_1033 : i32
      %add3A_1035 = arith.addi %mul3A_2, %add3A_1034 : i32
      %dma_start3A_1036 = arith.constant 0 : i32
      %dma_start3A_1037 = arith.constant 0 : i32
      %dma_start3A_1038 = tpu.memref_slice %arg7[%squeeze3A_1030, %dma_start3A_1036, %dma_start3A_1037] : memref<4x32x768xf32, #tpu.memory_space<vmem>> -> memref<1x32x768xf32, #tpu.memory_space<vmem>>
      %dma_start3A_1039 = tpu.memref_squeeze %dma_start3A_1038 : memref<1x32x768xf32, #tpu.memory_space<vmem>> -> memref<32x768xf32, #tpu.memory_space<vmem>>
      %dma_start3A_1040 = arith.constant 0 : i32
      %dma_start3A_1041 = arith.constant 0 : i32
      %dma_start3A_1042 = tpu.memref_slice %arg5[%add3A_1035, %dma_start3A_1040, %dma_start3A_1041] : memref<16384x32x768xf32, #tpu.memory_space<hbm>> -> memref<1x32x768xf32, #tpu.memory_space<hbm>>
      %dma_start3A_1043 = tpu.memref_squeeze %dma_start3A_1042 : memref<1x32x768xf32, #tpu.memory_space<hbm>> -> memref<32x768xf32, #tpu.memory_space<hbm>>
      %dma_start3A_1044 = arith.constant 0 : i32
      %dma_start3A_1045 = arith.constant 0 : i32
      %dma_start3A_1046 = tpu.memref_slice %arg5[%add3A_1035, %dma_start3A_1044, %dma_start3A_1045] : memref<16384x32x768xf32, #tpu.memory_space<hbm>> -> memref<1x32x768xf32, #tpu.memory_space<hbm>>
      %dma_start3A_1047 = tpu.memref_squeeze %dma_start3A_1046 : memref<1x32x768xf32, #tpu.memory_space<hbm>> -> memref<32x768xf32, #tpu.memory_space<hbm>>
      %dma_start3A_1048 = arith.constant 0 : i32
      %dma_start3A_1049 = arith.constant 0 : i32
      %dma_start3A_1050 = tpu.memref_slice %arg7[%squeeze3A_1030, %dma_start3A_1048, %dma_start3A_1049] : memref<4x32x768xf32, #tpu.memory_space<vmem>> -> memref<1x32x768xf32, #tpu.memory_space<vmem>>
      %dma_start3A_1051 = tpu.memref_squeeze %dma_start3A_1050 : memref<1x32x768xf32, #tpu.memory_space<vmem>> -> memref<32x768xf32, #tpu.memory_space<vmem>>
      tpu.enqueue_dma source(%dma_start3A_1051 : memref<32x768xf32, #tpu.memory_space<vmem>>) target(%dma_start3A_1047 : memref<32x768xf32, #tpu.memory_space<hbm>>) target_semaphore(%arg11 : memref<!tpu.dma_semaphore, #tpu.memory_space<semaphore_mem>>)
      %add3A_1052 = arith.addi %mul3A_2, %add3A_1034 : i32
      %dma_start3A_1053 = arith.constant 0 : i32
      %dma_start3A_1054 = tpu.memref_slice %arg8[%squeeze3A_1030, %dma_start3A_1053] : memref<4x32xi32, #tpu.memory_space<vmem>> -> memref<1x32xi32, #tpu.memory_space<vmem>>
      %dma_start3A_1055 = tpu.memref_squeeze %dma_start3A_1054 : memref<1x32xi32, #tpu.memory_space<vmem>> -> memref<32xi32, #tpu.memory_space<vmem>>
      %dma_start3A_1056 = arith.constant 0 : i32
      %dma_start3A_1057 = tpu.memref_slice %arg6[%add3A_1052, %dma_start3A_1056] : memref<16384x32xi32, #tpu.memory_space<hbm>> -> memref<1x32xi32, #tpu.memory_space<hbm>>
      %dma_start3A_1058 = tpu.memref_squeeze %dma_start3A_1057 : memref<1x32xi32, #tpu.memory_space<hbm>> -> memref<32xi32, #tpu.memory_space<hbm>>
      %dma_start3A_1059 = arith.constant 0 : i32
      %dma_start3A_1060 = tpu.memref_slice %arg6[%add3A_1052, %dma_start3A_1059] : memref<16384x32xi32, #tpu.memory_space<hbm>> -> memref<1x32xi32, #tpu.memory_space<hbm>>
      %dma_start3A_1061 = tpu.memref_squeeze %dma_start3A_1060 : memref<1x32xi32, #tpu.memory_space<hbm>> -> memref<32xi32, #tpu.memory_space<hbm>>
      %dma_start3A_1062 = arith.constant 0 : i32
      %dma_start3A_1063 = tpu.memref_slice %arg8[%squeeze3A_1030, %dma_start3A_1062] : memref<4x32xi32, #tpu.memory_space<vmem>> -> memref<1x32xi32, #tpu.memory_space<vmem>>
      %dma_start3A_1064 = tpu.memref_squeeze %dma_start3A_1063 : memref<1x32xi32, #tpu.memory_space<vmem>> -> memref<32xi32, #tpu.memory_space<vmem>>
      tpu.enqueue_dma source(%dma_start3A_1064 : memref<32xi32, #tpu.memory_space<vmem>>) target(%dma_start3A_1061 : memref<32xi32, #tpu.memory_space<hbm>>) target_semaphore(%arg12 : memref<!tpu.dma_semaphore, #tpu.memory_space<semaphore_mem>>)
      %slice3A_1065 = vector.extract_strided_slice %get3A_526 {offsets = [15], sizes = [1], strides = [1]} : vector<16xi32> to vector<1xi32>
      %squeeze3A_1066 = vector.extract %slice3A_1065[0] : i32 from vector<1xi32>
      %mul3A_1067 = arith.constant 16 : i32
      %mul3A_1068 = arith.muli %scan3A_522, %mul3A_1067 : i32
      %add3A_1069 = arith.constant 15 : i32
      %add3A_1070 = arith.addi %mul3A_1068, %add3A_1069 : i32
      %add3A_1071 = arith.addi %mul3A_2, %add3A_1070 : i32
      %dma_start3A_1072 = arith.constant 0 : i32
      %dma_start3A_1073 = arith.constant 0 : i32
      %dma_start3A_1074 = tpu.memref_slice %arg7[%squeeze3A_1066, %dma_start3A_1072, %dma_start3A_1073] : memref<4x32x768xf32, #tpu.memory_space<vmem>> -> memref<1x32x768xf32, #tpu.memory_space<vmem>>
      %dma_start3A_1075 = tpu.memref_squeeze %dma_start3A_1074 : memref<1x32x768xf32, #tpu.memory_space<vmem>> -> memref<32x768xf32, #tpu.memory_space<vmem>>
      %dma_start3A_1076 = arith.constant 0 : i32
      %dma_start3A_1077 = arith.constant 0 : i32
      %dma_start3A_1078 = tpu.memref_slice %arg5[%add3A_1071, %dma_start3A_1076, %dma_start3A_1077] : memref<16384x32x768xf32, #tpu.memory_space<hbm>> -> memref<1x32x768xf32, #tpu.memory_space<hbm>>
      %dma_start3A_1079 = tpu.memref_squeeze %dma_start3A_1078 : memref<1x32x768xf32, #tpu.memory_space<hbm>> -> memref<32x768xf32, #tpu.memory_space<hbm>>
      %dma_start3A_1080 = arith.constant 0 : i32
      %dma_start3A_1081 = arith.constant 0 : i32
      %dma_start3A_1082 = tpu.memref_slice %arg5[%add3A_1071, %dma_start3A_1080, %dma_start3A_1081] : memref<16384x32x768xf32, #tpu.memory_space<hbm>> -> memref<1x32x768xf32, #tpu.memory_space<hbm>>
      %dma_start3A_1083 = tpu.memref_squeeze %dma_start3A_1082 : memref<1x32x768xf32, #tpu.memory_space<hbm>> -> memref<32x768xf32, #tpu.memory_space<hbm>>
      %dma_start3A_1084 = arith.constant 0 : i32
      %dma_start3A_1085 = arith.constant 0 : i32
      %dma_start3A_1086 = tpu.memref_slice %arg7[%squeeze3A_1066, %dma_start3A_1084, %dma_start3A_1085] : memref<4x32x768xf32, #tpu.memory_space<vmem>> -> memref<1x32x768xf32, #tpu.memory_space<vmem>>
      %dma_start3A_1087 = tpu.memref_squeeze %dma_start3A_1086 : memref<1x32x768xf32, #tpu.memory_space<vmem>> -> memref<32x768xf32, #tpu.memory_space<vmem>>
      tpu.enqueue_dma source(%dma_start3A_1087 : memref<32x768xf32, #tpu.memory_space<vmem>>) target(%dma_start3A_1083 : memref<32x768xf32, #tpu.memory_space<hbm>>) target_semaphore(%arg11 : memref<!tpu.dma_semaphore, #tpu.memory_space<semaphore_mem>>)
      %add3A_1088 = arith.addi %mul3A_2, %add3A_1070 : i32
      %dma_start3A_1089 = arith.constant 0 : i32
      %dma_start3A_1090 = tpu.memref_slice %arg8[%squeeze3A_1066, %dma_start3A_1089] : memref<4x32xi32, #tpu.memory_space<vmem>> -> memref<1x32xi32, #tpu.memory_space<vmem>>
      %dma_start3A_1091 = tpu.memref_squeeze %dma_start3A_1090 : memref<1x32xi32, #tpu.memory_space<vmem>> -> memref<32xi32, #tpu.memory_space<vmem>>
      %dma_start3A_1092 = arith.constant 0 : i32
      %dma_start3A_1093 = tpu.memref_slice %arg6[%add3A_1088, %dma_start3A_1092] : memref<16384x32xi32, #tpu.memory_space<hbm>> -> memref<1x32xi32, #tpu.memory_space<hbm>>
      %dma_start3A_1094 = tpu.memref_squeeze %dma_start3A_1093 : memref<1x32xi32, #tpu.memory_space<hbm>> -> memref<32xi32, #tpu.memory_space<hbm>>
      %dma_start3A_1095 = arith.constant 0 : i32
      %dma_start3A_1096 = tpu.memref_slice %arg6[%add3A_1088, %dma_start3A_1095] : memref<16384x32xi32, #tpu.memory_space<hbm>> -> memref<1x32xi32, #tpu.memory_space<hbm>>
      %dma_start3A_1097 = tpu.memref_squeeze %dma_start3A_1096 : memref<1x32xi32, #tpu.memory_space<hbm>> -> memref<32xi32, #tpu.memory_space<hbm>>
      %dma_start3A_1098 = arith.constant 0 : i32
      %dma_start3A_1099 = tpu.memref_slice %arg8[%squeeze3A_1066, %dma_start3A_1098] : memref<4x32xi32, #tpu.memory_space<vmem>> -> memref<1x32xi32, #tpu.memory_space<vmem>>
      %dma_start3A_1100 = tpu.memref_squeeze %dma_start3A_1099 : memref<1x32xi32, #tpu.memory_space<vmem>> -> memref<32xi32, #tpu.memory_space<vmem>>
      tpu.enqueue_dma source(%dma_start3A_1100 : memref<32xi32, #tpu.memory_space<vmem>>) target(%dma_start3A_1097 : memref<32xi32, #tpu.memory_space<hbm>>) target_semaphore(%arg12 : memref<!tpu.dma_semaphore, #tpu.memory_space<semaphore_mem>>)
      %ge3A = arith.constant 1 : i32
      %ge3A_1101 = arith.cmpi sge, %scan3A_522, %ge3A : i32
      %convert_element_type3A = arith.extui %ge3A_1101 : i1 to i32
      %cond3A = arith.constant 0 : i32
      %cond3A_1102 = arith.cmpi ne, %convert_element_type3A, %cond3A : i32
      scf.if %cond3A_1102 {
        %dma_wait3A_1103 = arith.constant 0 : i32
        %dma_wait3A_1104 = arith.constant 0 : i32
        %dma_wait3A_1105 = arith.constant 0 : i32
        %dma_wait3A_1106 = arith.constant 0 : i32
        %dma_wait3A_1107 = tpu.memref_slice %arg7[%dma_wait3A_1104, %dma_wait3A_1105, %dma_wait3A_1106] : memref<4x32x768xf32, #tpu.memory_space<vmem>> -> memref<1x32x768xf32, #tpu.memory_space<vmem>>
        %dma_wait3A_1108 = tpu.memref_squeeze %dma_wait3A_1107 : memref<1x32x768xf32, #tpu.memory_space<vmem>> -> memref<32x768xf32, #tpu.memory_space<vmem>>
        %dma_wait3A_1109 = arith.constant 0 : i32
        %dma_wait3A_1110 = arith.constant 0 : i32
        %dma_wait3A_1111 = tpu.memref_slice %arg3[%dma_wait3A_1103, %dma_wait3A_1109, %dma_wait3A_1110] : memref<4x32x768xf32, #tpu.memory_space<hbm>> -> memref<1x32x768xf32, #tpu.memory_space<hbm>>
        %dma_wait3A_1112 = tpu.memref_squeeze %dma_wait3A_1111 : memref<1x32x768xf32, #tpu.memory_space<hbm>> -> memref<32x768xf32, #tpu.memory_space<hbm>>
        %dma_wait3A_1113 = arith.constant 0 : i32
        %dma_wait3A_1114 = arith.constant 0 : i32
        %dma_wait3A_1115 = tpu.memref_slice %arg7[%dma_wait3A_1104, %dma_wait3A_1113, %dma_wait3A_1114] : memref<4x32x768xf32, #tpu.memory_space<vmem>> -> memref<1x32x768xf32, #tpu.memory_space<vmem>>
        %dma_wait3A_1116 = tpu.memref_squeeze %dma_wait3A_1115 : memref<1x32x768xf32, #tpu.memory_space<vmem>> -> memref<32x768xf32, #tpu.memory_space<vmem>>
        %dma_wait3A_1117 = arith.constant 0 : i32
        %dma_wait3A_1118 = arith.constant 0 : i32
        %dma_wait3A_1119 = tpu.memref_slice %arg3[%dma_wait3A_1103, %dma_wait3A_1117, %dma_wait3A_1118] : memref<4x32x768xf32, #tpu.memory_space<hbm>> -> memref<1x32x768xf32, #tpu.memory_space<hbm>>
        %dma_wait3A_1120 = tpu.memref_squeeze %dma_wait3A_1119 : memref<1x32x768xf32, #tpu.memory_space<hbm>> -> memref<32x768xf32, #tpu.memory_space<hbm>>
        tpu.wait_dma2 semaphore(%arg11 : memref<!tpu.dma_semaphore, #tpu.memory_space<semaphore_mem>>) src(%dma_wait3A_1120 : memref<32x768xf32, #tpu.memory_space<hbm>>) dst(%dma_wait3A_1116 : memref<32x768xf32, #tpu.memory_space<vmem>>)
        %dma_wait3A_1121 = arith.constant 0 : i32
        %dma_wait3A_1122 = arith.constant 0 : i32
        %dma_wait3A_1123 = arith.constant 0 : i32
        %dma_wait3A_1124 = tpu.memref_slice %arg8[%dma_wait3A_1122, %dma_wait3A_1123] : memref<4x32xi32, #tpu.memory_space<vmem>> -> memref<1x32xi32, #tpu.memory_space<vmem>>
        %dma_wait3A_1125 = tpu.memref_squeeze %dma_wait3A_1124 : memref<1x32xi32, #tpu.memory_space<vmem>> -> memref<32xi32, #tpu.memory_space<vmem>>
        %dma_wait3A_1126 = arith.constant 0 : i32
        %dma_wait3A_1127 = tpu.memref_slice %arg4[%dma_wait3A_1121, %dma_wait3A_1126] : memref<4x32xi32, #tpu.memory_space<hbm>> -> memref<1x32xi32, #tpu.memory_space<hbm>>
        %dma_wait3A_1128 = tpu.memref_squeeze %dma_wait3A_1127 : memref<1x32xi32, #tpu.memory_space<hbm>> -> memref<32xi32, #tpu.memory_space<hbm>>
        %dma_wait3A_1129 = arith.constant 0 : i32
        %dma_wait3A_1130 = tpu.memref_slice %arg8[%dma_wait3A_1122, %dma_wait3A_1129] : memref<4x32xi32, #tpu.memory_space<vmem>> -> memref<1x32xi32, #tpu.memory_space<vmem>>
        %dma_wait3A_1131 = tpu.memref_squeeze %dma_wait3A_1130 : memref<1x32xi32, #tpu.memory_space<vmem>> -> memref<32xi32, #tpu.memory_space<vmem>>
        %dma_wait3A_1132 = arith.constant 0 : i32
        %dma_wait3A_1133 = tpu.memref_slice %arg4[%dma_wait3A_1121, %dma_wait3A_1132] : memref<4x32xi32, #tpu.memory_space<hbm>> -> memref<1x32xi32, #tpu.memory_space<hbm>>
        %dma_wait3A_1134 = tpu.memref_squeeze %dma_wait3A_1133 : memref<1x32xi32, #tpu.memory_space<hbm>> -> memref<32xi32, #tpu.memory_space<hbm>>
        tpu.wait_dma2 semaphore(%arg12 : memref<!tpu.dma_semaphore, #tpu.memory_space<semaphore_mem>>) src(%dma_wait3A_1134 : memref<32xi32, #tpu.memory_space<hbm>>) dst(%dma_wait3A_1131 : memref<32xi32, #tpu.memory_space<vmem>>)
        %dma_wait3A_1135 = arith.constant 0 : i32
        %dma_wait3A_1136 = arith.constant 0 : i32
        %dma_wait3A_1137 = arith.constant 0 : i32
        %dma_wait3A_1138 = arith.constant 0 : i32
        %dma_wait3A_1139 = tpu.memref_slice %arg7[%dma_wait3A_1136, %dma_wait3A_1137, %dma_wait3A_1138] : memref<4x32x768xf32, #tpu.memory_space<vmem>> -> memref<1x32x768xf32, #tpu.memory_space<vmem>>
        %dma_wait3A_1140 = tpu.memref_squeeze %dma_wait3A_1139 : memref<1x32x768xf32, #tpu.memory_space<vmem>> -> memref<32x768xf32, #tpu.memory_space<vmem>>
        %dma_wait3A_1141 = arith.constant 0 : i32
        %dma_wait3A_1142 = arith.constant 0 : i32
        %dma_wait3A_1143 = tpu.memref_slice %arg3[%dma_wait3A_1135, %dma_wait3A_1141, %dma_wait3A_1142] : memref<4x32x768xf32, #tpu.memory_space<hbm>> -> memref<1x32x768xf32, #tpu.memory_space<hbm>>
        %dma_wait3A_1144 = tpu.memref_squeeze %dma_wait3A_1143 : memref<1x32x768xf32, #tpu.memory_space<hbm>> -> memref<32x768xf32, #tpu.memory_space<hbm>>
        %dma_wait3A_1145 = arith.constant 0 : i32
        %dma_wait3A_1146 = arith.constant 0 : i32
        %dma_wait3A_1147 = tpu.memref_slice %arg7[%dma_wait3A_1136, %dma_wait3A_1145, %dma_wait3A_1146] : memref<4x32x768xf32, #tpu.memory_space<vmem>> -> memref<1x32x768xf32, #tpu.memory_space<vmem>>
        %dma_wait3A_1148 = tpu.memref_squeeze %dma_wait3A_1147 : memref<1x32x768xf32, #tpu.memory_space<vmem>> -> memref<32x768xf32, #tpu.memory_space<vmem>>
        %dma_wait3A_1149 = arith.constant 0 : i32
        %dma_wait3A_1150 = arith.constant 0 : i32
        %dma_wait3A_1151 = tpu.memref_slice %arg3[%dma_wait3A_1135, %dma_wait3A_1149, %dma_wait3A_1150] : memref<4x32x768xf32, #tpu.memory_space<hbm>> -> memref<1x32x768xf32, #tpu.memory_space<hbm>>
        %dma_wait3A_1152 = tpu.memref_squeeze %dma_wait3A_1151 : memref<1x32x768xf32, #tpu.memory_space<hbm>> -> memref<32x768xf32, #tpu.memory_space<hbm>>
        tpu.wait_dma2 semaphore(%arg11 : memref<!tpu.dma_semaphore, #tpu.memory_space<semaphore_mem>>) src(%dma_wait3A_1152 : memref<32x768xf32, #tpu.memory_space<hbm>>) dst(%dma_wait3A_1148 : memref<32x768xf32, #tpu.memory_space<vmem>>)
        %dma_wait3A_1153 = arith.constant 0 : i32
        %dma_wait3A_1154 = arith.constant 0 : i32
        %dma_wait3A_1155 = arith.constant 0 : i32
        %dma_wait3A_1156 = tpu.memref_slice %arg8[%dma_wait3A_1154, %dma_wait3A_1155] : memref<4x32xi32, #tpu.memory_space<vmem>> -> memref<1x32xi32, #tpu.memory_space<vmem>>
        %dma_wait3A_1157 = tpu.memref_squeeze %dma_wait3A_1156 : memref<1x32xi32, #tpu.memory_space<vmem>> -> memref<32xi32, #tpu.memory_space<vmem>>
        %dma_wait3A_1158 = arith.constant 0 : i32
        %dma_wait3A_1159 = tpu.memref_slice %arg4[%dma_wait3A_1153, %dma_wait3A_1158] : memref<4x32xi32, #tpu.memory_space<hbm>> -> memref<1x32xi32, #tpu.memory_space<hbm>>
        %dma_wait3A_1160 = tpu.memref_squeeze %dma_wait3A_1159 : memref<1x32xi32, #tpu.memory_space<hbm>> -> memref<32xi32, #tpu.memory_space<hbm>>
        %dma_wait3A_1161 = arith.constant 0 : i32
        %dma_wait3A_1162 = tpu.memref_slice %arg8[%dma_wait3A_1154, %dma_wait3A_1161] : memref<4x32xi32, #tpu.memory_space<vmem>> -> memref<1x32xi32, #tpu.memory_space<vmem>>
        %dma_wait3A_1163 = tpu.memref_squeeze %dma_wait3A_1162 : memref<1x32xi32, #tpu.memory_space<vmem>> -> memref<32xi32, #tpu.memory_space<vmem>>
        %dma_wait3A_1164 = arith.constant 0 : i32
        %dma_wait3A_1165 = tpu.memref_slice %arg4[%dma_wait3A_1153, %dma_wait3A_1164] : memref<4x32xi32, #tpu.memory_space<hbm>> -> memref<1x32xi32, #tpu.memory_space<hbm>>
        %dma_wait3A_1166 = tpu.memref_squeeze %dma_wait3A_1165 : memref<1x32xi32, #tpu.memory_space<hbm>> -> memref<32xi32, #tpu.memory_space<hbm>>
        tpu.wait_dma2 semaphore(%arg12 : memref<!tpu.dma_semaphore, #tpu.memory_space<semaphore_mem>>) src(%dma_wait3A_1166 : memref<32xi32, #tpu.memory_space<hbm>>) dst(%dma_wait3A_1163 : memref<32xi32, #tpu.memory_space<vmem>>)
        %dma_wait3A_1167 = arith.constant 0 : i32
        %dma_wait3A_1168 = arith.constant 0 : i32
        %dma_wait3A_1169 = arith.constant 0 : i32
        %dma_wait3A_1170 = arith.constant 0 : i32
        %dma_wait3A_1171 = tpu.memref_slice %arg7[%dma_wait3A_1168, %dma_wait3A_1169, %dma_wait3A_1170] : memref<4x32x768xf32, #tpu.memory_space<vmem>> -> memref<1x32x768xf32, #tpu.memory_space<vmem>>
        %dma_wait3A_1172 = tpu.memref_squeeze %dma_wait3A_1171 : memref<1x32x768xf32, #tpu.memory_space<vmem>> -> memref<32x768xf32, #tpu.memory_space<vmem>>
        %dma_wait3A_1173 = arith.constant 0 : i32
        %dma_wait3A_1174 = arith.constant 0 : i32
        %dma_wait3A_1175 = tpu.memref_slice %arg3[%dma_wait3A_1167, %dma_wait3A_1173, %dma_wait3A_1174] : memref<4x32x768xf32, #tpu.memory_space<hbm>> -> memref<1x32x768xf32, #tpu.memory_space<hbm>>
        %dma_wait3A_1176 = tpu.memref_squeeze %dma_wait3A_1175 : memref<1x32x768xf32, #tpu.memory_space<hbm>> -> memref<32x768xf32, #tpu.memory_space<hbm>>
        %dma_wait3A_1177 = arith.constant 0 : i32
        %dma_wait3A_1178 = arith.constant 0 : i32
        %dma_wait3A_1179 = tpu.memref_slice %arg7[%dma_wait3A_1168, %dma_wait3A_1177, %dma_wait3A_1178] : memref<4x32x768xf32, #tpu.memory_space<vmem>> -> memref<1x32x768xf32, #tpu.memory_space<vmem>>
        %dma_wait3A_1180 = tpu.memref_squeeze %dma_wait3A_1179 : memref<1x32x768xf32, #tpu.memory_space<vmem>> -> memref<32x768xf32, #tpu.memory_space<vmem>>
        %dma_wait3A_1181 = arith.constant 0 : i32
        %dma_wait3A_1182 = arith.constant 0 : i32
        %dma_wait3A_1183 = tpu.memref_slice %arg3[%dma_wait3A_1167, %dma_wait3A_1181, %dma_wait3A_1182] : memref<4x32x768xf32, #tpu.memory_space<hbm>> -> memref<1x32x768xf32, #tpu.memory_space<hbm>>
        %dma_wait3A_1184 = tpu.memref_squeeze %dma_wait3A_1183 : memref<1x32x768xf32, #tpu.memory_space<hbm>> -> memref<32x768xf32, #tpu.memory_space<hbm>>
        tpu.wait_dma2 semaphore(%arg11 : memref<!tpu.dma_semaphore, #tpu.memory_space<semaphore_mem>>) src(%dma_wait3A_1184 : memref<32x768xf32, #tpu.memory_space<hbm>>) dst(%dma_wait3A_1180 : memref<32x768xf32, #tpu.memory_space<vmem>>)
        %dma_wait3A_1185 = arith.constant 0 : i32
        %dma_wait3A_1186 = arith.constant 0 : i32
        %dma_wait3A_1187 = arith.constant 0 : i32
        %dma_wait3A_1188 = tpu.memref_slice %arg8[%dma_wait3A_1186, %dma_wait3A_1187] : memref<4x32xi32, #tpu.memory_space<vmem>> -> memref<1x32xi32, #tpu.memory_space<vmem>>
        %dma_wait3A_1189 = tpu.memref_squeeze %dma_wait3A_1188 : memref<1x32xi32, #tpu.memory_space<vmem>> -> memref<32xi32, #tpu.memory_space<vmem>>
        %dma_wait3A_1190 = arith.constant 0 : i32
        %dma_wait3A_1191 = tpu.memref_slice %arg4[%dma_wait3A_1185, %dma_wait3A_1190] : memref<4x32xi32, #tpu.memory_space<hbm>> -> memref<1x32xi32, #tpu.memory_space<hbm>>
        %dma_wait3A_1192 = tpu.memref_squeeze %dma_wait3A_1191 : memref<1x32xi32, #tpu.memory_space<hbm>> -> memref<32xi32, #tpu.memory_space<hbm>>
        %dma_wait3A_1193 = arith.constant 0 : i32
        %dma_wait3A_1194 = tpu.memref_slice %arg8[%dma_wait3A_1186, %dma_wait3A_1193] : memref<4x32xi32, #tpu.memory_space<vmem>> -> memref<1x32xi32, #tpu.memory_space<vmem>>
        %dma_wait3A_1195 = tpu.memref_squeeze %dma_wait3A_1194 : memref<1x32xi32, #tpu.memory_space<vmem>> -> memref<32xi32, #tpu.memory_space<vmem>>
        %dma_wait3A_1196 = arith.constant 0 : i32
        %dma_wait3A_1197 = tpu.memref_slice %arg4[%dma_wait3A_1185, %dma_wait3A_1196] : memref<4x32xi32, #tpu.memory_space<hbm>> -> memref<1x32xi32, #tpu.memory_space<hbm>>
        %dma_wait3A_1198 = tpu.memref_squeeze %dma_wait3A_1197 : memref<1x32xi32, #tpu.memory_space<hbm>> -> memref<32xi32, #tpu.memory_space<hbm>>
        tpu.wait_dma2 semaphore(%arg12 : memref<!tpu.dma_semaphore, #tpu.memory_space<semaphore_mem>>) src(%dma_wait3A_1198 : memref<32xi32, #tpu.memory_space<hbm>>) dst(%dma_wait3A_1195 : memref<32xi32, #tpu.memory_space<vmem>>)
        %dma_wait3A_1199 = arith.constant 0 : i32
        %dma_wait3A_1200 = arith.constant 0 : i32
        %dma_wait3A_1201 = arith.constant 0 : i32
        %dma_wait3A_1202 = arith.constant 0 : i32
        %dma_wait3A_1203 = tpu.memref_slice %arg7[%dma_wait3A_1200, %dma_wait3A_1201, %dma_wait3A_1202] : memref<4x32x768xf32, #tpu.memory_space<vmem>> -> memref<1x32x768xf32, #tpu.memory_space<vmem>>
        %dma_wait3A_1204 = tpu.memref_squeeze %dma_wait3A_1203 : memref<1x32x768xf32, #tpu.memory_space<vmem>> -> memref<32x768xf32, #tpu.memory_space<vmem>>
        %dma_wait3A_1205 = arith.constant 0 : i32
        %dma_wait3A_1206 = arith.constant 0 : i32
        %dma_wait3A_1207 = tpu.memref_slice %arg3[%dma_wait3A_1199, %dma_wait3A_1205, %dma_wait3A_1206] : memref<4x32x768xf32, #tpu.memory_space<hbm>> -> memref<1x32x768xf32, #tpu.memory_space<hbm>>
        %dma_wait3A_1208 = tpu.memref_squeeze %dma_wait3A_1207 : memref<1x32x768xf32, #tpu.memory_space<hbm>> -> memref<32x768xf32, #tpu.memory_space<hbm>>
        %dma_wait3A_1209 = arith.constant 0 : i32
        %dma_wait3A_1210 = arith.constant 0 : i32
        %dma_wait3A_1211 = tpu.memref_slice %arg7[%dma_wait3A_1200, %dma_wait3A_1209, %dma_wait3A_1210] : memref<4x32x768xf32, #tpu.memory_space<vmem>> -> memref<1x32x768xf32, #tpu.memory_space<vmem>>
        %dma_wait3A_1212 = tpu.memref_squeeze %dma_wait3A_1211 : memref<1x32x768xf32, #tpu.memory_space<vmem>> -> memref<32x768xf32, #tpu.memory_space<vmem>>
        %dma_wait3A_1213 = arith.constant 0 : i32
        %dma_wait3A_1214 = arith.constant 0 : i32
        %dma_wait3A_1215 = tpu.memref_slice %arg3[%dma_wait3A_1199, %dma_wait3A_1213, %dma_wait3A_1214] : memref<4x32x768xf32, #tpu.memory_space<hbm>> -> memref<1x32x768xf32, #tpu.memory_space<hbm>>
        %dma_wait3A_1216 = tpu.memref_squeeze %dma_wait3A_1215 : memref<1x32x768xf32, #tpu.memory_space<hbm>> -> memref<32x768xf32, #tpu.memory_space<hbm>>
        tpu.wait_dma2 semaphore(%arg11 : memref<!tpu.dma_semaphore, #tpu.memory_space<semaphore_mem>>) src(%dma_wait3A_1216 : memref<32x768xf32, #tpu.memory_space<hbm>>) dst(%dma_wait3A_1212 : memref<32x768xf32, #tpu.memory_space<vmem>>)
        %dma_wait3A_1217 = arith.constant 0 : i32
        %dma_wait3A_1218 = arith.constant 0 : i32
        %dma_wait3A_1219 = arith.constant 0 : i32
        %dma_wait3A_1220 = tpu.memref_slice %arg8[%dma_wait3A_1218, %dma_wait3A_1219] : memref<4x32xi32, #tpu.memory_space<vmem>> -> memref<1x32xi32, #tpu.memory_space<vmem>>
        %dma_wait3A_1221 = tpu.memref_squeeze %dma_wait3A_1220 : memref<1x32xi32, #tpu.memory_space<vmem>> -> memref<32xi32, #tpu.memory_space<vmem>>
        %dma_wait3A_1222 = arith.constant 0 : i32
        %dma_wait3A_1223 = tpu.memref_slice %arg4[%dma_wait3A_1217, %dma_wait3A_1222] : memref<4x32xi32, #tpu.memory_space<hbm>> -> memref<1x32xi32, #tpu.memory_space<hbm>>
        %dma_wait3A_1224 = tpu.memref_squeeze %dma_wait3A_1223 : memref<1x32xi32, #tpu.memory_space<hbm>> -> memref<32xi32, #tpu.memory_space<hbm>>
        %dma_wait3A_1225 = arith.constant 0 : i32
        %dma_wait3A_1226 = tpu.memref_slice %arg8[%dma_wait3A_1218, %dma_wait3A_1225] : memref<4x32xi32, #tpu.memory_space<vmem>> -> memref<1x32xi32, #tpu.memory_space<vmem>>
        %dma_wait3A_1227 = tpu.memref_squeeze %dma_wait3A_1226 : memref<1x32xi32, #tpu.memory_space<vmem>> -> memref<32xi32, #tpu.memory_space<vmem>>
        %dma_wait3A_1228 = arith.constant 0 : i32
        %dma_wait3A_1229 = tpu.memref_slice %arg4[%dma_wait3A_1217, %dma_wait3A_1228] : memref<4x32xi32, #tpu.memory_space<hbm>> -> memref<1x32xi32, #tpu.memory_space<hbm>>
        %dma_wait3A_1230 = tpu.memref_squeeze %dma_wait3A_1229 : memref<1x32xi32, #tpu.memory_space<hbm>> -> memref<32xi32, #tpu.memory_space<hbm>>
        tpu.wait_dma2 semaphore(%arg12 : memref<!tpu.dma_semaphore, #tpu.memory_space<semaphore_mem>>) src(%dma_wait3A_1230 : memref<32xi32, #tpu.memory_space<hbm>>) dst(%dma_wait3A_1227 : memref<32xi32, #tpu.memory_space<vmem>>)
        %dma_wait3A_1231 = arith.constant 0 : i32
        %dma_wait3A_1232 = arith.constant 0 : i32
        %dma_wait3A_1233 = arith.constant 0 : i32
        %dma_wait3A_1234 = arith.constant 0 : i32
        %dma_wait3A_1235 = tpu.memref_slice %arg7[%dma_wait3A_1232, %dma_wait3A_1233, %dma_wait3A_1234] : memref<4x32x768xf32, #tpu.memory_space<vmem>> -> memref<1x32x768xf32, #tpu.memory_space<vmem>>
        %dma_wait3A_1236 = tpu.memref_squeeze %dma_wait3A_1235 : memref<1x32x768xf32, #tpu.memory_space<vmem>> -> memref<32x768xf32, #tpu.memory_space<vmem>>
        %dma_wait3A_1237 = arith.constant 0 : i32
        %dma_wait3A_1238 = arith.constant 0 : i32
        %dma_wait3A_1239 = tpu.memref_slice %arg3[%dma_wait3A_1231, %dma_wait3A_1237, %dma_wait3A_1238] : memref<4x32x768xf32, #tpu.memory_space<hbm>> -> memref<1x32x768xf32, #tpu.memory_space<hbm>>
        %dma_wait3A_1240 = tpu.memref_squeeze %dma_wait3A_1239 : memref<1x32x768xf32, #tpu.memory_space<hbm>> -> memref<32x768xf32, #tpu.memory_space<hbm>>
        %dma_wait3A_1241 = arith.constant 0 : i32
        %dma_wait3A_1242 = arith.constant 0 : i32
        %dma_wait3A_1243 = tpu.memref_slice %arg7[%dma_wait3A_1232, %dma_wait3A_1241, %dma_wait3A_1242] : memref<4x32x768xf32, #tpu.memory_space<vmem>> -> memref<1x32x768xf32, #tpu.memory_space<vmem>>
        %dma_wait3A_1244 = tpu.memref_squeeze %dma_wait3A_1243 : memref<1x32x768xf32, #tpu.memory_space<vmem>> -> memref<32x768xf32, #tpu.memory_space<vmem>>
        %dma_wait3A_1245 = arith.constant 0 : i32
        %dma_wait3A_1246 = arith.constant 0 : i32
        %dma_wait3A_1247 = tpu.memref_slice %arg3[%dma_wait3A_1231, %dma_wait3A_1245, %dma_wait3A_1246] : memref<4x32x768xf32, #tpu.memory_space<hbm>> -> memref<1x32x768xf32, #tpu.memory_space<hbm>>
        %dma_wait3A_1248 = tpu.memref_squeeze %dma_wait3A_1247 : memref<1x32x768xf32, #tpu.memory_space<hbm>> -> memref<32x768xf32, #tpu.memory_space<hbm>>
        tpu.wait_dma2 semaphore(%arg11 : memref<!tpu.dma_semaphore, #tpu.memory_space<semaphore_mem>>) src(%dma_wait3A_1248 : memref<32x768xf32, #tpu.memory_space<hbm>>) dst(%dma_wait3A_1244 : memref<32x768xf32, #tpu.memory_space<vmem>>)
        %dma_wait3A_1249 = arith.constant 0 : i32
        %dma_wait3A_1250 = arith.constant 0 : i32
        %dma_wait3A_1251 = arith.constant 0 : i32
        %dma_wait3A_1252 = tpu.memref_slice %arg8[%dma_wait3A_1250, %dma_wait3A_1251] : memref<4x32xi32, #tpu.memory_space<vmem>> -> memref<1x32xi32, #tpu.memory_space<vmem>>
        %dma_wait3A_1253 = tpu.memref_squeeze %dma_wait3A_1252 : memref<1x32xi32, #tpu.memory_space<vmem>> -> memref<32xi32, #tpu.memory_space<vmem>>
        %dma_wait3A_1254 = arith.constant 0 : i32
        %dma_wait3A_1255 = tpu.memref_slice %arg4[%dma_wait3A_1249, %dma_wait3A_1254] : memref<4x32xi32, #tpu.memory_space<hbm>> -> memref<1x32xi32, #tpu.memory_space<hbm>>
        %dma_wait3A_1256 = tpu.memref_squeeze %dma_wait3A_1255 : memref<1x32xi32, #tpu.memory_space<hbm>> -> memref<32xi32, #tpu.memory_space<hbm>>
        %dma_wait3A_1257 = arith.constant 0 : i32
        %dma_wait3A_1258 = tpu.memref_slice %arg8[%dma_wait3A_1250, %dma_wait3A_1257] : memref<4x32xi32, #tpu.memory_space<vmem>> -> memref<1x32xi32, #tpu.memory_space<vmem>>
        %dma_wait3A_1259 = tpu.memref_squeeze %dma_wait3A_1258 : memref<1x32xi32, #tpu.memory_space<vmem>> -> memref<32xi32, #tpu.memory_space<vmem>>
        %dma_wait3A_1260 = arith.constant 0 : i32
        %dma_wait3A_1261 = tpu.memref_slice %arg4[%dma_wait3A_1249, %dma_wait3A_1260] : memref<4x32xi32, #tpu.memory_space<hbm>> -> memref<1x32xi32, #tpu.memory_space<hbm>>
        %dma_wait3A_1262 = tpu.memref_squeeze %dma_wait3A_1261 : memref<1x32xi32, #tpu.memory_space<hbm>> -> memref<32xi32, #tpu.memory_space<hbm>>
        tpu.wait_dma2 semaphore(%arg12 : memref<!tpu.dma_semaphore, #tpu.memory_space<semaphore_mem>>) src(%dma_wait3A_1262 : memref<32xi32, #tpu.memory_space<hbm>>) dst(%dma_wait3A_1259 : memref<32xi32, #tpu.memory_space<vmem>>)
        %dma_wait3A_1263 = arith.constant 0 : i32
        %dma_wait3A_1264 = arith.constant 0 : i32
        %dma_wait3A_1265 = arith.constant 0 : i32
        %dma_wait3A_1266 = arith.constant 0 : i32
        %dma_wait3A_1267 = tpu.memref_slice %arg7[%dma_wait3A_1264, %dma_wait3A_1265, %dma_wait3A_1266] : memref<4x32x768xf32, #tpu.memory_space<vmem>> -> memref<1x32x768xf32, #tpu.memory_space<vmem>>
        %dma_wait3A_1268 = tpu.memref_squeeze %dma_wait3A_1267 : memref<1x32x768xf32, #tpu.memory_space<vmem>> -> memref<32x768xf32, #tpu.memory_space<vmem>>
        %dma_wait3A_1269 = arith.constant 0 : i32
        %dma_wait3A_1270 = arith.constant 0 : i32
        %dma_wait3A_1271 = tpu.memref_slice %arg3[%dma_wait3A_1263, %dma_wait3A_1269, %dma_wait3A_1270] : memref<4x32x768xf32, #tpu.memory_space<hbm>> -> memref<1x32x768xf32, #tpu.memory_space<hbm>>
        %dma_wait3A_1272 = tpu.memref_squeeze %dma_wait3A_1271 : memref<1x32x768xf32, #tpu.memory_space<hbm>> -> memref<32x768xf32, #tpu.memory_space<hbm>>
        %dma_wait3A_1273 = arith.constant 0 : i32
        %dma_wait3A_1274 = arith.constant 0 : i32
        %dma_wait3A_1275 = tpu.memref_slice %arg7[%dma_wait3A_1264, %dma_wait3A_1273, %dma_wait3A_1274] : memref<4x32x768xf32, #tpu.memory_space<vmem>> -> memref<1x32x768xf32, #tpu.memory_space<vmem>>
        %dma_wait3A_1276 = tpu.memref_squeeze %dma_wait3A_1275 : memref<1x32x768xf32, #tpu.memory_space<vmem>> -> memref<32x768xf32, #tpu.memory_space<vmem>>
        %dma_wait3A_1277 = arith.constant 0 : i32
        %dma_wait3A_1278 = arith.constant 0 : i32
        %dma_wait3A_1279 = tpu.memref_slice %arg3[%dma_wait3A_1263, %dma_wait3A_1277, %dma_wait3A_1278] : memref<4x32x768xf32, #tpu.memory_space<hbm>> -> memref<1x32x768xf32, #tpu.memory_space<hbm>>
        %dma_wait3A_1280 = tpu.memref_squeeze %dma_wait3A_1279 : memref<1x32x768xf32, #tpu.memory_space<hbm>> -> memref<32x768xf32, #tpu.memory_space<hbm>>
        tpu.wait_dma2 semaphore(%arg11 : memref<!tpu.dma_semaphore, #tpu.memory_space<semaphore_mem>>) src(%dma_wait3A_1280 : memref<32x768xf32, #tpu.memory_space<hbm>>) dst(%dma_wait3A_1276 : memref<32x768xf32, #tpu.memory_space<vmem>>)
        %dma_wait3A_1281 = arith.constant 0 : i32
        %dma_wait3A_1282 = arith.constant 0 : i32
        %dma_wait3A_1283 = arith.constant 0 : i32
        %dma_wait3A_1284 = tpu.memref_slice %arg8[%dma_wait3A_1282, %dma_wait3A_1283] : memref<4x32xi32, #tpu.memory_space<vmem>> -> memref<1x32xi32, #tpu.memory_space<vmem>>
        %dma_wait3A_1285 = tpu.memref_squeeze %dma_wait3A_1284 : memref<1x32xi32, #tpu.memory_space<vmem>> -> memref<32xi32, #tpu.memory_space<vmem>>
        %dma_wait3A_1286 = arith.constant 0 : i32
        %dma_wait3A_1287 = tpu.memref_slice %arg4[%dma_wait3A_1281, %dma_wait3A_1286] : memref<4x32xi32, #tpu.memory_space<hbm>> -> memref<1x32xi32, #tpu.memory_space<hbm>>
        %dma_wait3A_1288 = tpu.memref_squeeze %dma_wait3A_1287 : memref<1x32xi32, #tpu.memory_space<hbm>> -> memref<32xi32, #tpu.memory_space<hbm>>
        %dma_wait3A_1289 = arith.constant 0 : i32
        %dma_wait3A_1290 = tpu.memref_slice %arg8[%dma_wait3A_1282, %dma_wait3A_1289] : memref<4x32xi32, #tpu.memory_space<vmem>> -> memref<1x32xi32, #tpu.memory_space<vmem>>
        %dma_wait3A_1291 = tpu.memref_squeeze %dma_wait3A_1290 : memref<1x32xi32, #tpu.memory_space<vmem>> -> memref<32xi32, #tpu.memory_space<vmem>>
        %dma_wait3A_1292 = arith.constant 0 : i32
        %dma_wait3A_1293 = tpu.memref_slice %arg4[%dma_wait3A_1281, %dma_wait3A_1292] : memref<4x32xi32, #tpu.memory_space<hbm>> -> memref<1x32xi32, #tpu.memory_space<hbm>>
        %dma_wait3A_1294 = tpu.memref_squeeze %dma_wait3A_1293 : memref<1x32xi32, #tpu.memory_space<hbm>> -> memref<32xi32, #tpu.memory_space<hbm>>
        tpu.wait_dma2 semaphore(%arg12 : memref<!tpu.dma_semaphore, #tpu.memory_space<semaphore_mem>>) src(%dma_wait3A_1294 : memref<32xi32, #tpu.memory_space<hbm>>) dst(%dma_wait3A_1291 : memref<32xi32, #tpu.memory_space<vmem>>)
        %dma_wait3A_1295 = arith.constant 0 : i32
        %dma_wait3A_1296 = arith.constant 0 : i32
        %dma_wait3A_1297 = arith.constant 0 : i32
        %dma_wait3A_1298 = arith.constant 0 : i32
        %dma_wait3A_1299 = tpu.memref_slice %arg7[%dma_wait3A_1296, %dma_wait3A_1297, %dma_wait3A_1298] : memref<4x32x768xf32, #tpu.memory_space<vmem>> -> memref<1x32x768xf32, #tpu.memory_space<vmem>>
        %dma_wait3A_1300 = tpu.memref_squeeze %dma_wait3A_1299 : memref<1x32x768xf32, #tpu.memory_space<vmem>> -> memref<32x768xf32, #tpu.memory_space<vmem>>
        %dma_wait3A_1301 = arith.constant 0 : i32
        %dma_wait3A_1302 = arith.constant 0 : i32
        %dma_wait3A_1303 = tpu.memref_slice %arg3[%dma_wait3A_1295, %dma_wait3A_1301, %dma_wait3A_1302] : memref<4x32x768xf32, #tpu.memory_space<hbm>> -> memref<1x32x768xf32, #tpu.memory_space<hbm>>
        %dma_wait3A_1304 = tpu.memref_squeeze %dma_wait3A_1303 : memref<1x32x768xf32, #tpu.memory_space<hbm>> -> memref<32x768xf32, #tpu.memory_space<hbm>>
        %dma_wait3A_1305 = arith.constant 0 : i32
        %dma_wait3A_1306 = arith.constant 0 : i32
        %dma_wait3A_1307 = tpu.memref_slice %arg7[%dma_wait3A_1296, %dma_wait3A_1305, %dma_wait3A_1306] : memref<4x32x768xf32, #tpu.memory_space<vmem>> -> memref<1x32x768xf32, #tpu.memory_space<vmem>>
        %dma_wait3A_1308 = tpu.memref_squeeze %dma_wait3A_1307 : memref<1x32x768xf32, #tpu.memory_space<vmem>> -> memref<32x768xf32, #tpu.memory_space<vmem>>
        %dma_wait3A_1309 = arith.constant 0 : i32
        %dma_wait3A_1310 = arith.constant 0 : i32
        %dma_wait3A_1311 = tpu.memref_slice %arg3[%dma_wait3A_1295, %dma_wait3A_1309, %dma_wait3A_1310] : memref<4x32x768xf32, #tpu.memory_space<hbm>> -> memref<1x32x768xf32, #tpu.memory_space<hbm>>
        %dma_wait3A_1312 = tpu.memref_squeeze %dma_wait3A_1311 : memref<1x32x768xf32, #tpu.memory_space<hbm>> -> memref<32x768xf32, #tpu.memory_space<hbm>>
        tpu.wait_dma2 semaphore(%arg11 : memref<!tpu.dma_semaphore, #tpu.memory_space<semaphore_mem>>) src(%dma_wait3A_1312 : memref<32x768xf32, #tpu.memory_space<hbm>>) dst(%dma_wait3A_1308 : memref<32x768xf32, #tpu.memory_space<vmem>>)
        %dma_wait3A_1313 = arith.constant 0 : i32
        %dma_wait3A_1314 = arith.constant 0 : i32
        %dma_wait3A_1315 = arith.constant 0 : i32
        %dma_wait3A_1316 = tpu.memref_slice %arg8[%dma_wait3A_1314, %dma_wait3A_1315] : memref<4x32xi32, #tpu.memory_space<vmem>> -> memref<1x32xi32, #tpu.memory_space<vmem>>
        %dma_wait3A_1317 = tpu.memref_squeeze %dma_wait3A_1316 : memref<1x32xi32, #tpu.memory_space<vmem>> -> memref<32xi32, #tpu.memory_space<vmem>>
        %dma_wait3A_1318 = arith.constant 0 : i32
        %dma_wait3A_1319 = tpu.memref_slice %arg4[%dma_wait3A_1313, %dma_wait3A_1318] : memref<4x32xi32, #tpu.memory_space<hbm>> -> memref<1x32xi32, #tpu.memory_space<hbm>>
        %dma_wait3A_1320 = tpu.memref_squeeze %dma_wait3A_1319 : memref<1x32xi32, #tpu.memory_space<hbm>> -> memref<32xi32, #tpu.memory_space<hbm>>
        %dma_wait3A_1321 = arith.constant 0 : i32
        %dma_wait3A_1322 = tpu.memref_slice %arg8[%dma_wait3A_1314, %dma_wait3A_1321] : memref<4x32xi32, #tpu.memory_space<vmem>> -> memref<1x32xi32, #tpu.memory_space<vmem>>
        %dma_wait3A_1323 = tpu.memref_squeeze %dma_wait3A_1322 : memref<1x32xi32, #tpu.memory_space<vmem>> -> memref<32xi32, #tpu.memory_space<vmem>>
        %dma_wait3A_1324 = arith.constant 0 : i32
        %dma_wait3A_1325 = tpu.memref_slice %arg4[%dma_wait3A_1313, %dma_wait3A_1324] : memref<4x32xi32, #tpu.memory_space<hbm>> -> memref<1x32xi32, #tpu.memory_space<hbm>>
        %dma_wait3A_1326 = tpu.memref_squeeze %dma_wait3A_1325 : memref<1x32xi32, #tpu.memory_space<hbm>> -> memref<32xi32, #tpu.memory_space<hbm>>
        tpu.wait_dma2 semaphore(%arg12 : memref<!tpu.dma_semaphore, #tpu.memory_space<semaphore_mem>>) src(%dma_wait3A_1326 : memref<32xi32, #tpu.memory_space<hbm>>) dst(%dma_wait3A_1323 : memref<32xi32, #tpu.memory_space<vmem>>)
        %dma_wait3A_1327 = arith.constant 0 : i32
        %dma_wait3A_1328 = arith.constant 0 : i32
        %dma_wait3A_1329 = arith.constant 0 : i32
        %dma_wait3A_1330 = arith.constant 0 : i32
        %dma_wait3A_1331 = tpu.memref_slice %arg7[%dma_wait3A_1328, %dma_wait3A_1329, %dma_wait3A_1330] : memref<4x32x768xf32, #tpu.memory_space<vmem>> -> memref<1x32x768xf32, #tpu.memory_space<vmem>>
        %dma_wait3A_1332 = tpu.memref_squeeze %dma_wait3A_1331 : memref<1x32x768xf32, #tpu.memory_space<vmem>> -> memref<32x768xf32, #tpu.memory_space<vmem>>
        %dma_wait3A_1333 = arith.constant 0 : i32
        %dma_wait3A_1334 = arith.constant 0 : i32
        %dma_wait3A_1335 = tpu.memref_slice %arg3[%dma_wait3A_1327, %dma_wait3A_1333, %dma_wait3A_1334] : memref<4x32x768xf32, #tpu.memory_space<hbm>> -> memref<1x32x768xf32, #tpu.memory_space<hbm>>
        %dma_wait3A_1336 = tpu.memref_squeeze %dma_wait3A_1335 : memref<1x32x768xf32, #tpu.memory_space<hbm>> -> memref<32x768xf32, #tpu.memory_space<hbm>>
        %dma_wait3A_1337 = arith.constant 0 : i32
        %dma_wait3A_1338 = arith.constant 0 : i32
        %dma_wait3A_1339 = tpu.memref_slice %arg7[%dma_wait3A_1328, %dma_wait3A_1337, %dma_wait3A_1338] : memref<4x32x768xf32, #tpu.memory_space<vmem>> -> memref<1x32x768xf32, #tpu.memory_space<vmem>>
        %dma_wait3A_1340 = tpu.memref_squeeze %dma_wait3A_1339 : memref<1x32x768xf32, #tpu.memory_space<vmem>> -> memref<32x768xf32, #tpu.memory_space<vmem>>
        %dma_wait3A_1341 = arith.constant 0 : i32
        %dma_wait3A_1342 = arith.constant 0 : i32
        %dma_wait3A_1343 = tpu.memref_slice %arg3[%dma_wait3A_1327, %dma_wait3A_1341, %dma_wait3A_1342] : memref<4x32x768xf32, #tpu.memory_space<hbm>> -> memref<1x32x768xf32, #tpu.memory_space<hbm>>
        %dma_wait3A_1344 = tpu.memref_squeeze %dma_wait3A_1343 : memref<1x32x768xf32, #tpu.memory_space<hbm>> -> memref<32x768xf32, #tpu.memory_space<hbm>>
        tpu.wait_dma2 semaphore(%arg11 : memref<!tpu.dma_semaphore, #tpu.memory_space<semaphore_mem>>) src(%dma_wait3A_1344 : memref<32x768xf32, #tpu.memory_space<hbm>>) dst(%dma_wait3A_1340 : memref<32x768xf32, #tpu.memory_space<vmem>>)
        %dma_wait3A_1345 = arith.constant 0 : i32
        %dma_wait3A_1346 = arith.constant 0 : i32
        %dma_wait3A_1347 = arith.constant 0 : i32
        %dma_wait3A_1348 = tpu.memref_slice %arg8[%dma_wait3A_1346, %dma_wait3A_1347] : memref<4x32xi32, #tpu.memory_space<vmem>> -> memref<1x32xi32, #tpu.memory_space<vmem>>
        %dma_wait3A_1349 = tpu.memref_squeeze %dma_wait3A_1348 : memref<1x32xi32, #tpu.memory_space<vmem>> -> memref<32xi32, #tpu.memory_space<vmem>>
        %dma_wait3A_1350 = arith.constant 0 : i32
        %dma_wait3A_1351 = tpu.memref_slice %arg4[%dma_wait3A_1345, %dma_wait3A_1350] : memref<4x32xi32, #tpu.memory_space<hbm>> -> memref<1x32xi32, #tpu.memory_space<hbm>>
        %dma_wait3A_1352 = tpu.memref_squeeze %dma_wait3A_1351 : memref<1x32xi32, #tpu.memory_space<hbm>> -> memref<32xi32, #tpu.memory_space<hbm>>
        %dma_wait3A_1353 = arith.constant 0 : i32
        %dma_wait3A_1354 = tpu.memref_slice %arg8[%dma_wait3A_1346, %dma_wait3A_1353] : memref<4x32xi32, #tpu.memory_space<vmem>> -> memref<1x32xi32, #tpu.memory_space<vmem>>
        %dma_wait3A_1355 = tpu.memref_squeeze %dma_wait3A_1354 : memref<1x32xi32, #tpu.memory_space<vmem>> -> memref<32xi32, #tpu.memory_space<vmem>>
        %dma_wait3A_1356 = arith.constant 0 : i32
        %dma_wait3A_1357 = tpu.memref_slice %arg4[%dma_wait3A_1345, %dma_wait3A_1356] : memref<4x32xi32, #tpu.memory_space<hbm>> -> memref<1x32xi32, #tpu.memory_space<hbm>>
        %dma_wait3A_1358 = tpu.memref_squeeze %dma_wait3A_1357 : memref<1x32xi32, #tpu.memory_space<hbm>> -> memref<32xi32, #tpu.memory_space<hbm>>
        tpu.wait_dma2 semaphore(%arg12 : memref<!tpu.dma_semaphore, #tpu.memory_space<semaphore_mem>>) src(%dma_wait3A_1358 : memref<32xi32, #tpu.memory_space<hbm>>) dst(%dma_wait3A_1355 : memref<32xi32, #tpu.memory_space<vmem>>)
        %dma_wait3A_1359 = arith.constant 0 : i32
        %dma_wait3A_1360 = arith.constant 0 : i32
        %dma_wait3A_1361 = arith.constant 0 : i32
        %dma_wait3A_1362 = arith.constant 0 : i32
        %dma_wait3A_1363 = tpu.memref_slice %arg7[%dma_wait3A_1360, %dma_wait3A_1361, %dma_wait3A_1362] : memref<4x32x768xf32, #tpu.memory_space<vmem>> -> memref<1x32x768xf32, #tpu.memory_space<vmem>>
        %dma_wait3A_1364 = tpu.memref_squeeze %dma_wait3A_1363 : memref<1x32x768xf32, #tpu.memory_space<vmem>> -> memref<32x768xf32, #tpu.memory_space<vmem>>
        %dma_wait3A_1365 = arith.constant 0 : i32
        %dma_wait3A_1366 = arith.constant 0 : i32
        %dma_wait3A_1367 = tpu.memref_slice %arg3[%dma_wait3A_1359, %dma_wait3A_1365, %dma_wait3A_1366] : memref<4x32x768xf32, #tpu.memory_space<hbm>> -> memref<1x32x768xf32, #tpu.memory_space<hbm>>
        %dma_wait3A_1368 = tpu.memref_squeeze %dma_wait3A_1367 : memref<1x32x768xf32, #tpu.memory_space<hbm>> -> memref<32x768xf32, #tpu.memory_space<hbm>>
        %dma_wait3A_1369 = arith.constant 0 : i32
        %dma_wait3A_1370 = arith.constant 0 : i32
        %dma_wait3A_1371 = tpu.memref_slice %arg7[%dma_wait3A_1360, %dma_wait3A_1369, %dma_wait3A_1370] : memref<4x32x768xf32, #tpu.memory_space<vmem>> -> memref<1x32x768xf32, #tpu.memory_space<vmem>>
        %dma_wait3A_1372 = tpu.memref_squeeze %dma_wait3A_1371 : memref<1x32x768xf32, #tpu.memory_space<vmem>> -> memref<32x768xf32, #tpu.memory_space<vmem>>
        %dma_wait3A_1373 = arith.constant 0 : i32
        %dma_wait3A_1374 = arith.constant 0 : i32
        %dma_wait3A_1375 = tpu.memref_slice %arg3[%dma_wait3A_1359, %dma_wait3A_1373, %dma_wait3A_1374] : memref<4x32x768xf32, #tpu.memory_space<hbm>> -> memref<1x32x768xf32, #tpu.memory_space<hbm>>
        %dma_wait3A_1376 = tpu.memref_squeeze %dma_wait3A_1375 : memref<1x32x768xf32, #tpu.memory_space<hbm>> -> memref<32x768xf32, #tpu.memory_space<hbm>>
        tpu.wait_dma2 semaphore(%arg11 : memref<!tpu.dma_semaphore, #tpu.memory_space<semaphore_mem>>) src(%dma_wait3A_1376 : memref<32x768xf32, #tpu.memory_space<hbm>>) dst(%dma_wait3A_1372 : memref<32x768xf32, #tpu.memory_space<vmem>>)
        %dma_wait3A_1377 = arith.constant 0 : i32
        %dma_wait3A_1378 = arith.constant 0 : i32
        %dma_wait3A_1379 = arith.constant 0 : i32
        %dma_wait3A_1380 = tpu.memref_slice %arg8[%dma_wait3A_1378, %dma_wait3A_1379] : memref<4x32xi32, #tpu.memory_space<vmem>> -> memref<1x32xi32, #tpu.memory_space<vmem>>
        %dma_wait3A_1381 = tpu.memref_squeeze %dma_wait3A_1380 : memref<1x32xi32, #tpu.memory_space<vmem>> -> memref<32xi32, #tpu.memory_space<vmem>>
        %dma_wait3A_1382 = arith.constant 0 : i32
        %dma_wait3A_1383 = tpu.memref_slice %arg4[%dma_wait3A_1377, %dma_wait3A_1382] : memref<4x32xi32, #tpu.memory_space<hbm>> -> memref<1x32xi32, #tpu.memory_space<hbm>>
        %dma_wait3A_1384 = tpu.memref_squeeze %dma_wait3A_1383 : memref<1x32xi32, #tpu.memory_space<hbm>> -> memref<32xi32, #tpu.memory_space<hbm>>
        %dma_wait3A_1385 = arith.constant 0 : i32
        %dma_wait3A_1386 = tpu.memref_slice %arg8[%dma_wait3A_1378, %dma_wait3A_1385] : memref<4x32xi32, #tpu.memory_space<vmem>> -> memref<1x32xi32, #tpu.memory_space<vmem>>
        %dma_wait3A_1387 = tpu.memref_squeeze %dma_wait3A_1386 : memref<1x32xi32, #tpu.memory_space<vmem>> -> memref<32xi32, #tpu.memory_space<vmem>>
        %dma_wait3A_1388 = arith.constant 0 : i32
        %dma_wait3A_1389 = tpu.memref_slice %arg4[%dma_wait3A_1377, %dma_wait3A_1388] : memref<4x32xi32, #tpu.memory_space<hbm>> -> memref<1x32xi32, #tpu.memory_space<hbm>>
        %dma_wait3A_1390 = tpu.memref_squeeze %dma_wait3A_1389 : memref<1x32xi32, #tpu.memory_space<hbm>> -> memref<32xi32, #tpu.memory_space<hbm>>
        tpu.wait_dma2 semaphore(%arg12 : memref<!tpu.dma_semaphore, #tpu.memory_space<semaphore_mem>>) src(%dma_wait3A_1390 : memref<32xi32, #tpu.memory_space<hbm>>) dst(%dma_wait3A_1387 : memref<32xi32, #tpu.memory_space<vmem>>)
        %dma_wait3A_1391 = arith.constant 0 : i32
        %dma_wait3A_1392 = arith.constant 0 : i32
        %dma_wait3A_1393 = arith.constant 0 : i32
        %dma_wait3A_1394 = arith.constant 0 : i32
        %dma_wait3A_1395 = tpu.memref_slice %arg7[%dma_wait3A_1392, %dma_wait3A_1393, %dma_wait3A_1394] : memref<4x32x768xf32, #tpu.memory_space<vmem>> -> memref<1x32x768xf32, #tpu.memory_space<vmem>>
        %dma_wait3A_1396 = tpu.memref_squeeze %dma_wait3A_1395 : memref<1x32x768xf32, #tpu.memory_space<vmem>> -> memref<32x768xf32, #tpu.memory_space<vmem>>
        %dma_wait3A_1397 = arith.constant 0 : i32
        %dma_wait3A_1398 = arith.constant 0 : i32
        %dma_wait3A_1399 = tpu.memref_slice %arg3[%dma_wait3A_1391, %dma_wait3A_1397, %dma_wait3A_1398] : memref<4x32x768xf32, #tpu.memory_space<hbm>> -> memref<1x32x768xf32, #tpu.memory_space<hbm>>
        %dma_wait3A_1400 = tpu.memref_squeeze %dma_wait3A_1399 : memref<1x32x768xf32, #tpu.memory_space<hbm>> -> memref<32x768xf32, #tpu.memory_space<hbm>>
        %dma_wait3A_1401 = arith.constant 0 : i32
        %dma_wait3A_1402 = arith.constant 0 : i32
        %dma_wait3A_1403 = tpu.memref_slice %arg7[%dma_wait3A_1392, %dma_wait3A_1401, %dma_wait3A_1402] : memref<4x32x768xf32, #tpu.memory_space<vmem>> -> memref<1x32x768xf32, #tpu.memory_space<vmem>>
        %dma_wait3A_1404 = tpu.memref_squeeze %dma_wait3A_1403 : memref<1x32x768xf32, #tpu.memory_space<vmem>> -> memref<32x768xf32, #tpu.memory_space<vmem>>
        %dma_wait3A_1405 = arith.constant 0 : i32
        %dma_wait3A_1406 = arith.constant 0 : i32
        %dma_wait3A_1407 = tpu.memref_slice %arg3[%dma_wait3A_1391, %dma_wait3A_1405, %dma_wait3A_1406] : memref<4x32x768xf32, #tpu.memory_space<hbm>> -> memref<1x32x768xf32, #tpu.memory_space<hbm>>
        %dma_wait3A_1408 = tpu.memref_squeeze %dma_wait3A_1407 : memref<1x32x768xf32, #tpu.memory_space<hbm>> -> memref<32x768xf32, #tpu.memory_space<hbm>>
        tpu.wait_dma2 semaphore(%arg11 : memref<!tpu.dma_semaphore, #tpu.memory_space<semaphore_mem>>) src(%dma_wait3A_1408 : memref<32x768xf32, #tpu.memory_space<hbm>>) dst(%dma_wait3A_1404 : memref<32x768xf32, #tpu.memory_space<vmem>>)
        %dma_wait3A_1409 = arith.constant 0 : i32
        %dma_wait3A_1410 = arith.constant 0 : i32
        %dma_wait3A_1411 = arith.constant 0 : i32
        %dma_wait3A_1412 = tpu.memref_slice %arg8[%dma_wait3A_1410, %dma_wait3A_1411] : memref<4x32xi32, #tpu.memory_space<vmem>> -> memref<1x32xi32, #tpu.memory_space<vmem>>
        %dma_wait3A_1413 = tpu.memref_squeeze %dma_wait3A_1412 : memref<1x32xi32, #tpu.memory_space<vmem>> -> memref<32xi32, #tpu.memory_space<vmem>>
        %dma_wait3A_1414 = arith.constant 0 : i32
        %dma_wait3A_1415 = tpu.memref_slice %arg4[%dma_wait3A_1409, %dma_wait3A_1414] : memref<4x32xi32, #tpu.memory_space<hbm>> -> memref<1x32xi32, #tpu.memory_space<hbm>>
        %dma_wait3A_1416 = tpu.memref_squeeze %dma_wait3A_1415 : memref<1x32xi32, #tpu.memory_space<hbm>> -> memref<32xi32, #tpu.memory_space<hbm>>
        %dma_wait3A_1417 = arith.constant 0 : i32
        %dma_wait3A_1418 = tpu.memref_slice %arg8[%dma_wait3A_1410, %dma_wait3A_1417] : memref<4x32xi32, #tpu.memory_space<vmem>> -> memref<1x32xi32, #tpu.memory_space<vmem>>
        %dma_wait3A_1419 = tpu.memref_squeeze %dma_wait3A_1418 : memref<1x32xi32, #tpu.memory_space<vmem>> -> memref<32xi32, #tpu.memory_space<vmem>>
        %dma_wait3A_1420 = arith.constant 0 : i32
        %dma_wait3A_1421 = tpu.memref_slice %arg4[%dma_wait3A_1409, %dma_wait3A_1420] : memref<4x32xi32, #tpu.memory_space<hbm>> -> memref<1x32xi32, #tpu.memory_space<hbm>>
        %dma_wait3A_1422 = tpu.memref_squeeze %dma_wait3A_1421 : memref<1x32xi32, #tpu.memory_space<hbm>> -> memref<32xi32, #tpu.memory_space<hbm>>
        tpu.wait_dma2 semaphore(%arg12 : memref<!tpu.dma_semaphore, #tpu.memory_space<semaphore_mem>>) src(%dma_wait3A_1422 : memref<32xi32, #tpu.memory_space<hbm>>) dst(%dma_wait3A_1419 : memref<32xi32, #tpu.memory_space<vmem>>)
        %dma_wait3A_1423 = arith.constant 0 : i32
        %dma_wait3A_1424 = arith.constant 0 : i32
        %dma_wait3A_1425 = arith.constant 0 : i32
        %dma_wait3A_1426 = arith.constant 0 : i32
        %dma_wait3A_1427 = tpu.memref_slice %arg7[%dma_wait3A_1424, %dma_wait3A_1425, %dma_wait3A_1426] : memref<4x32x768xf32, #tpu.memory_space<vmem>> -> memref<1x32x768xf32, #tpu.memory_space<vmem>>
        %dma_wait3A_1428 = tpu.memref_squeeze %dma_wait3A_1427 : memref<1x32x768xf32, #tpu.memory_space<vmem>> -> memref<32x768xf32, #tpu.memory_space<vmem>>
        %dma_wait3A_1429 = arith.constant 0 : i32
        %dma_wait3A_1430 = arith.constant 0 : i32
        %dma_wait3A_1431 = tpu.memref_slice %arg3[%dma_wait3A_1423, %dma_wait3A_1429, %dma_wait3A_1430] : memref<4x32x768xf32, #tpu.memory_space<hbm>> -> memref<1x32x768xf32, #tpu.memory_space<hbm>>
        %dma_wait3A_1432 = tpu.memref_squeeze %dma_wait3A_1431 : memref<1x32x768xf32, #tpu.memory_space<hbm>> -> memref<32x768xf32, #tpu.memory_space<hbm>>
        %dma_wait3A_1433 = arith.constant 0 : i32
        %dma_wait3A_1434 = arith.constant 0 : i32
        %dma_wait3A_1435 = tpu.memref_slice %arg7[%dma_wait3A_1424, %dma_wait3A_1433, %dma_wait3A_1434] : memref<4x32x768xf32, #tpu.memory_space<vmem>> -> memref<1x32x768xf32, #tpu.memory_space<vmem>>
        %dma_wait3A_1436 = tpu.memref_squeeze %dma_wait3A_1435 : memref<1x32x768xf32, #tpu.memory_space<vmem>> -> memref<32x768xf32, #tpu.memory_space<vmem>>
        %dma_wait3A_1437 = arith.constant 0 : i32
        %dma_wait3A_1438 = arith.constant 0 : i32
        %dma_wait3A_1439 = tpu.memref_slice %arg3[%dma_wait3A_1423, %dma_wait3A_1437, %dma_wait3A_1438] : memref<4x32x768xf32, #tpu.memory_space<hbm>> -> memref<1x32x768xf32, #tpu.memory_space<hbm>>
        %dma_wait3A_1440 = tpu.memref_squeeze %dma_wait3A_1439 : memref<1x32x768xf32, #tpu.memory_space<hbm>> -> memref<32x768xf32, #tpu.memory_space<hbm>>
        tpu.wait_dma2 semaphore(%arg11 : memref<!tpu.dma_semaphore, #tpu.memory_space<semaphore_mem>>) src(%dma_wait3A_1440 : memref<32x768xf32, #tpu.memory_space<hbm>>) dst(%dma_wait3A_1436 : memref<32x768xf32, #tpu.memory_space<vmem>>)
        %dma_wait3A_1441 = arith.constant 0 : i32
        %dma_wait3A_1442 = arith.constant 0 : i32
        %dma_wait3A_1443 = arith.constant 0 : i32
        %dma_wait3A_1444 = tpu.memref_slice %arg8[%dma_wait3A_1442, %dma_wait3A_1443] : memref<4x32xi32, #tpu.memory_space<vmem>> -> memref<1x32xi32, #tpu.memory_space<vmem>>
        %dma_wait3A_1445 = tpu.memref_squeeze %dma_wait3A_1444 : memref<1x32xi32, #tpu.memory_space<vmem>> -> memref<32xi32, #tpu.memory_space<vmem>>
        %dma_wait3A_1446 = arith.constant 0 : i32
        %dma_wait3A_1447 = tpu.memref_slice %arg4[%dma_wait3A_1441, %dma_wait3A_1446] : memref<4x32xi32, #tpu.memory_space<hbm>> -> memref<1x32xi32, #tpu.memory_space<hbm>>
        %dma_wait3A_1448 = tpu.memref_squeeze %dma_wait3A_1447 : memref<1x32xi32, #tpu.memory_space<hbm>> -> memref<32xi32, #tpu.memory_space<hbm>>
        %dma_wait3A_1449 = arith.constant 0 : i32
        %dma_wait3A_1450 = tpu.memref_slice %arg8[%dma_wait3A_1442, %dma_wait3A_1449] : memref<4x32xi32, #tpu.memory_space<vmem>> -> memref<1x32xi32, #tpu.memory_space<vmem>>
        %dma_wait3A_1451 = tpu.memref_squeeze %dma_wait3A_1450 : memref<1x32xi32, #tpu.memory_space<vmem>> -> memref<32xi32, #tpu.memory_space<vmem>>
        %dma_wait3A_1452 = arith.constant 0 : i32
        %dma_wait3A_1453 = tpu.memref_slice %arg4[%dma_wait3A_1441, %dma_wait3A_1452] : memref<4x32xi32, #tpu.memory_space<hbm>> -> memref<1x32xi32, #tpu.memory_space<hbm>>
        %dma_wait3A_1454 = tpu.memref_squeeze %dma_wait3A_1453 : memref<1x32xi32, #tpu.memory_space<hbm>> -> memref<32xi32, #tpu.memory_space<hbm>>
        tpu.wait_dma2 semaphore(%arg12 : memref<!tpu.dma_semaphore, #tpu.memory_space<semaphore_mem>>) src(%dma_wait3A_1454 : memref<32xi32, #tpu.memory_space<hbm>>) dst(%dma_wait3A_1451 : memref<32xi32, #tpu.memory_space<vmem>>)
        %dma_wait3A_1455 = arith.constant 0 : i32
        %dma_wait3A_1456 = arith.constant 0 : i32
        %dma_wait3A_1457 = arith.constant 0 : i32
        %dma_wait3A_1458 = arith.constant 0 : i32
        %dma_wait3A_1459 = tpu.memref_slice %arg7[%dma_wait3A_1456, %dma_wait3A_1457, %dma_wait3A_1458] : memref<4x32x768xf32, #tpu.memory_space<vmem>> -> memref<1x32x768xf32, #tpu.memory_space<vmem>>
        %dma_wait3A_1460 = tpu.memref_squeeze %dma_wait3A_1459 : memref<1x32x768xf32, #tpu.memory_space<vmem>> -> memref<32x768xf32, #tpu.memory_space<vmem>>
        %dma_wait3A_1461 = arith.constant 0 : i32
        %dma_wait3A_1462 = arith.constant 0 : i32
        %dma_wait3A_1463 = tpu.memref_slice %arg3[%dma_wait3A_1455, %dma_wait3A_1461, %dma_wait3A_1462] : memref<4x32x768xf32, #tpu.memory_space<hbm>> -> memref<1x32x768xf32, #tpu.memory_space<hbm>>
        %dma_wait3A_1464 = tpu.memref_squeeze %dma_wait3A_1463 : memref<1x32x768xf32, #tpu.memory_space<hbm>> -> memref<32x768xf32, #tpu.memory_space<hbm>>
        %dma_wait3A_1465 = arith.constant 0 : i32
        %dma_wait3A_1466 = arith.constant 0 : i32
        %dma_wait3A_1467 = tpu.memref_slice %arg7[%dma_wait3A_1456, %dma_wait3A_1465, %dma_wait3A_1466] : memref<4x32x768xf32, #tpu.memory_space<vmem>> -> memref<1x32x768xf32, #tpu.memory_space<vmem>>
        %dma_wait3A_1468 = tpu.memref_squeeze %dma_wait3A_1467 : memref<1x32x768xf32, #tpu.memory_space<vmem>> -> memref<32x768xf32, #tpu.memory_space<vmem>>
        %dma_wait3A_1469 = arith.constant 0 : i32
        %dma_wait3A_1470 = arith.constant 0 : i32
        %dma_wait3A_1471 = tpu.memref_slice %arg3[%dma_wait3A_1455, %dma_wait3A_1469, %dma_wait3A_1470] : memref<4x32x768xf32, #tpu.memory_space<hbm>> -> memref<1x32x768xf32, #tpu.memory_space<hbm>>
        %dma_wait3A_1472 = tpu.memref_squeeze %dma_wait3A_1471 : memref<1x32x768xf32, #tpu.memory_space<hbm>> -> memref<32x768xf32, #tpu.memory_space<hbm>>
        tpu.wait_dma2 semaphore(%arg11 : memref<!tpu.dma_semaphore, #tpu.memory_space<semaphore_mem>>) src(%dma_wait3A_1472 : memref<32x768xf32, #tpu.memory_space<hbm>>) dst(%dma_wait3A_1468 : memref<32x768xf32, #tpu.memory_space<vmem>>)
        %dma_wait3A_1473 = arith.constant 0 : i32
        %dma_wait3A_1474 = arith.constant 0 : i32
        %dma_wait3A_1475 = arith.constant 0 : i32
        %dma_wait3A_1476 = tpu.memref_slice %arg8[%dma_wait3A_1474, %dma_wait3A_1475] : memref<4x32xi32, #tpu.memory_space<vmem>> -> memref<1x32xi32, #tpu.memory_space<vmem>>
        %dma_wait3A_1477 = tpu.memref_squeeze %dma_wait3A_1476 : memref<1x32xi32, #tpu.memory_space<vmem>> -> memref<32xi32, #tpu.memory_space<vmem>>
        %dma_wait3A_1478 = arith.constant 0 : i32
        %dma_wait3A_1479 = tpu.memref_slice %arg4[%dma_wait3A_1473, %dma_wait3A_1478] : memref<4x32xi32, #tpu.memory_space<hbm>> -> memref<1x32xi32, #tpu.memory_space<hbm>>
        %dma_wait3A_1480 = tpu.memref_squeeze %dma_wait3A_1479 : memref<1x32xi32, #tpu.memory_space<hbm>> -> memref<32xi32, #tpu.memory_space<hbm>>
        %dma_wait3A_1481 = arith.constant 0 : i32
        %dma_wait3A_1482 = tpu.memref_slice %arg8[%dma_wait3A_1474, %dma_wait3A_1481] : memref<4x32xi32, #tpu.memory_space<vmem>> -> memref<1x32xi32, #tpu.memory_space<vmem>>
        %dma_wait3A_1483 = tpu.memref_squeeze %dma_wait3A_1482 : memref<1x32xi32, #tpu.memory_space<vmem>> -> memref<32xi32, #tpu.memory_space<vmem>>
        %dma_wait3A_1484 = arith.constant 0 : i32
        %dma_wait3A_1485 = tpu.memref_slice %arg4[%dma_wait3A_1473, %dma_wait3A_1484] : memref<4x32xi32, #tpu.memory_space<hbm>> -> memref<1x32xi32, #tpu.memory_space<hbm>>
        %dma_wait3A_1486 = tpu.memref_squeeze %dma_wait3A_1485 : memref<1x32xi32, #tpu.memory_space<hbm>> -> memref<32xi32, #tpu.memory_space<hbm>>
        tpu.wait_dma2 semaphore(%arg12 : memref<!tpu.dma_semaphore, #tpu.memory_space<semaphore_mem>>) src(%dma_wait3A_1486 : memref<32xi32, #tpu.memory_space<hbm>>) dst(%dma_wait3A_1483 : memref<32xi32, #tpu.memory_space<vmem>>)
        %dma_wait3A_1487 = arith.constant 0 : i32
        %dma_wait3A_1488 = arith.constant 0 : i32
        %dma_wait3A_1489 = arith.constant 0 : i32
        %dma_wait3A_1490 = arith.constant 0 : i32
        %dma_wait3A_1491 = tpu.memref_slice %arg7[%dma_wait3A_1488, %dma_wait3A_1489, %dma_wait3A_1490] : memref<4x32x768xf32, #tpu.memory_space<vmem>> -> memref<1x32x768xf32, #tpu.memory_space<vmem>>
        %dma_wait3A_1492 = tpu.memref_squeeze %dma_wait3A_1491 : memref<1x32x768xf32, #tpu.memory_space<vmem>> -> memref<32x768xf32, #tpu.memory_space<vmem>>
        %dma_wait3A_1493 = arith.constant 0 : i32
        %dma_wait3A_1494 = arith.constant 0 : i32
        %dma_wait3A_1495 = tpu.memref_slice %arg3[%dma_wait3A_1487, %dma_wait3A_1493, %dma_wait3A_1494] : memref<4x32x768xf32, #tpu.memory_space<hbm>> -> memref<1x32x768xf32, #tpu.memory_space<hbm>>
        %dma_wait3A_1496 = tpu.memref_squeeze %dma_wait3A_1495 : memref<1x32x768xf32, #tpu.memory_space<hbm>> -> memref<32x768xf32, #tpu.memory_space<hbm>>
        %dma_wait3A_1497 = arith.constant 0 : i32
        %dma_wait3A_1498 = arith.constant 0 : i32
        %dma_wait3A_1499 = tpu.memref_slice %arg7[%dma_wait3A_1488, %dma_wait3A_1497, %dma_wait3A_1498] : memref<4x32x768xf32, #tpu.memory_space<vmem>> -> memref<1x32x768xf32, #tpu.memory_space<vmem>>
        %dma_wait3A_1500 = tpu.memref_squeeze %dma_wait3A_1499 : memref<1x32x768xf32, #tpu.memory_space<vmem>> -> memref<32x768xf32, #tpu.memory_space<vmem>>
        %dma_wait3A_1501 = arith.constant 0 : i32
        %dma_wait3A_1502 = arith.constant 0 : i32
        %dma_wait3A_1503 = tpu.memref_slice %arg3[%dma_wait3A_1487, %dma_wait3A_1501, %dma_wait3A_1502] : memref<4x32x768xf32, #tpu.memory_space<hbm>> -> memref<1x32x768xf32, #tpu.memory_space<hbm>>
        %dma_wait3A_1504 = tpu.memref_squeeze %dma_wait3A_1503 : memref<1x32x768xf32, #tpu.memory_space<hbm>> -> memref<32x768xf32, #tpu.memory_space<hbm>>
        tpu.wait_dma2 semaphore(%arg11 : memref<!tpu.dma_semaphore, #tpu.memory_space<semaphore_mem>>) src(%dma_wait3A_1504 : memref<32x768xf32, #tpu.memory_space<hbm>>) dst(%dma_wait3A_1500 : memref<32x768xf32, #tpu.memory_space<vmem>>)
        %dma_wait3A_1505 = arith.constant 0 : i32
        %dma_wait3A_1506 = arith.constant 0 : i32
        %dma_wait3A_1507 = arith.constant 0 : i32
        %dma_wait3A_1508 = tpu.memref_slice %arg8[%dma_wait3A_1506, %dma_wait3A_1507] : memref<4x32xi32, #tpu.memory_space<vmem>> -> memref<1x32xi32, #tpu.memory_space<vmem>>
        %dma_wait3A_1509 = tpu.memref_squeeze %dma_wait3A_1508 : memref<1x32xi32, #tpu.memory_space<vmem>> -> memref<32xi32, #tpu.memory_space<vmem>>
        %dma_wait3A_1510 = arith.constant 0 : i32
        %dma_wait3A_1511 = tpu.memref_slice %arg4[%dma_wait3A_1505, %dma_wait3A_1510] : memref<4x32xi32, #tpu.memory_space<hbm>> -> memref<1x32xi32, #tpu.memory_space<hbm>>
        %dma_wait3A_1512 = tpu.memref_squeeze %dma_wait3A_1511 : memref<1x32xi32, #tpu.memory_space<hbm>> -> memref<32xi32, #tpu.memory_space<hbm>>
        %dma_wait3A_1513 = arith.constant 0 : i32
        %dma_wait3A_1514 = tpu.memref_slice %arg8[%dma_wait3A_1506, %dma_wait3A_1513] : memref<4x32xi32, #tpu.memory_space<vmem>> -> memref<1x32xi32, #tpu.memory_space<vmem>>
        %dma_wait3A_1515 = tpu.memref_squeeze %dma_wait3A_1514 : memref<1x32xi32, #tpu.memory_space<vmem>> -> memref<32xi32, #tpu.memory_space<vmem>>
        %dma_wait3A_1516 = arith.constant 0 : i32
        %dma_wait3A_1517 = tpu.memref_slice %arg4[%dma_wait3A_1505, %dma_wait3A_1516] : memref<4x32xi32, #tpu.memory_space<hbm>> -> memref<1x32xi32, #tpu.memory_space<hbm>>
        %dma_wait3A_1518 = tpu.memref_squeeze %dma_wait3A_1517 : memref<1x32xi32, #tpu.memory_space<hbm>> -> memref<32xi32, #tpu.memory_space<hbm>>
        tpu.wait_dma2 semaphore(%arg12 : memref<!tpu.dma_semaphore, #tpu.memory_space<semaphore_mem>>) src(%dma_wait3A_1518 : memref<32xi32, #tpu.memory_space<hbm>>) dst(%dma_wait3A_1515 : memref<32xi32, #tpu.memory_space<vmem>>)
        %dma_wait3A_1519 = arith.constant 0 : i32
        %dma_wait3A_1520 = arith.constant 0 : i32
        %dma_wait3A_1521 = arith.constant 0 : i32
        %dma_wait3A_1522 = arith.constant 0 : i32
        %dma_wait3A_1523 = tpu.memref_slice %arg7[%dma_wait3A_1520, %dma_wait3A_1521, %dma_wait3A_1522] : memref<4x32x768xf32, #tpu.memory_space<vmem>> -> memref<1x32x768xf32, #tpu.memory_space<vmem>>
        %dma_wait3A_1524 = tpu.memref_squeeze %dma_wait3A_1523 : memref<1x32x768xf32, #tpu.memory_space<vmem>> -> memref<32x768xf32, #tpu.memory_space<vmem>>
        %dma_wait3A_1525 = arith.constant 0 : i32
        %dma_wait3A_1526 = arith.constant 0 : i32
        %dma_wait3A_1527 = tpu.memref_slice %arg3[%dma_wait3A_1519, %dma_wait3A_1525, %dma_wait3A_1526] : memref<4x32x768xf32, #tpu.memory_space<hbm>> -> memref<1x32x768xf32, #tpu.memory_space<hbm>>
        %dma_wait3A_1528 = tpu.memref_squeeze %dma_wait3A_1527 : memref<1x32x768xf32, #tpu.memory_space<hbm>> -> memref<32x768xf32, #tpu.memory_space<hbm>>
        %dma_wait3A_1529 = arith.constant 0 : i32
        %dma_wait3A_1530 = arith.constant 0 : i32
        %dma_wait3A_1531 = tpu.memref_slice %arg7[%dma_wait3A_1520, %dma_wait3A_1529, %dma_wait3A_1530] : memref<4x32x768xf32, #tpu.memory_space<vmem>> -> memref<1x32x768xf32, #tpu.memory_space<vmem>>
        %dma_wait3A_1532 = tpu.memref_squeeze %dma_wait3A_1531 : memref<1x32x768xf32, #tpu.memory_space<vmem>> -> memref<32x768xf32, #tpu.memory_space<vmem>>
        %dma_wait3A_1533 = arith.constant 0 : i32
        %dma_wait3A_1534 = arith.constant 0 : i32
        %dma_wait3A_1535 = tpu.memref_slice %arg3[%dma_wait3A_1519, %dma_wait3A_1533, %dma_wait3A_1534] : memref<4x32x768xf32, #tpu.memory_space<hbm>> -> memref<1x32x768xf32, #tpu.memory_space<hbm>>
        %dma_wait3A_1536 = tpu.memref_squeeze %dma_wait3A_1535 : memref<1x32x768xf32, #tpu.memory_space<hbm>> -> memref<32x768xf32, #tpu.memory_space<hbm>>
        tpu.wait_dma2 semaphore(%arg11 : memref<!tpu.dma_semaphore, #tpu.memory_space<semaphore_mem>>) src(%dma_wait3A_1536 : memref<32x768xf32, #tpu.memory_space<hbm>>) dst(%dma_wait3A_1532 : memref<32x768xf32, #tpu.memory_space<vmem>>)
        %dma_wait3A_1537 = arith.constant 0 : i32
        %dma_wait3A_1538 = arith.constant 0 : i32
        %dma_wait3A_1539 = arith.constant 0 : i32
        %dma_wait3A_1540 = tpu.memref_slice %arg8[%dma_wait3A_1538, %dma_wait3A_1539] : memref<4x32xi32, #tpu.memory_space<vmem>> -> memref<1x32xi32, #tpu.memory_space<vmem>>
        %dma_wait3A_1541 = tpu.memref_squeeze %dma_wait3A_1540 : memref<1x32xi32, #tpu.memory_space<vmem>> -> memref<32xi32, #tpu.memory_space<vmem>>
        %dma_wait3A_1542 = arith.constant 0 : i32
        %dma_wait3A_1543 = tpu.memref_slice %arg4[%dma_wait3A_1537, %dma_wait3A_1542] : memref<4x32xi32, #tpu.memory_space<hbm>> -> memref<1x32xi32, #tpu.memory_space<hbm>>
        %dma_wait3A_1544 = tpu.memref_squeeze %dma_wait3A_1543 : memref<1x32xi32, #tpu.memory_space<hbm>> -> memref<32xi32, #tpu.memory_space<hbm>>
        %dma_wait3A_1545 = arith.constant 0 : i32
        %dma_wait3A_1546 = tpu.memref_slice %arg8[%dma_wait3A_1538, %dma_wait3A_1545] : memref<4x32xi32, #tpu.memory_space<vmem>> -> memref<1x32xi32, #tpu.memory_space<vmem>>
        %dma_wait3A_1547 = tpu.memref_squeeze %dma_wait3A_1546 : memref<1x32xi32, #tpu.memory_space<vmem>> -> memref<32xi32, #tpu.memory_space<vmem>>
        %dma_wait3A_1548 = arith.constant 0 : i32
        %dma_wait3A_1549 = tpu.memref_slice %arg4[%dma_wait3A_1537, %dma_wait3A_1548] : memref<4x32xi32, #tpu.memory_space<hbm>> -> memref<1x32xi32, #tpu.memory_space<hbm>>
        %dma_wait3A_1550 = tpu.memref_squeeze %dma_wait3A_1549 : memref<1x32xi32, #tpu.memory_space<hbm>> -> memref<32xi32, #tpu.memory_space<hbm>>
        tpu.wait_dma2 semaphore(%arg12 : memref<!tpu.dma_semaphore, #tpu.memory_space<semaphore_mem>>) src(%dma_wait3A_1550 : memref<32xi32, #tpu.memory_space<hbm>>) dst(%dma_wait3A_1547 : memref<32xi32, #tpu.memory_space<vmem>>)
        %dma_wait3A_1551 = arith.constant 0 : i32
        %dma_wait3A_1552 = arith.constant 0 : i32
        %dma_wait3A_1553 = arith.constant 0 : i32
        %dma_wait3A_1554 = arith.constant 0 : i32
        %dma_wait3A_1555 = tpu.memref_slice %arg7[%dma_wait3A_1552, %dma_wait3A_1553, %dma_wait3A_1554] : memref<4x32x768xf32, #tpu.memory_space<vmem>> -> memref<1x32x768xf32, #tpu.memory_space<vmem>>
        %dma_wait3A_1556 = tpu.memref_squeeze %dma_wait3A_1555 : memref<1x32x768xf32, #tpu.memory_space<vmem>> -> memref<32x768xf32, #tpu.memory_space<vmem>>
        %dma_wait3A_1557 = arith.constant 0 : i32
        %dma_wait3A_1558 = arith.constant 0 : i32
        %dma_wait3A_1559 = tpu.memref_slice %arg3[%dma_wait3A_1551, %dma_wait3A_1557, %dma_wait3A_1558] : memref<4x32x768xf32, #tpu.memory_space<hbm>> -> memref<1x32x768xf32, #tpu.memory_space<hbm>>
        %dma_wait3A_1560 = tpu.memref_squeeze %dma_wait3A_1559 : memref<1x32x768xf32, #tpu.memory_space<hbm>> -> memref<32x768xf32, #tpu.memory_space<hbm>>
        %dma_wait3A_1561 = arith.constant 0 : i32
        %dma_wait3A_1562 = arith.constant 0 : i32
        %dma_wait3A_1563 = tpu.memref_slice %arg7[%dma_wait3A_1552, %dma_wait3A_1561, %dma_wait3A_1562] : memref<4x32x768xf32, #tpu.memory_space<vmem>> -> memref<1x32x768xf32, #tpu.memory_space<vmem>>
        %dma_wait3A_1564 = tpu.memref_squeeze %dma_wait3A_1563 : memref<1x32x768xf32, #tpu.memory_space<vmem>> -> memref<32x768xf32, #tpu.memory_space<vmem>>
        %dma_wait3A_1565 = arith.constant 0 : i32
        %dma_wait3A_1566 = arith.constant 0 : i32
        %dma_wait3A_1567 = tpu.memref_slice %arg3[%dma_wait3A_1551, %dma_wait3A_1565, %dma_wait3A_1566] : memref<4x32x768xf32, #tpu.memory_space<hbm>> -> memref<1x32x768xf32, #tpu.memory_space<hbm>>
        %dma_wait3A_1568 = tpu.memref_squeeze %dma_wait3A_1567 : memref<1x32x768xf32, #tpu.memory_space<hbm>> -> memref<32x768xf32, #tpu.memory_space<hbm>>
        tpu.wait_dma2 semaphore(%arg11 : memref<!tpu.dma_semaphore, #tpu.memory_space<semaphore_mem>>) src(%dma_wait3A_1568 : memref<32x768xf32, #tpu.memory_space<hbm>>) dst(%dma_wait3A_1564 : memref<32x768xf32, #tpu.memory_space<vmem>>)
        %dma_wait3A_1569 = arith.constant 0 : i32
        %dma_wait3A_1570 = arith.constant 0 : i32
        %dma_wait3A_1571 = arith.constant 0 : i32
        %dma_wait3A_1572 = tpu.memref_slice %arg8[%dma_wait3A_1570, %dma_wait3A_1571] : memref<4x32xi32, #tpu.memory_space<vmem>> -> memref<1x32xi32, #tpu.memory_space<vmem>>
        %dma_wait3A_1573 = tpu.memref_squeeze %dma_wait3A_1572 : memref<1x32xi32, #tpu.memory_space<vmem>> -> memref<32xi32, #tpu.memory_space<vmem>>
        %dma_wait3A_1574 = arith.constant 0 : i32
        %dma_wait3A_1575 = tpu.memref_slice %arg4[%dma_wait3A_1569, %dma_wait3A_1574] : memref<4x32xi32, #tpu.memory_space<hbm>> -> memref<1x32xi32, #tpu.memory_space<hbm>>
        %dma_wait3A_1576 = tpu.memref_squeeze %dma_wait3A_1575 : memref<1x32xi32, #tpu.memory_space<hbm>> -> memref<32xi32, #tpu.memory_space<hbm>>
        %dma_wait3A_1577 = arith.constant 0 : i32
        %dma_wait3A_1578 = tpu.memref_slice %arg8[%dma_wait3A_1570, %dma_wait3A_1577] : memref<4x32xi32, #tpu.memory_space<vmem>> -> memref<1x32xi32, #tpu.memory_space<vmem>>
        %dma_wait3A_1579 = tpu.memref_squeeze %dma_wait3A_1578 : memref<1x32xi32, #tpu.memory_space<vmem>> -> memref<32xi32, #tpu.memory_space<vmem>>
        %dma_wait3A_1580 = arith.constant 0 : i32
        %dma_wait3A_1581 = tpu.memref_slice %arg4[%dma_wait3A_1569, %dma_wait3A_1580] : memref<4x32xi32, #tpu.memory_space<hbm>> -> memref<1x32xi32, #tpu.memory_space<hbm>>
        %dma_wait3A_1582 = tpu.memref_squeeze %dma_wait3A_1581 : memref<1x32xi32, #tpu.memory_space<hbm>> -> memref<32xi32, #tpu.memory_space<hbm>>
        tpu.wait_dma2 semaphore(%arg12 : memref<!tpu.dma_semaphore, #tpu.memory_space<semaphore_mem>>) src(%dma_wait3A_1582 : memref<32xi32, #tpu.memory_space<hbm>>) dst(%dma_wait3A_1579 : memref<32xi32, #tpu.memory_space<vmem>>)
        %dma_wait3A_1583 = arith.constant 0 : i32
        %dma_wait3A_1584 = arith.constant 0 : i32
        %dma_wait3A_1585 = arith.constant 0 : i32
        %dma_wait3A_1586 = arith.constant 0 : i32
        %dma_wait3A_1587 = tpu.memref_slice %arg7[%dma_wait3A_1584, %dma_wait3A_1585, %dma_wait3A_1586] : memref<4x32x768xf32, #tpu.memory_space<vmem>> -> memref<1x32x768xf32, #tpu.memory_space<vmem>>
        %dma_wait3A_1588 = tpu.memref_squeeze %dma_wait3A_1587 : memref<1x32x768xf32, #tpu.memory_space<vmem>> -> memref<32x768xf32, #tpu.memory_space<vmem>>
        %dma_wait3A_1589 = arith.constant 0 : i32
        %dma_wait3A_1590 = arith.constant 0 : i32
        %dma_wait3A_1591 = tpu.memref_slice %arg3[%dma_wait3A_1583, %dma_wait3A_1589, %dma_wait3A_1590] : memref<4x32x768xf32, #tpu.memory_space<hbm>> -> memref<1x32x768xf32, #tpu.memory_space<hbm>>
        %dma_wait3A_1592 = tpu.memref_squeeze %dma_wait3A_1591 : memref<1x32x768xf32, #tpu.memory_space<hbm>> -> memref<32x768xf32, #tpu.memory_space<hbm>>
        %dma_wait3A_1593 = arith.constant 0 : i32
        %dma_wait3A_1594 = arith.constant 0 : i32
        %dma_wait3A_1595 = tpu.memref_slice %arg7[%dma_wait3A_1584, %dma_wait3A_1593, %dma_wait3A_1594] : memref<4x32x768xf32, #tpu.memory_space<vmem>> -> memref<1x32x768xf32, #tpu.memory_space<vmem>>
        %dma_wait3A_1596 = tpu.memref_squeeze %dma_wait3A_1595 : memref<1x32x768xf32, #tpu.memory_space<vmem>> -> memref<32x768xf32, #tpu.memory_space<vmem>>
        %dma_wait3A_1597 = arith.constant 0 : i32
        %dma_wait3A_1598 = arith.constant 0 : i32
        %dma_wait3A_1599 = tpu.memref_slice %arg3[%dma_wait3A_1583, %dma_wait3A_1597, %dma_wait3A_1598] : memref<4x32x768xf32, #tpu.memory_space<hbm>> -> memref<1x32x768xf32, #tpu.memory_space<hbm>>
        %dma_wait3A_1600 = tpu.memref_squeeze %dma_wait3A_1599 : memref<1x32x768xf32, #tpu.memory_space<hbm>> -> memref<32x768xf32, #tpu.memory_space<hbm>>
        tpu.wait_dma2 semaphore(%arg11 : memref<!tpu.dma_semaphore, #tpu.memory_space<semaphore_mem>>) src(%dma_wait3A_1600 : memref<32x768xf32, #tpu.memory_space<hbm>>) dst(%dma_wait3A_1596 : memref<32x768xf32, #tpu.memory_space<vmem>>)
        %dma_wait3A_1601 = arith.constant 0 : i32
        %dma_wait3A_1602 = arith.constant 0 : i32
        %dma_wait3A_1603 = arith.constant 0 : i32
        %dma_wait3A_1604 = tpu.memref_slice %arg8[%dma_wait3A_1602, %dma_wait3A_1603] : memref<4x32xi32, #tpu.memory_space<vmem>> -> memref<1x32xi32, #tpu.memory_space<vmem>>
        %dma_wait3A_1605 = tpu.memref_squeeze %dma_wait3A_1604 : memref<1x32xi32, #tpu.memory_space<vmem>> -> memref<32xi32, #tpu.memory_space<vmem>>
        %dma_wait3A_1606 = arith.constant 0 : i32
        %dma_wait3A_1607 = tpu.memref_slice %arg4[%dma_wait3A_1601, %dma_wait3A_1606] : memref<4x32xi32, #tpu.memory_space<hbm>> -> memref<1x32xi32, #tpu.memory_space<hbm>>
        %dma_wait3A_1608 = tpu.memref_squeeze %dma_wait3A_1607 : memref<1x32xi32, #tpu.memory_space<hbm>> -> memref<32xi32, #tpu.memory_space<hbm>>
        %dma_wait3A_1609 = arith.constant 0 : i32
        %dma_wait3A_1610 = tpu.memref_slice %arg8[%dma_wait3A_1602, %dma_wait3A_1609] : memref<4x32xi32, #tpu.memory_space<vmem>> -> memref<1x32xi32, #tpu.memory_space<vmem>>
        %dma_wait3A_1611 = tpu.memref_squeeze %dma_wait3A_1610 : memref<1x32xi32, #tpu.memory_space<vmem>> -> memref<32xi32, #tpu.memory_space<vmem>>
        %dma_wait3A_1612 = arith.constant 0 : i32
        %dma_wait3A_1613 = tpu.memref_slice %arg4[%dma_wait3A_1601, %dma_wait3A_1612] : memref<4x32xi32, #tpu.memory_space<hbm>> -> memref<1x32xi32, #tpu.memory_space<hbm>>
        %dma_wait3A_1614 = tpu.memref_squeeze %dma_wait3A_1613 : memref<1x32xi32, #tpu.memory_space<hbm>> -> memref<32xi32, #tpu.memory_space<hbm>>
        tpu.wait_dma2 semaphore(%arg12 : memref<!tpu.dma_semaphore, #tpu.memory_space<semaphore_mem>>) src(%dma_wait3A_1614 : memref<32xi32, #tpu.memory_space<hbm>>) dst(%dma_wait3A_1611 : memref<32xi32, #tpu.memory_space<vmem>>)
      } else {
      }
    }
    %scan3A_9 = arith.constant 32 : i32
    %dma_wait3A_10 = arith.constant 0 : i32
    %dma_wait3A_11 = arith.constant 0 : i32
    %dma_wait3A_12 = arith.constant 0 : i32
    %dma_wait3A_13 = arith.constant 0 : i32
    %dma_wait3A_14 = tpu.memref_slice %arg7[%dma_wait3A_11, %dma_wait3A_12, %dma_wait3A_13] : memref<4x32x768xf32, #tpu.memory_space<vmem>> -> memref<1x32x768xf32, #tpu.memory_space<vmem>>
    %dma_wait3A_15 = tpu.memref_squeeze %dma_wait3A_14 : memref<1x32x768xf32, #tpu.memory_space<vmem>> -> memref<32x768xf32, #tpu.memory_space<vmem>>
    %dma_wait3A_16 = arith.constant 0 : i32
    %dma_wait3A_17 = arith.constant 0 : i32
    %dma_wait3A_18 = tpu.memref_slice %arg3[%dma_wait3A_10, %dma_wait3A_16, %dma_wait3A_17] : memref<4x32x768xf32, #tpu.memory_space<hbm>> -> memref<1x32x768xf32, #tpu.memory_space<hbm>>
    %dma_wait3A_19 = tpu.memref_squeeze %dma_wait3A_18 : memref<1x32x768xf32, #tpu.memory_space<hbm>> -> memref<32x768xf32, #tpu.memory_space<hbm>>
    %dma_wait3A_20 = arith.constant 0 : i32
    %dma_wait3A_21 = arith.constant 0 : i32
    %dma_wait3A_22 = tpu.memref_slice %arg7[%dma_wait3A_11, %dma_wait3A_20, %dma_wait3A_21] : memref<4x32x768xf32, #tpu.memory_space<vmem>> -> memref<1x32x768xf32, #tpu.memory_space<vmem>>
    %dma_wait3A_23 = tpu.memref_squeeze %dma_wait3A_22 : memref<1x32x768xf32, #tpu.memory_space<vmem>> -> memref<32x768xf32, #tpu.memory_space<vmem>>
    %dma_wait3A_24 = arith.constant 0 : i32
    %dma_wait3A_25 = arith.constant 0 : i32
    %dma_wait3A_26 = tpu.memref_slice %arg3[%dma_wait3A_10, %dma_wait3A_24, %dma_wait3A_25] : memref<4x32x768xf32, #tpu.memory_space<hbm>> -> memref<1x32x768xf32, #tpu.memory_space<hbm>>
    %dma_wait3A_27 = tpu.memref_squeeze %dma_wait3A_26 : memref<1x32x768xf32, #tpu.memory_space<hbm>> -> memref<32x768xf32, #tpu.memory_space<hbm>>
    tpu.wait_dma2 semaphore(%arg11 : memref<!tpu.dma_semaphore, #tpu.memory_space<semaphore_mem>>) src(%dma_wait3A_27 : memref<32x768xf32, #tpu.memory_space<hbm>>) dst(%dma_wait3A_23 : memref<32x768xf32, #tpu.memory_space<vmem>>)
    %dma_wait3A_28 = arith.constant 0 : i32
    %dma_wait3A_29 = arith.constant 0 : i32
    %dma_wait3A_30 = arith.constant 0 : i32
    %dma_wait3A_31 = tpu.memref_slice %arg8[%dma_wait3A_29, %dma_wait3A_30] : memref<4x32xi32, #tpu.memory_space<vmem>> -> memref<1x32xi32, #tpu.memory_space<vmem>>
    %dma_wait3A_32 = tpu.memref_squeeze %dma_wait3A_31 : memref<1x32xi32, #tpu.memory_space<vmem>> -> memref<32xi32, #tpu.memory_space<vmem>>
    %dma_wait3A_33 = arith.constant 0 : i32
    %dma_wait3A_34 = tpu.memref_slice %arg4[%dma_wait3A_28, %dma_wait3A_33] : memref<4x32xi32, #tpu.memory_space<hbm>> -> memref<1x32xi32, #tpu.memory_space<hbm>>
    %dma_wait3A_35 = tpu.memref_squeeze %dma_wait3A_34 : memref<1x32xi32, #tpu.memory_space<hbm>> -> memref<32xi32, #tpu.memory_space<hbm>>
    %dma_wait3A_36 = arith.constant 0 : i32
    %dma_wait3A_37 = tpu.memref_slice %arg8[%dma_wait3A_29, %dma_wait3A_36] : memref<4x32xi32, #tpu.memory_space<vmem>> -> memref<1x32xi32, #tpu.memory_space<vmem>>
    %dma_wait3A_38 = tpu.memref_squeeze %dma_wait3A_37 : memref<1x32xi32, #tpu.memory_space<vmem>> -> memref<32xi32, #tpu.memory_space<vmem>>
    %dma_wait3A_39 = arith.constant 0 : i32
    %dma_wait3A_40 = tpu.memref_slice %arg4[%dma_wait3A_28, %dma_wait3A_39] : memref<4x32xi32, #tpu.memory_space<hbm>> -> memref<1x32xi32, #tpu.memory_space<hbm>>
    %dma_wait3A_41 = tpu.memref_squeeze %dma_wait3A_40 : memref<1x32xi32, #tpu.memory_space<hbm>> -> memref<32xi32, #tpu.memory_space<hbm>>
    tpu.wait_dma2 semaphore(%arg12 : memref<!tpu.dma_semaphore, #tpu.memory_space<semaphore_mem>>) src(%dma_wait3A_41 : memref<32xi32, #tpu.memory_space<hbm>>) dst(%dma_wait3A_38 : memref<32xi32, #tpu.memory_space<vmem>>)
    %dma_wait3A_42 = arith.constant 0 : i32
    %dma_wait3A_43 = arith.constant 0 : i32
    %dma_wait3A_44 = arith.constant 0 : i32
    %dma_wait3A_45 = arith.constant 0 : i32
    %dma_wait3A_46 = tpu.memref_slice %arg7[%dma_wait3A_43, %dma_wait3A_44, %dma_wait3A_45] : memref<4x32x768xf32, #tpu.memory_space<vmem>> -> memref<1x32x768xf32, #tpu.memory_space<vmem>>
    %dma_wait3A_47 = tpu.memref_squeeze %dma_wait3A_46 : memref<1x32x768xf32, #tpu.memory_space<vmem>> -> memref<32x768xf32, #tpu.memory_space<vmem>>
    %dma_wait3A_48 = arith.constant 0 : i32
    %dma_wait3A_49 = arith.constant 0 : i32
    %dma_wait3A_50 = tpu.memref_slice %arg3[%dma_wait3A_42, %dma_wait3A_48, %dma_wait3A_49] : memref<4x32x768xf32, #tpu.memory_space<hbm>> -> memref<1x32x768xf32, #tpu.memory_space<hbm>>
    %dma_wait3A_51 = tpu.memref_squeeze %dma_wait3A_50 : memref<1x32x768xf32, #tpu.memory_space<hbm>> -> memref<32x768xf32, #tpu.memory_space<hbm>>
    %dma_wait3A_52 = arith.constant 0 : i32
    %dma_wait3A_53 = arith.constant 0 : i32
    %dma_wait3A_54 = tpu.memref_slice %arg7[%dma_wait3A_43, %dma_wait3A_52, %dma_wait3A_53] : memref<4x32x768xf32, #tpu.memory_space<vmem>> -> memref<1x32x768xf32, #tpu.memory_space<vmem>>
    %dma_wait3A_55 = tpu.memref_squeeze %dma_wait3A_54 : memref<1x32x768xf32, #tpu.memory_space<vmem>> -> memref<32x768xf32, #tpu.memory_space<vmem>>
    %dma_wait3A_56 = arith.constant 0 : i32
    %dma_wait3A_57 = arith.constant 0 : i32
    %dma_wait3A_58 = tpu.memref_slice %arg3[%dma_wait3A_42, %dma_wait3A_56, %dma_wait3A_57] : memref<4x32x768xf32, #tpu.memory_space<hbm>> -> memref<1x32x768xf32, #tpu.memory_space<hbm>>
    %dma_wait3A_59 = tpu.memref_squeeze %dma_wait3A_58 : memref<1x32x768xf32, #tpu.memory_space<hbm>> -> memref<32x768xf32, #tpu.memory_space<hbm>>
    tpu.wait_dma2 semaphore(%arg11 : memref<!tpu.dma_semaphore, #tpu.memory_space<semaphore_mem>>) src(%dma_wait3A_59 : memref<32x768xf32, #tpu.memory_space<hbm>>) dst(%dma_wait3A_55 : memref<32x768xf32, #tpu.memory_space<vmem>>)
    %dma_wait3A_60 = arith.constant 0 : i32
    %dma_wait3A_61 = arith.constant 0 : i32
    %dma_wait3A_62 = arith.constant 0 : i32
    %dma_wait3A_63 = tpu.memref_slice %arg8[%dma_wait3A_61, %dma_wait3A_62] : memref<4x32xi32, #tpu.memory_space<vmem>> -> memref<1x32xi32, #tpu.memory_space<vmem>>
    %dma_wait3A_64 = tpu.memref_squeeze %dma_wait3A_63 : memref<1x32xi32, #tpu.memory_space<vmem>> -> memref<32xi32, #tpu.memory_space<vmem>>
    %dma_wait3A_65 = arith.constant 0 : i32
    %dma_wait3A_66 = tpu.memref_slice %arg4[%dma_wait3A_60, %dma_wait3A_65] : memref<4x32xi32, #tpu.memory_space<hbm>> -> memref<1x32xi32, #tpu.memory_space<hbm>>
    %dma_wait3A_67 = tpu.memref_squeeze %dma_wait3A_66 : memref<1x32xi32, #tpu.memory_space<hbm>> -> memref<32xi32, #tpu.memory_space<hbm>>
    %dma_wait3A_68 = arith.constant 0 : i32
    %dma_wait3A_69 = tpu.memref_slice %arg8[%dma_wait3A_61, %dma_wait3A_68] : memref<4x32xi32, #tpu.memory_space<vmem>> -> memref<1x32xi32, #tpu.memory_space<vmem>>
    %dma_wait3A_70 = tpu.memref_squeeze %dma_wait3A_69 : memref<1x32xi32, #tpu.memory_space<vmem>> -> memref<32xi32, #tpu.memory_space<vmem>>
    %dma_wait3A_71 = arith.constant 0 : i32
    %dma_wait3A_72 = tpu.memref_slice %arg4[%dma_wait3A_60, %dma_wait3A_71] : memref<4x32xi32, #tpu.memory_space<hbm>> -> memref<1x32xi32, #tpu.memory_space<hbm>>
    %dma_wait3A_73 = tpu.memref_squeeze %dma_wait3A_72 : memref<1x32xi32, #tpu.memory_space<hbm>> -> memref<32xi32, #tpu.memory_space<hbm>>
    tpu.wait_dma2 semaphore(%arg12 : memref<!tpu.dma_semaphore, #tpu.memory_space<semaphore_mem>>) src(%dma_wait3A_73 : memref<32xi32, #tpu.memory_space<hbm>>) dst(%dma_wait3A_70 : memref<32xi32, #tpu.memory_space<vmem>>)
    %dma_wait3A_74 = arith.constant 0 : i32
    %dma_wait3A_75 = arith.constant 0 : i32
    %dma_wait3A_76 = arith.constant 0 : i32
    %dma_wait3A_77 = arith.constant 0 : i32
    %dma_wait3A_78 = tpu.memref_slice %arg7[%dma_wait3A_75, %dma_wait3A_76, %dma_wait3A_77] : memref<4x32x768xf32, #tpu.memory_space<vmem>> -> memref<1x32x768xf32, #tpu.memory_space<vmem>>
    %dma_wait3A_79 = tpu.memref_squeeze %dma_wait3A_78 : memref<1x32x768xf32, #tpu.memory_space<vmem>> -> memref<32x768xf32, #tpu.memory_space<vmem>>
    %dma_wait3A_80 = arith.constant 0 : i32
    %dma_wait3A_81 = arith.constant 0 : i32
    %dma_wait3A_82 = tpu.memref_slice %arg3[%dma_wait3A_74, %dma_wait3A_80, %dma_wait3A_81] : memref<4x32x768xf32, #tpu.memory_space<hbm>> -> memref<1x32x768xf32, #tpu.memory_space<hbm>>
    %dma_wait3A_83 = tpu.memref_squeeze %dma_wait3A_82 : memref<1x32x768xf32, #tpu.memory_space<hbm>> -> memref<32x768xf32, #tpu.memory_space<hbm>>
    %dma_wait3A_84 = arith.constant 0 : i32
    %dma_wait3A_85 = arith.constant 0 : i32
    %dma_wait3A_86 = tpu.memref_slice %arg7[%dma_wait3A_75, %dma_wait3A_84, %dma_wait3A_85] : memref<4x32x768xf32, #tpu.memory_space<vmem>> -> memref<1x32x768xf32, #tpu.memory_space<vmem>>
    %dma_wait3A_87 = tpu.memref_squeeze %dma_wait3A_86 : memref<1x32x768xf32, #tpu.memory_space<vmem>> -> memref<32x768xf32, #tpu.memory_space<vmem>>
    %dma_wait3A_88 = arith.constant 0 : i32
    %dma_wait3A_89 = arith.constant 0 : i32
    %dma_wait3A_90 = tpu.memref_slice %arg3[%dma_wait3A_74, %dma_wait3A_88, %dma_wait3A_89] : memref<4x32x768xf32, #tpu.memory_space<hbm>> -> memref<1x32x768xf32, #tpu.memory_space<hbm>>
    %dma_wait3A_91 = tpu.memref_squeeze %dma_wait3A_90 : memref<1x32x768xf32, #tpu.memory_space<hbm>> -> memref<32x768xf32, #tpu.memory_space<hbm>>
    tpu.wait_dma2 semaphore(%arg11 : memref<!tpu.dma_semaphore, #tpu.memory_space<semaphore_mem>>) src(%dma_wait3A_91 : memref<32x768xf32, #tpu.memory_space<hbm>>) dst(%dma_wait3A_87 : memref<32x768xf32, #tpu.memory_space<vmem>>)
    %dma_wait3A_92 = arith.constant 0 : i32
    %dma_wait3A_93 = arith.constant 0 : i32
    %dma_wait3A_94 = arith.constant 0 : i32
    %dma_wait3A_95 = tpu.memref_slice %arg8[%dma_wait3A_93, %dma_wait3A_94] : memref<4x32xi32, #tpu.memory_space<vmem>> -> memref<1x32xi32, #tpu.memory_space<vmem>>
    %dma_wait3A_96 = tpu.memref_squeeze %dma_wait3A_95 : memref<1x32xi32, #tpu.memory_space<vmem>> -> memref<32xi32, #tpu.memory_space<vmem>>
    %dma_wait3A_97 = arith.constant 0 : i32
    %dma_wait3A_98 = tpu.memref_slice %arg4[%dma_wait3A_92, %dma_wait3A_97] : memref<4x32xi32, #tpu.memory_space<hbm>> -> memref<1x32xi32, #tpu.memory_space<hbm>>
    %dma_wait3A_99 = tpu.memref_squeeze %dma_wait3A_98 : memref<1x32xi32, #tpu.memory_space<hbm>> -> memref<32xi32, #tpu.memory_space<hbm>>
    %dma_wait3A_100 = arith.constant 0 : i32
    %dma_wait3A_101 = tpu.memref_slice %arg8[%dma_wait3A_93, %dma_wait3A_100] : memref<4x32xi32, #tpu.memory_space<vmem>> -> memref<1x32xi32, #tpu.memory_space<vmem>>
    %dma_wait3A_102 = tpu.memref_squeeze %dma_wait3A_101 : memref<1x32xi32, #tpu.memory_space<vmem>> -> memref<32xi32, #tpu.memory_space<vmem>>
    %dma_wait3A_103 = arith.constant 0 : i32
    %dma_wait3A_104 = tpu.memref_slice %arg4[%dma_wait3A_92, %dma_wait3A_103] : memref<4x32xi32, #tpu.memory_space<hbm>> -> memref<1x32xi32, #tpu.memory_space<hbm>>
    %dma_wait3A_105 = tpu.memref_squeeze %dma_wait3A_104 : memref<1x32xi32, #tpu.memory_space<hbm>> -> memref<32xi32, #tpu.memory_space<hbm>>
    tpu.wait_dma2 semaphore(%arg12 : memref<!tpu.dma_semaphore, #tpu.memory_space<semaphore_mem>>) src(%dma_wait3A_105 : memref<32xi32, #tpu.memory_space<hbm>>) dst(%dma_wait3A_102 : memref<32xi32, #tpu.memory_space<vmem>>)
    %dma_wait3A_106 = arith.constant 0 : i32
    %dma_wait3A_107 = arith.constant 0 : i32
    %dma_wait3A_108 = arith.constant 0 : i32
    %dma_wait3A_109 = arith.constant 0 : i32
    %dma_wait3A_110 = tpu.memref_slice %arg7[%dma_wait3A_107, %dma_wait3A_108, %dma_wait3A_109] : memref<4x32x768xf32, #tpu.memory_space<vmem>> -> memref<1x32x768xf32, #tpu.memory_space<vmem>>
    %dma_wait3A_111 = tpu.memref_squeeze %dma_wait3A_110 : memref<1x32x768xf32, #tpu.memory_space<vmem>> -> memref<32x768xf32, #tpu.memory_space<vmem>>
    %dma_wait3A_112 = arith.constant 0 : i32
    %dma_wait3A_113 = arith.constant 0 : i32
    %dma_wait3A_114 = tpu.memref_slice %arg3[%dma_wait3A_106, %dma_wait3A_112, %dma_wait3A_113] : memref<4x32x768xf32, #tpu.memory_space<hbm>> -> memref<1x32x768xf32, #tpu.memory_space<hbm>>
    %dma_wait3A_115 = tpu.memref_squeeze %dma_wait3A_114 : memref<1x32x768xf32, #tpu.memory_space<hbm>> -> memref<32x768xf32, #tpu.memory_space<hbm>>
    %dma_wait3A_116 = arith.constant 0 : i32
    %dma_wait3A_117 = arith.constant 0 : i32
    %dma_wait3A_118 = tpu.memref_slice %arg7[%dma_wait3A_107, %dma_wait3A_116, %dma_wait3A_117] : memref<4x32x768xf32, #tpu.memory_space<vmem>> -> memref<1x32x768xf32, #tpu.memory_space<vmem>>
    %dma_wait3A_119 = tpu.memref_squeeze %dma_wait3A_118 : memref<1x32x768xf32, #tpu.memory_space<vmem>> -> memref<32x768xf32, #tpu.memory_space<vmem>>
    %dma_wait3A_120 = arith.constant 0 : i32
    %dma_wait3A_121 = arith.constant 0 : i32
    %dma_wait3A_122 = tpu.memref_slice %arg3[%dma_wait3A_106, %dma_wait3A_120, %dma_wait3A_121] : memref<4x32x768xf32, #tpu.memory_space<hbm>> -> memref<1x32x768xf32, #tpu.memory_space<hbm>>
    %dma_wait3A_123 = tpu.memref_squeeze %dma_wait3A_122 : memref<1x32x768xf32, #tpu.memory_space<hbm>> -> memref<32x768xf32, #tpu.memory_space<hbm>>
    tpu.wait_dma2 semaphore(%arg11 : memref<!tpu.dma_semaphore, #tpu.memory_space<semaphore_mem>>) src(%dma_wait3A_123 : memref<32x768xf32, #tpu.memory_space<hbm>>) dst(%dma_wait3A_119 : memref<32x768xf32, #tpu.memory_space<vmem>>)
    %dma_wait3A_124 = arith.constant 0 : i32
    %dma_wait3A_125 = arith.constant 0 : i32
    %dma_wait3A_126 = arith.constant 0 : i32
    %dma_wait3A_127 = tpu.memref_slice %arg8[%dma_wait3A_125, %dma_wait3A_126] : memref<4x32xi32, #tpu.memory_space<vmem>> -> memref<1x32xi32, #tpu.memory_space<vmem>>
    %dma_wait3A_128 = tpu.memref_squeeze %dma_wait3A_127 : memref<1x32xi32, #tpu.memory_space<vmem>> -> memref<32xi32, #tpu.memory_space<vmem>>
    %dma_wait3A_129 = arith.constant 0 : i32
    %dma_wait3A_130 = tpu.memref_slice %arg4[%dma_wait3A_124, %dma_wait3A_129] : memref<4x32xi32, #tpu.memory_space<hbm>> -> memref<1x32xi32, #tpu.memory_space<hbm>>
    %dma_wait3A_131 = tpu.memref_squeeze %dma_wait3A_130 : memref<1x32xi32, #tpu.memory_space<hbm>> -> memref<32xi32, #tpu.memory_space<hbm>>
    %dma_wait3A_132 = arith.constant 0 : i32
    %dma_wait3A_133 = tpu.memref_slice %arg8[%dma_wait3A_125, %dma_wait3A_132] : memref<4x32xi32, #tpu.memory_space<vmem>> -> memref<1x32xi32, #tpu.memory_space<vmem>>
    %dma_wait3A_134 = tpu.memref_squeeze %dma_wait3A_133 : memref<1x32xi32, #tpu.memory_space<vmem>> -> memref<32xi32, #tpu.memory_space<vmem>>
    %dma_wait3A_135 = arith.constant 0 : i32
    %dma_wait3A_136 = tpu.memref_slice %arg4[%dma_wait3A_124, %dma_wait3A_135] : memref<4x32xi32, #tpu.memory_space<hbm>> -> memref<1x32xi32, #tpu.memory_space<hbm>>
    %dma_wait3A_137 = tpu.memref_squeeze %dma_wait3A_136 : memref<1x32xi32, #tpu.memory_space<hbm>> -> memref<32xi32, #tpu.memory_space<hbm>>
    tpu.wait_dma2 semaphore(%arg12 : memref<!tpu.dma_semaphore, #tpu.memory_space<semaphore_mem>>) src(%dma_wait3A_137 : memref<32xi32, #tpu.memory_space<hbm>>) dst(%dma_wait3A_134 : memref<32xi32, #tpu.memory_space<vmem>>)
    %dma_wait3A_138 = arith.constant 0 : i32
    %dma_wait3A_139 = arith.constant 0 : i32
    %dma_wait3A_140 = arith.constant 0 : i32
    %dma_wait3A_141 = arith.constant 0 : i32
    %dma_wait3A_142 = tpu.memref_slice %arg7[%dma_wait3A_139, %dma_wait3A_140, %dma_wait3A_141] : memref<4x32x768xf32, #tpu.memory_space<vmem>> -> memref<1x32x768xf32, #tpu.memory_space<vmem>>
    %dma_wait3A_143 = tpu.memref_squeeze %dma_wait3A_142 : memref<1x32x768xf32, #tpu.memory_space<vmem>> -> memref<32x768xf32, #tpu.memory_space<vmem>>
    %dma_wait3A_144 = arith.constant 0 : i32
    %dma_wait3A_145 = arith.constant 0 : i32
    %dma_wait3A_146 = tpu.memref_slice %arg3[%dma_wait3A_138, %dma_wait3A_144, %dma_wait3A_145] : memref<4x32x768xf32, #tpu.memory_space<hbm>> -> memref<1x32x768xf32, #tpu.memory_space<hbm>>
    %dma_wait3A_147 = tpu.memref_squeeze %dma_wait3A_146 : memref<1x32x768xf32, #tpu.memory_space<hbm>> -> memref<32x768xf32, #tpu.memory_space<hbm>>
    %dma_wait3A_148 = arith.constant 0 : i32
    %dma_wait3A_149 = arith.constant 0 : i32
    %dma_wait3A_150 = tpu.memref_slice %arg7[%dma_wait3A_139, %dma_wait3A_148, %dma_wait3A_149] : memref<4x32x768xf32, #tpu.memory_space<vmem>> -> memref<1x32x768xf32, #tpu.memory_space<vmem>>
    %dma_wait3A_151 = tpu.memref_squeeze %dma_wait3A_150 : memref<1x32x768xf32, #tpu.memory_space<vmem>> -> memref<32x768xf32, #tpu.memory_space<vmem>>
    %dma_wait3A_152 = arith.constant 0 : i32
    %dma_wait3A_153 = arith.constant 0 : i32
    %dma_wait3A_154 = tpu.memref_slice %arg3[%dma_wait3A_138, %dma_wait3A_152, %dma_wait3A_153] : memref<4x32x768xf32, #tpu.memory_space<hbm>> -> memref<1x32x768xf32, #tpu.memory_space<hbm>>
    %dma_wait3A_155 = tpu.memref_squeeze %dma_wait3A_154 : memref<1x32x768xf32, #tpu.memory_space<hbm>> -> memref<32x768xf32, #tpu.memory_space<hbm>>
    tpu.wait_dma2 semaphore(%arg11 : memref<!tpu.dma_semaphore, #tpu.memory_space<semaphore_mem>>) src(%dma_wait3A_155 : memref<32x768xf32, #tpu.memory_space<hbm>>) dst(%dma_wait3A_151 : memref<32x768xf32, #tpu.memory_space<vmem>>)
    %dma_wait3A_156 = arith.constant 0 : i32
    %dma_wait3A_157 = arith.constant 0 : i32
    %dma_wait3A_158 = arith.constant 0 : i32
    %dma_wait3A_159 = tpu.memref_slice %arg8[%dma_wait3A_157, %dma_wait3A_158] : memref<4x32xi32, #tpu.memory_space<vmem>> -> memref<1x32xi32, #tpu.memory_space<vmem>>
    %dma_wait3A_160 = tpu.memref_squeeze %dma_wait3A_159 : memref<1x32xi32, #tpu.memory_space<vmem>> -> memref<32xi32, #tpu.memory_space<vmem>>
    %dma_wait3A_161 = arith.constant 0 : i32
    %dma_wait3A_162 = tpu.memref_slice %arg4[%dma_wait3A_156, %dma_wait3A_161] : memref<4x32xi32, #tpu.memory_space<hbm>> -> memref<1x32xi32, #tpu.memory_space<hbm>>
    %dma_wait3A_163 = tpu.memref_squeeze %dma_wait3A_162 : memref<1x32xi32, #tpu.memory_space<hbm>> -> memref<32xi32, #tpu.memory_space<hbm>>
    %dma_wait3A_164 = arith.constant 0 : i32
    %dma_wait3A_165 = tpu.memref_slice %arg8[%dma_wait3A_157, %dma_wait3A_164] : memref<4x32xi32, #tpu.memory_space<vmem>> -> memref<1x32xi32, #tpu.memory_space<vmem>>
    %dma_wait3A_166 = tpu.memref_squeeze %dma_wait3A_165 : memref<1x32xi32, #tpu.memory_space<vmem>> -> memref<32xi32, #tpu.memory_space<vmem>>
    %dma_wait3A_167 = arith.constant 0 : i32
    %dma_wait3A_168 = tpu.memref_slice %arg4[%dma_wait3A_156, %dma_wait3A_167] : memref<4x32xi32, #tpu.memory_space<hbm>> -> memref<1x32xi32, #tpu.memory_space<hbm>>
    %dma_wait3A_169 = tpu.memref_squeeze %dma_wait3A_168 : memref<1x32xi32, #tpu.memory_space<hbm>> -> memref<32xi32, #tpu.memory_space<hbm>>
    tpu.wait_dma2 semaphore(%arg12 : memref<!tpu.dma_semaphore, #tpu.memory_space<semaphore_mem>>) src(%dma_wait3A_169 : memref<32xi32, #tpu.memory_space<hbm>>) dst(%dma_wait3A_166 : memref<32xi32, #tpu.memory_space<vmem>>)
    %dma_wait3A_170 = arith.constant 0 : i32
    %dma_wait3A_171 = arith.constant 0 : i32
    %dma_wait3A_172 = arith.constant 0 : i32
    %dma_wait3A_173 = arith.constant 0 : i32
    %dma_wait3A_174 = tpu.memref_slice %arg7[%dma_wait3A_171, %dma_wait3A_172, %dma_wait3A_173] : memref<4x32x768xf32, #tpu.memory_space<vmem>> -> memref<1x32x768xf32, #tpu.memory_space<vmem>>
    %dma_wait3A_175 = tpu.memref_squeeze %dma_wait3A_174 : memref<1x32x768xf32, #tpu.memory_space<vmem>> -> memref<32x768xf32, #tpu.memory_space<vmem>>
    %dma_wait3A_176 = arith.constant 0 : i32
    %dma_wait3A_177 = arith.constant 0 : i32
    %dma_wait3A_178 = tpu.memref_slice %arg3[%dma_wait3A_170, %dma_wait3A_176, %dma_wait3A_177] : memref<4x32x768xf32, #tpu.memory_space<hbm>> -> memref<1x32x768xf32, #tpu.memory_space<hbm>>
    %dma_wait3A_179 = tpu.memref_squeeze %dma_wait3A_178 : memref<1x32x768xf32, #tpu.memory_space<hbm>> -> memref<32x768xf32, #tpu.memory_space<hbm>>
    %dma_wait3A_180 = arith.constant 0 : i32
    %dma_wait3A_181 = arith.constant 0 : i32
    %dma_wait3A_182 = tpu.memref_slice %arg7[%dma_wait3A_171, %dma_wait3A_180, %dma_wait3A_181] : memref<4x32x768xf32, #tpu.memory_space<vmem>> -> memref<1x32x768xf32, #tpu.memory_space<vmem>>
    %dma_wait3A_183 = tpu.memref_squeeze %dma_wait3A_182 : memref<1x32x768xf32, #tpu.memory_space<vmem>> -> memref<32x768xf32, #tpu.memory_space<vmem>>
    %dma_wait3A_184 = arith.constant 0 : i32
    %dma_wait3A_185 = arith.constant 0 : i32
    %dma_wait3A_186 = tpu.memref_slice %arg3[%dma_wait3A_170, %dma_wait3A_184, %dma_wait3A_185] : memref<4x32x768xf32, #tpu.memory_space<hbm>> -> memref<1x32x768xf32, #tpu.memory_space<hbm>>
    %dma_wait3A_187 = tpu.memref_squeeze %dma_wait3A_186 : memref<1x32x768xf32, #tpu.memory_space<hbm>> -> memref<32x768xf32, #tpu.memory_space<hbm>>
    tpu.wait_dma2 semaphore(%arg11 : memref<!tpu.dma_semaphore, #tpu.memory_space<semaphore_mem>>) src(%dma_wait3A_187 : memref<32x768xf32, #tpu.memory_space<hbm>>) dst(%dma_wait3A_183 : memref<32x768xf32, #tpu.memory_space<vmem>>)
    %dma_wait3A_188 = arith.constant 0 : i32
    %dma_wait3A_189 = arith.constant 0 : i32
    %dma_wait3A_190 = arith.constant 0 : i32
    %dma_wait3A_191 = tpu.memref_slice %arg8[%dma_wait3A_189, %dma_wait3A_190] : memref<4x32xi32, #tpu.memory_space<vmem>> -> memref<1x32xi32, #tpu.memory_space<vmem>>
    %dma_wait3A_192 = tpu.memref_squeeze %dma_wait3A_191 : memref<1x32xi32, #tpu.memory_space<vmem>> -> memref<32xi32, #tpu.memory_space<vmem>>
    %dma_wait3A_193 = arith.constant 0 : i32
    %dma_wait3A_194 = tpu.memref_slice %arg4[%dma_wait3A_188, %dma_wait3A_193] : memref<4x32xi32, #tpu.memory_space<hbm>> -> memref<1x32xi32, #tpu.memory_space<hbm>>
    %dma_wait3A_195 = tpu.memref_squeeze %dma_wait3A_194 : memref<1x32xi32, #tpu.memory_space<hbm>> -> memref<32xi32, #tpu.memory_space<hbm>>
    %dma_wait3A_196 = arith.constant 0 : i32
    %dma_wait3A_197 = tpu.memref_slice %arg8[%dma_wait3A_189, %dma_wait3A_196] : memref<4x32xi32, #tpu.memory_space<vmem>> -> memref<1x32xi32, #tpu.memory_space<vmem>>
    %dma_wait3A_198 = tpu.memref_squeeze %dma_wait3A_197 : memref<1x32xi32, #tpu.memory_space<vmem>> -> memref<32xi32, #tpu.memory_space<vmem>>
    %dma_wait3A_199 = arith.constant 0 : i32
    %dma_wait3A_200 = tpu.memref_slice %arg4[%dma_wait3A_188, %dma_wait3A_199] : memref<4x32xi32, #tpu.memory_space<hbm>> -> memref<1x32xi32, #tpu.memory_space<hbm>>
    %dma_wait3A_201 = tpu.memref_squeeze %dma_wait3A_200 : memref<1x32xi32, #tpu.memory_space<hbm>> -> memref<32xi32, #tpu.memory_space<hbm>>
    tpu.wait_dma2 semaphore(%arg12 : memref<!tpu.dma_semaphore, #tpu.memory_space<semaphore_mem>>) src(%dma_wait3A_201 : memref<32xi32, #tpu.memory_space<hbm>>) dst(%dma_wait3A_198 : memref<32xi32, #tpu.memory_space<vmem>>)
    %dma_wait3A_202 = arith.constant 0 : i32
    %dma_wait3A_203 = arith.constant 0 : i32
    %dma_wait3A_204 = arith.constant 0 : i32
    %dma_wait3A_205 = arith.constant 0 : i32
    %dma_wait3A_206 = tpu.memref_slice %arg7[%dma_wait3A_203, %dma_wait3A_204, %dma_wait3A_205] : memref<4x32x768xf32, #tpu.memory_space<vmem>> -> memref<1x32x768xf32, #tpu.memory_space<vmem>>
    %dma_wait3A_207 = tpu.memref_squeeze %dma_wait3A_206 : memref<1x32x768xf32, #tpu.memory_space<vmem>> -> memref<32x768xf32, #tpu.memory_space<vmem>>
    %dma_wait3A_208 = arith.constant 0 : i32
    %dma_wait3A_209 = arith.constant 0 : i32
    %dma_wait3A_210 = tpu.memref_slice %arg3[%dma_wait3A_202, %dma_wait3A_208, %dma_wait3A_209] : memref<4x32x768xf32, #tpu.memory_space<hbm>> -> memref<1x32x768xf32, #tpu.memory_space<hbm>>
    %dma_wait3A_211 = tpu.memref_squeeze %dma_wait3A_210 : memref<1x32x768xf32, #tpu.memory_space<hbm>> -> memref<32x768xf32, #tpu.memory_space<hbm>>
    %dma_wait3A_212 = arith.constant 0 : i32
    %dma_wait3A_213 = arith.constant 0 : i32
    %dma_wait3A_214 = tpu.memref_slice %arg7[%dma_wait3A_203, %dma_wait3A_212, %dma_wait3A_213] : memref<4x32x768xf32, #tpu.memory_space<vmem>> -> memref<1x32x768xf32, #tpu.memory_space<vmem>>
    %dma_wait3A_215 = tpu.memref_squeeze %dma_wait3A_214 : memref<1x32x768xf32, #tpu.memory_space<vmem>> -> memref<32x768xf32, #tpu.memory_space<vmem>>
    %dma_wait3A_216 = arith.constant 0 : i32
    %dma_wait3A_217 = arith.constant 0 : i32
    %dma_wait3A_218 = tpu.memref_slice %arg3[%dma_wait3A_202, %dma_wait3A_216, %dma_wait3A_217] : memref<4x32x768xf32, #tpu.memory_space<hbm>> -> memref<1x32x768xf32, #tpu.memory_space<hbm>>
    %dma_wait3A_219 = tpu.memref_squeeze %dma_wait3A_218 : memref<1x32x768xf32, #tpu.memory_space<hbm>> -> memref<32x768xf32, #tpu.memory_space<hbm>>
    tpu.wait_dma2 semaphore(%arg11 : memref<!tpu.dma_semaphore, #tpu.memory_space<semaphore_mem>>) src(%dma_wait3A_219 : memref<32x768xf32, #tpu.memory_space<hbm>>) dst(%dma_wait3A_215 : memref<32x768xf32, #tpu.memory_space<vmem>>)
    %dma_wait3A_220 = arith.constant 0 : i32
    %dma_wait3A_221 = arith.constant 0 : i32
    %dma_wait3A_222 = arith.constant 0 : i32
    %dma_wait3A_223 = tpu.memref_slice %arg8[%dma_wait3A_221, %dma_wait3A_222] : memref<4x32xi32, #tpu.memory_space<vmem>> -> memref<1x32xi32, #tpu.memory_space<vmem>>
    %dma_wait3A_224 = tpu.memref_squeeze %dma_wait3A_223 : memref<1x32xi32, #tpu.memory_space<vmem>> -> memref<32xi32, #tpu.memory_space<vmem>>
    %dma_wait3A_225 = arith.constant 0 : i32
    %dma_wait3A_226 = tpu.memref_slice %arg4[%dma_wait3A_220, %dma_wait3A_225] : memref<4x32xi32, #tpu.memory_space<hbm>> -> memref<1x32xi32, #tpu.memory_space<hbm>>
    %dma_wait3A_227 = tpu.memref_squeeze %dma_wait3A_226 : memref<1x32xi32, #tpu.memory_space<hbm>> -> memref<32xi32, #tpu.memory_space<hbm>>
    %dma_wait3A_228 = arith.constant 0 : i32
    %dma_wait3A_229 = tpu.memref_slice %arg8[%dma_wait3A_221, %dma_wait3A_228] : memref<4x32xi32, #tpu.memory_space<vmem>> -> memref<1x32xi32, #tpu.memory_space<vmem>>
    %dma_wait3A_230 = tpu.memref_squeeze %dma_wait3A_229 : memref<1x32xi32, #tpu.memory_space<vmem>> -> memref<32xi32, #tpu.memory_space<vmem>>
    %dma_wait3A_231 = arith.constant 0 : i32
    %dma_wait3A_232 = tpu.memref_slice %arg4[%dma_wait3A_220, %dma_wait3A_231] : memref<4x32xi32, #tpu.memory_space<hbm>> -> memref<1x32xi32, #tpu.memory_space<hbm>>
    %dma_wait3A_233 = tpu.memref_squeeze %dma_wait3A_232 : memref<1x32xi32, #tpu.memory_space<hbm>> -> memref<32xi32, #tpu.memory_space<hbm>>
    tpu.wait_dma2 semaphore(%arg12 : memref<!tpu.dma_semaphore, #tpu.memory_space<semaphore_mem>>) src(%dma_wait3A_233 : memref<32xi32, #tpu.memory_space<hbm>>) dst(%dma_wait3A_230 : memref<32xi32, #tpu.memory_space<vmem>>)
    %dma_wait3A_234 = arith.constant 0 : i32
    %dma_wait3A_235 = arith.constant 0 : i32
    %dma_wait3A_236 = arith.constant 0 : i32
    %dma_wait3A_237 = arith.constant 0 : i32
    %dma_wait3A_238 = tpu.memref_slice %arg7[%dma_wait3A_235, %dma_wait3A_236, %dma_wait3A_237] : memref<4x32x768xf32, #tpu.memory_space<vmem>> -> memref<1x32x768xf32, #tpu.memory_space<vmem>>
    %dma_wait3A_239 = tpu.memref_squeeze %dma_wait3A_238 : memref<1x32x768xf32, #tpu.memory_space<vmem>> -> memref<32x768xf32, #tpu.memory_space<vmem>>
    %dma_wait3A_240 = arith.constant 0 : i32
    %dma_wait3A_241 = arith.constant 0 : i32
    %dma_wait3A_242 = tpu.memref_slice %arg3[%dma_wait3A_234, %dma_wait3A_240, %dma_wait3A_241] : memref<4x32x768xf32, #tpu.memory_space<hbm>> -> memref<1x32x768xf32, #tpu.memory_space<hbm>>
    %dma_wait3A_243 = tpu.memref_squeeze %dma_wait3A_242 : memref<1x32x768xf32, #tpu.memory_space<hbm>> -> memref<32x768xf32, #tpu.memory_space<hbm>>
    %dma_wait3A_244 = arith.constant 0 : i32
    %dma_wait3A_245 = arith.constant 0 : i32
    %dma_wait3A_246 = tpu.memref_slice %arg7[%dma_wait3A_235, %dma_wait3A_244, %dma_wait3A_245] : memref<4x32x768xf32, #tpu.memory_space<vmem>> -> memref<1x32x768xf32, #tpu.memory_space<vmem>>
    %dma_wait3A_247 = tpu.memref_squeeze %dma_wait3A_246 : memref<1x32x768xf32, #tpu.memory_space<vmem>> -> memref<32x768xf32, #tpu.memory_space<vmem>>
    %dma_wait3A_248 = arith.constant 0 : i32
    %dma_wait3A_249 = arith.constant 0 : i32
    %dma_wait3A_250 = tpu.memref_slice %arg3[%dma_wait3A_234, %dma_wait3A_248, %dma_wait3A_249] : memref<4x32x768xf32, #tpu.memory_space<hbm>> -> memref<1x32x768xf32, #tpu.memory_space<hbm>>
    %dma_wait3A_251 = tpu.memref_squeeze %dma_wait3A_250 : memref<1x32x768xf32, #tpu.memory_space<hbm>> -> memref<32x768xf32, #tpu.memory_space<hbm>>
    tpu.wait_dma2 semaphore(%arg11 : memref<!tpu.dma_semaphore, #tpu.memory_space<semaphore_mem>>) src(%dma_wait3A_251 : memref<32x768xf32, #tpu.memory_space<hbm>>) dst(%dma_wait3A_247 : memref<32x768xf32, #tpu.memory_space<vmem>>)
    %dma_wait3A_252 = arith.constant 0 : i32
    %dma_wait3A_253 = arith.constant 0 : i32
    %dma_wait3A_254 = arith.constant 0 : i32
    %dma_wait3A_255 = tpu.memref_slice %arg8[%dma_wait3A_253, %dma_wait3A_254] : memref<4x32xi32, #tpu.memory_space<vmem>> -> memref<1x32xi32, #tpu.memory_space<vmem>>
    %dma_wait3A_256 = tpu.memref_squeeze %dma_wait3A_255 : memref<1x32xi32, #tpu.memory_space<vmem>> -> memref<32xi32, #tpu.memory_space<vmem>>
    %dma_wait3A_257 = arith.constant 0 : i32
    %dma_wait3A_258 = tpu.memref_slice %arg4[%dma_wait3A_252, %dma_wait3A_257] : memref<4x32xi32, #tpu.memory_space<hbm>> -> memref<1x32xi32, #tpu.memory_space<hbm>>
    %dma_wait3A_259 = tpu.memref_squeeze %dma_wait3A_258 : memref<1x32xi32, #tpu.memory_space<hbm>> -> memref<32xi32, #tpu.memory_space<hbm>>
    %dma_wait3A_260 = arith.constant 0 : i32
    %dma_wait3A_261 = tpu.memref_slice %arg8[%dma_wait3A_253, %dma_wait3A_260] : memref<4x32xi32, #tpu.memory_space<vmem>> -> memref<1x32xi32, #tpu.memory_space<vmem>>
    %dma_wait3A_262 = tpu.memref_squeeze %dma_wait3A_261 : memref<1x32xi32, #tpu.memory_space<vmem>> -> memref<32xi32, #tpu.memory_space<vmem>>
    %dma_wait3A_263 = arith.constant 0 : i32
    %dma_wait3A_264 = tpu.memref_slice %arg4[%dma_wait3A_252, %dma_wait3A_263] : memref<4x32xi32, #tpu.memory_space<hbm>> -> memref<1x32xi32, #tpu.memory_space<hbm>>
    %dma_wait3A_265 = tpu.memref_squeeze %dma_wait3A_264 : memref<1x32xi32, #tpu.memory_space<hbm>> -> memref<32xi32, #tpu.memory_space<hbm>>
    tpu.wait_dma2 semaphore(%arg12 : memref<!tpu.dma_semaphore, #tpu.memory_space<semaphore_mem>>) src(%dma_wait3A_265 : memref<32xi32, #tpu.memory_space<hbm>>) dst(%dma_wait3A_262 : memref<32xi32, #tpu.memory_space<vmem>>)
    %dma_wait3A_266 = arith.constant 0 : i32
    %dma_wait3A_267 = arith.constant 0 : i32
    %dma_wait3A_268 = arith.constant 0 : i32
    %dma_wait3A_269 = arith.constant 0 : i32
    %dma_wait3A_270 = tpu.memref_slice %arg7[%dma_wait3A_267, %dma_wait3A_268, %dma_wait3A_269] : memref<4x32x768xf32, #tpu.memory_space<vmem>> -> memref<1x32x768xf32, #tpu.memory_space<vmem>>
    %dma_wait3A_271 = tpu.memref_squeeze %dma_wait3A_270 : memref<1x32x768xf32, #tpu.memory_space<vmem>> -> memref<32x768xf32, #tpu.memory_space<vmem>>
    %dma_wait3A_272 = arith.constant 0 : i32
    %dma_wait3A_273 = arith.constant 0 : i32
    %dma_wait3A_274 = tpu.memref_slice %arg3[%dma_wait3A_266, %dma_wait3A_272, %dma_wait3A_273] : memref<4x32x768xf32, #tpu.memory_space<hbm>> -> memref<1x32x768xf32, #tpu.memory_space<hbm>>
    %dma_wait3A_275 = tpu.memref_squeeze %dma_wait3A_274 : memref<1x32x768xf32, #tpu.memory_space<hbm>> -> memref<32x768xf32, #tpu.memory_space<hbm>>
    %dma_wait3A_276 = arith.constant 0 : i32
    %dma_wait3A_277 = arith.constant 0 : i32
    %dma_wait3A_278 = tpu.memref_slice %arg7[%dma_wait3A_267, %dma_wait3A_276, %dma_wait3A_277] : memref<4x32x768xf32, #tpu.memory_space<vmem>> -> memref<1x32x768xf32, #tpu.memory_space<vmem>>
    %dma_wait3A_279 = tpu.memref_squeeze %dma_wait3A_278 : memref<1x32x768xf32, #tpu.memory_space<vmem>> -> memref<32x768xf32, #tpu.memory_space<vmem>>
    %dma_wait3A_280 = arith.constant 0 : i32
    %dma_wait3A_281 = arith.constant 0 : i32
    %dma_wait3A_282 = tpu.memref_slice %arg3[%dma_wait3A_266, %dma_wait3A_280, %dma_wait3A_281] : memref<4x32x768xf32, #tpu.memory_space<hbm>> -> memref<1x32x768xf32, #tpu.memory_space<hbm>>
    %dma_wait3A_283 = tpu.memref_squeeze %dma_wait3A_282 : memref<1x32x768xf32, #tpu.memory_space<hbm>> -> memref<32x768xf32, #tpu.memory_space<hbm>>
    tpu.wait_dma2 semaphore(%arg11 : memref<!tpu.dma_semaphore, #tpu.memory_space<semaphore_mem>>) src(%dma_wait3A_283 : memref<32x768xf32, #tpu.memory_space<hbm>>) dst(%dma_wait3A_279 : memref<32x768xf32, #tpu.memory_space<vmem>>)
    %dma_wait3A_284 = arith.constant 0 : i32
    %dma_wait3A_285 = arith.constant 0 : i32
    %dma_wait3A_286 = arith.constant 0 : i32
    %dma_wait3A_287 = tpu.memref_slice %arg8[%dma_wait3A_285, %dma_wait3A_286] : memref<4x32xi32, #tpu.memory_space<vmem>> -> memref<1x32xi32, #tpu.memory_space<vmem>>
    %dma_wait3A_288 = tpu.memref_squeeze %dma_wait3A_287 : memref<1x32xi32, #tpu.memory_space<vmem>> -> memref<32xi32, #tpu.memory_space<vmem>>
    %dma_wait3A_289 = arith.constant 0 : i32
    %dma_wait3A_290 = tpu.memref_slice %arg4[%dma_wait3A_284, %dma_wait3A_289] : memref<4x32xi32, #tpu.memory_space<hbm>> -> memref<1x32xi32, #tpu.memory_space<hbm>>
    %dma_wait3A_291 = tpu.memref_squeeze %dma_wait3A_290 : memref<1x32xi32, #tpu.memory_space<hbm>> -> memref<32xi32, #tpu.memory_space<hbm>>
    %dma_wait3A_292 = arith.constant 0 : i32
    %dma_wait3A_293 = tpu.memref_slice %arg8[%dma_wait3A_285, %dma_wait3A_292] : memref<4x32xi32, #tpu.memory_space<vmem>> -> memref<1x32xi32, #tpu.memory_space<vmem>>
    %dma_wait3A_294 = tpu.memref_squeeze %dma_wait3A_293 : memref<1x32xi32, #tpu.memory_space<vmem>> -> memref<32xi32, #tpu.memory_space<vmem>>
    %dma_wait3A_295 = arith.constant 0 : i32
    %dma_wait3A_296 = tpu.memref_slice %arg4[%dma_wait3A_284, %dma_wait3A_295] : memref<4x32xi32, #tpu.memory_space<hbm>> -> memref<1x32xi32, #tpu.memory_space<hbm>>
    %dma_wait3A_297 = tpu.memref_squeeze %dma_wait3A_296 : memref<1x32xi32, #tpu.memory_space<hbm>> -> memref<32xi32, #tpu.memory_space<hbm>>
    tpu.wait_dma2 semaphore(%arg12 : memref<!tpu.dma_semaphore, #tpu.memory_space<semaphore_mem>>) src(%dma_wait3A_297 : memref<32xi32, #tpu.memory_space<hbm>>) dst(%dma_wait3A_294 : memref<32xi32, #tpu.memory_space<vmem>>)
    %dma_wait3A_298 = arith.constant 0 : i32
    %dma_wait3A_299 = arith.constant 0 : i32
    %dma_wait3A_300 = arith.constant 0 : i32
    %dma_wait3A_301 = arith.constant 0 : i32
    %dma_wait3A_302 = tpu.memref_slice %arg7[%dma_wait3A_299, %dma_wait3A_300, %dma_wait3A_301] : memref<4x32x768xf32, #tpu.memory_space<vmem>> -> memref<1x32x768xf32, #tpu.memory_space<vmem>>
    %dma_wait3A_303 = tpu.memref_squeeze %dma_wait3A_302 : memref<1x32x768xf32, #tpu.memory_space<vmem>> -> memref<32x768xf32, #tpu.memory_space<vmem>>
    %dma_wait3A_304 = arith.constant 0 : i32
    %dma_wait3A_305 = arith.constant 0 : i32
    %dma_wait3A_306 = tpu.memref_slice %arg3[%dma_wait3A_298, %dma_wait3A_304, %dma_wait3A_305] : memref<4x32x768xf32, #tpu.memory_space<hbm>> -> memref<1x32x768xf32, #tpu.memory_space<hbm>>
    %dma_wait3A_307 = tpu.memref_squeeze %dma_wait3A_306 : memref<1x32x768xf32, #tpu.memory_space<hbm>> -> memref<32x768xf32, #tpu.memory_space<hbm>>
    %dma_wait3A_308 = arith.constant 0 : i32
    %dma_wait3A_309 = arith.constant 0 : i32
    %dma_wait3A_310 = tpu.memref_slice %arg7[%dma_wait3A_299, %dma_wait3A_308, %dma_wait3A_309] : memref<4x32x768xf32, #tpu.memory_space<vmem>> -> memref<1x32x768xf32, #tpu.memory_space<vmem>>
    %dma_wait3A_311 = tpu.memref_squeeze %dma_wait3A_310 : memref<1x32x768xf32, #tpu.memory_space<vmem>> -> memref<32x768xf32, #tpu.memory_space<vmem>>
    %dma_wait3A_312 = arith.constant 0 : i32
    %dma_wait3A_313 = arith.constant 0 : i32
    %dma_wait3A_314 = tpu.memref_slice %arg3[%dma_wait3A_298, %dma_wait3A_312, %dma_wait3A_313] : memref<4x32x768xf32, #tpu.memory_space<hbm>> -> memref<1x32x768xf32, #tpu.memory_space<hbm>>
    %dma_wait3A_315 = tpu.memref_squeeze %dma_wait3A_314 : memref<1x32x768xf32, #tpu.memory_space<hbm>> -> memref<32x768xf32, #tpu.memory_space<hbm>>
    tpu.wait_dma2 semaphore(%arg11 : memref<!tpu.dma_semaphore, #tpu.memory_space<semaphore_mem>>) src(%dma_wait3A_315 : memref<32x768xf32, #tpu.memory_space<hbm>>) dst(%dma_wait3A_311 : memref<32x768xf32, #tpu.memory_space<vmem>>)
    %dma_wait3A_316 = arith.constant 0 : i32
    %dma_wait3A_317 = arith.constant 0 : i32
    %dma_wait3A_318 = arith.constant 0 : i32
    %dma_wait3A_319 = tpu.memref_slice %arg8[%dma_wait3A_317, %dma_wait3A_318] : memref<4x32xi32, #tpu.memory_space<vmem>> -> memref<1x32xi32, #tpu.memory_space<vmem>>
    %dma_wait3A_320 = tpu.memref_squeeze %dma_wait3A_319 : memref<1x32xi32, #tpu.memory_space<vmem>> -> memref<32xi32, #tpu.memory_space<vmem>>
    %dma_wait3A_321 = arith.constant 0 : i32
    %dma_wait3A_322 = tpu.memref_slice %arg4[%dma_wait3A_316, %dma_wait3A_321] : memref<4x32xi32, #tpu.memory_space<hbm>> -> memref<1x32xi32, #tpu.memory_space<hbm>>
    %dma_wait3A_323 = tpu.memref_squeeze %dma_wait3A_322 : memref<1x32xi32, #tpu.memory_space<hbm>> -> memref<32xi32, #tpu.memory_space<hbm>>
    %dma_wait3A_324 = arith.constant 0 : i32
    %dma_wait3A_325 = tpu.memref_slice %arg8[%dma_wait3A_317, %dma_wait3A_324] : memref<4x32xi32, #tpu.memory_space<vmem>> -> memref<1x32xi32, #tpu.memory_space<vmem>>
    %dma_wait3A_326 = tpu.memref_squeeze %dma_wait3A_325 : memref<1x32xi32, #tpu.memory_space<vmem>> -> memref<32xi32, #tpu.memory_space<vmem>>
    %dma_wait3A_327 = arith.constant 0 : i32
    %dma_wait3A_328 = tpu.memref_slice %arg4[%dma_wait3A_316, %dma_wait3A_327] : memref<4x32xi32, #tpu.memory_space<hbm>> -> memref<1x32xi32, #tpu.memory_space<hbm>>
    %dma_wait3A_329 = tpu.memref_squeeze %dma_wait3A_328 : memref<1x32xi32, #tpu.memory_space<hbm>> -> memref<32xi32, #tpu.memory_space<hbm>>
    tpu.wait_dma2 semaphore(%arg12 : memref<!tpu.dma_semaphore, #tpu.memory_space<semaphore_mem>>) src(%dma_wait3A_329 : memref<32xi32, #tpu.memory_space<hbm>>) dst(%dma_wait3A_326 : memref<32xi32, #tpu.memory_space<vmem>>)
    %dma_wait3A_330 = arith.constant 0 : i32
    %dma_wait3A_331 = arith.constant 0 : i32
    %dma_wait3A_332 = arith.constant 0 : i32
    %dma_wait3A_333 = arith.constant 0 : i32
    %dma_wait3A_334 = tpu.memref_slice %arg7[%dma_wait3A_331, %dma_wait3A_332, %dma_wait3A_333] : memref<4x32x768xf32, #tpu.memory_space<vmem>> -> memref<1x32x768xf32, #tpu.memory_space<vmem>>
    %dma_wait3A_335 = tpu.memref_squeeze %dma_wait3A_334 : memref<1x32x768xf32, #tpu.memory_space<vmem>> -> memref<32x768xf32, #tpu.memory_space<vmem>>
    %dma_wait3A_336 = arith.constant 0 : i32
    %dma_wait3A_337 = arith.constant 0 : i32
    %dma_wait3A_338 = tpu.memref_slice %arg3[%dma_wait3A_330, %dma_wait3A_336, %dma_wait3A_337] : memref<4x32x768xf32, #tpu.memory_space<hbm>> -> memref<1x32x768xf32, #tpu.memory_space<hbm>>
    %dma_wait3A_339 = tpu.memref_squeeze %dma_wait3A_338 : memref<1x32x768xf32, #tpu.memory_space<hbm>> -> memref<32x768xf32, #tpu.memory_space<hbm>>
    %dma_wait3A_340 = arith.constant 0 : i32
    %dma_wait3A_341 = arith.constant 0 : i32
    %dma_wait3A_342 = tpu.memref_slice %arg7[%dma_wait3A_331, %dma_wait3A_340, %dma_wait3A_341] : memref<4x32x768xf32, #tpu.memory_space<vmem>> -> memref<1x32x768xf32, #tpu.memory_space<vmem>>
    %dma_wait3A_343 = tpu.memref_squeeze %dma_wait3A_342 : memref<1x32x768xf32, #tpu.memory_space<vmem>> -> memref<32x768xf32, #tpu.memory_space<vmem>>
    %dma_wait3A_344 = arith.constant 0 : i32
    %dma_wait3A_345 = arith.constant 0 : i32
    %dma_wait3A_346 = tpu.memref_slice %arg3[%dma_wait3A_330, %dma_wait3A_344, %dma_wait3A_345] : memref<4x32x768xf32, #tpu.memory_space<hbm>> -> memref<1x32x768xf32, #tpu.memory_space<hbm>>
    %dma_wait3A_347 = tpu.memref_squeeze %dma_wait3A_346 : memref<1x32x768xf32, #tpu.memory_space<hbm>> -> memref<32x768xf32, #tpu.memory_space<hbm>>
    tpu.wait_dma2 semaphore(%arg11 : memref<!tpu.dma_semaphore, #tpu.memory_space<semaphore_mem>>) src(%dma_wait3A_347 : memref<32x768xf32, #tpu.memory_space<hbm>>) dst(%dma_wait3A_343 : memref<32x768xf32, #tpu.memory_space<vmem>>)
    %dma_wait3A_348 = arith.constant 0 : i32
    %dma_wait3A_349 = arith.constant 0 : i32
    %dma_wait3A_350 = arith.constant 0 : i32
    %dma_wait3A_351 = tpu.memref_slice %arg8[%dma_wait3A_349, %dma_wait3A_350] : memref<4x32xi32, #tpu.memory_space<vmem>> -> memref<1x32xi32, #tpu.memory_space<vmem>>
    %dma_wait3A_352 = tpu.memref_squeeze %dma_wait3A_351 : memref<1x32xi32, #tpu.memory_space<vmem>> -> memref<32xi32, #tpu.memory_space<vmem>>
    %dma_wait3A_353 = arith.constant 0 : i32
    %dma_wait3A_354 = tpu.memref_slice %arg4[%dma_wait3A_348, %dma_wait3A_353] : memref<4x32xi32, #tpu.memory_space<hbm>> -> memref<1x32xi32, #tpu.memory_space<hbm>>
    %dma_wait3A_355 = tpu.memref_squeeze %dma_wait3A_354 : memref<1x32xi32, #tpu.memory_space<hbm>> -> memref<32xi32, #tpu.memory_space<hbm>>
    %dma_wait3A_356 = arith.constant 0 : i32
    %dma_wait3A_357 = tpu.memref_slice %arg8[%dma_wait3A_349, %dma_wait3A_356] : memref<4x32xi32, #tpu.memory_space<vmem>> -> memref<1x32xi32, #tpu.memory_space<vmem>>
    %dma_wait3A_358 = tpu.memref_squeeze %dma_wait3A_357 : memref<1x32xi32, #tpu.memory_space<vmem>> -> memref<32xi32, #tpu.memory_space<vmem>>
    %dma_wait3A_359 = arith.constant 0 : i32
    %dma_wait3A_360 = tpu.memref_slice %arg4[%dma_wait3A_348, %dma_wait3A_359] : memref<4x32xi32, #tpu.memory_space<hbm>> -> memref<1x32xi32, #tpu.memory_space<hbm>>
    %dma_wait3A_361 = tpu.memref_squeeze %dma_wait3A_360 : memref<1x32xi32, #tpu.memory_space<hbm>> -> memref<32xi32, #tpu.memory_space<hbm>>
    tpu.wait_dma2 semaphore(%arg12 : memref<!tpu.dma_semaphore, #tpu.memory_space<semaphore_mem>>) src(%dma_wait3A_361 : memref<32xi32, #tpu.memory_space<hbm>>) dst(%dma_wait3A_358 : memref<32xi32, #tpu.memory_space<vmem>>)
    %dma_wait3A_362 = arith.constant 0 : i32
    %dma_wait3A_363 = arith.constant 0 : i32
    %dma_wait3A_364 = arith.constant 0 : i32
    %dma_wait3A_365 = arith.constant 0 : i32
    %dma_wait3A_366 = tpu.memref_slice %arg7[%dma_wait3A_363, %dma_wait3A_364, %dma_wait3A_365] : memref<4x32x768xf32, #tpu.memory_space<vmem>> -> memref<1x32x768xf32, #tpu.memory_space<vmem>>
    %dma_wait3A_367 = tpu.memref_squeeze %dma_wait3A_366 : memref<1x32x768xf32, #tpu.memory_space<vmem>> -> memref<32x768xf32, #tpu.memory_space<vmem>>
    %dma_wait3A_368 = arith.constant 0 : i32
    %dma_wait3A_369 = arith.constant 0 : i32
    %dma_wait3A_370 = tpu.memref_slice %arg3[%dma_wait3A_362, %dma_wait3A_368, %dma_wait3A_369] : memref<4x32x768xf32, #tpu.memory_space<hbm>> -> memref<1x32x768xf32, #tpu.memory_space<hbm>>
    %dma_wait3A_371 = tpu.memref_squeeze %dma_wait3A_370 : memref<1x32x768xf32, #tpu.memory_space<hbm>> -> memref<32x768xf32, #tpu.memory_space<hbm>>
    %dma_wait3A_372 = arith.constant 0 : i32
    %dma_wait3A_373 = arith.constant 0 : i32
    %dma_wait3A_374 = tpu.memref_slice %arg7[%dma_wait3A_363, %dma_wait3A_372, %dma_wait3A_373] : memref<4x32x768xf32, #tpu.memory_space<vmem>> -> memref<1x32x768xf32, #tpu.memory_space<vmem>>
    %dma_wait3A_375 = tpu.memref_squeeze %dma_wait3A_374 : memref<1x32x768xf32, #tpu.memory_space<vmem>> -> memref<32x768xf32, #tpu.memory_space<vmem>>
    %dma_wait3A_376 = arith.constant 0 : i32
    %dma_wait3A_377 = arith.constant 0 : i32
    %dma_wait3A_378 = tpu.memref_slice %arg3[%dma_wait3A_362, %dma_wait3A_376, %dma_wait3A_377] : memref<4x32x768xf32, #tpu.memory_space<hbm>> -> memref<1x32x768xf32, #tpu.memory_space<hbm>>
    %dma_wait3A_379 = tpu.memref_squeeze %dma_wait3A_378 : memref<1x32x768xf32, #tpu.memory_space<hbm>> -> memref<32x768xf32, #tpu.memory_space<hbm>>
    tpu.wait_dma2 semaphore(%arg11 : memref<!tpu.dma_semaphore, #tpu.memory_space<semaphore_mem>>) src(%dma_wait3A_379 : memref<32x768xf32, #tpu.memory_space<hbm>>) dst(%dma_wait3A_375 : memref<32x768xf32, #tpu.memory_space<vmem>>)
    %dma_wait3A_380 = arith.constant 0 : i32
    %dma_wait3A_381 = arith.constant 0 : i32
    %dma_wait3A_382 = arith.constant 0 : i32
    %dma_wait3A_383 = tpu.memref_slice %arg8[%dma_wait3A_381, %dma_wait3A_382] : memref<4x32xi32, #tpu.memory_space<vmem>> -> memref<1x32xi32, #tpu.memory_space<vmem>>
    %dma_wait3A_384 = tpu.memref_squeeze %dma_wait3A_383 : memref<1x32xi32, #tpu.memory_space<vmem>> -> memref<32xi32, #tpu.memory_space<vmem>>
    %dma_wait3A_385 = arith.constant 0 : i32
    %dma_wait3A_386 = tpu.memref_slice %arg4[%dma_wait3A_380, %dma_wait3A_385] : memref<4x32xi32, #tpu.memory_space<hbm>> -> memref<1x32xi32, #tpu.memory_space<hbm>>
    %dma_wait3A_387 = tpu.memref_squeeze %dma_wait3A_386 : memref<1x32xi32, #tpu.memory_space<hbm>> -> memref<32xi32, #tpu.memory_space<hbm>>
    %dma_wait3A_388 = arith.constant 0 : i32
    %dma_wait3A_389 = tpu.memref_slice %arg8[%dma_wait3A_381, %dma_wait3A_388] : memref<4x32xi32, #tpu.memory_space<vmem>> -> memref<1x32xi32, #tpu.memory_space<vmem>>
    %dma_wait3A_390 = tpu.memref_squeeze %dma_wait3A_389 : memref<1x32xi32, #tpu.memory_space<vmem>> -> memref<32xi32, #tpu.memory_space<vmem>>
    %dma_wait3A_391 = arith.constant 0 : i32
    %dma_wait3A_392 = tpu.memref_slice %arg4[%dma_wait3A_380, %dma_wait3A_391] : memref<4x32xi32, #tpu.memory_space<hbm>> -> memref<1x32xi32, #tpu.memory_space<hbm>>
    %dma_wait3A_393 = tpu.memref_squeeze %dma_wait3A_392 : memref<1x32xi32, #tpu.memory_space<hbm>> -> memref<32xi32, #tpu.memory_space<hbm>>
    tpu.wait_dma2 semaphore(%arg12 : memref<!tpu.dma_semaphore, #tpu.memory_space<semaphore_mem>>) src(%dma_wait3A_393 : memref<32xi32, #tpu.memory_space<hbm>>) dst(%dma_wait3A_390 : memref<32xi32, #tpu.memory_space<vmem>>)
    %dma_wait3A_394 = arith.constant 0 : i32
    %dma_wait3A_395 = arith.constant 0 : i32
    %dma_wait3A_396 = arith.constant 0 : i32
    %dma_wait3A_397 = arith.constant 0 : i32
    %dma_wait3A_398 = tpu.memref_slice %arg7[%dma_wait3A_395, %dma_wait3A_396, %dma_wait3A_397] : memref<4x32x768xf32, #tpu.memory_space<vmem>> -> memref<1x32x768xf32, #tpu.memory_space<vmem>>
    %dma_wait3A_399 = tpu.memref_squeeze %dma_wait3A_398 : memref<1x32x768xf32, #tpu.memory_space<vmem>> -> memref<32x768xf32, #tpu.memory_space<vmem>>
    %dma_wait3A_400 = arith.constant 0 : i32
    %dma_wait3A_401 = arith.constant 0 : i32
    %dma_wait3A_402 = tpu.memref_slice %arg3[%dma_wait3A_394, %dma_wait3A_400, %dma_wait3A_401] : memref<4x32x768xf32, #tpu.memory_space<hbm>> -> memref<1x32x768xf32, #tpu.memory_space<hbm>>
    %dma_wait3A_403 = tpu.memref_squeeze %dma_wait3A_402 : memref<1x32x768xf32, #tpu.memory_space<hbm>> -> memref<32x768xf32, #tpu.memory_space<hbm>>
    %dma_wait3A_404 = arith.constant 0 : i32
    %dma_wait3A_405 = arith.constant 0 : i32
    %dma_wait3A_406 = tpu.memref_slice %arg7[%dma_wait3A_395, %dma_wait3A_404, %dma_wait3A_405] : memref<4x32x768xf32, #tpu.memory_space<vmem>> -> memref<1x32x768xf32, #tpu.memory_space<vmem>>
    %dma_wait3A_407 = tpu.memref_squeeze %dma_wait3A_406 : memref<1x32x768xf32, #tpu.memory_space<vmem>> -> memref<32x768xf32, #tpu.memory_space<vmem>>
    %dma_wait3A_408 = arith.constant 0 : i32
    %dma_wait3A_409 = arith.constant 0 : i32
    %dma_wait3A_410 = tpu.memref_slice %arg3[%dma_wait3A_394, %dma_wait3A_408, %dma_wait3A_409] : memref<4x32x768xf32, #tpu.memory_space<hbm>> -> memref<1x32x768xf32, #tpu.memory_space<hbm>>
    %dma_wait3A_411 = tpu.memref_squeeze %dma_wait3A_410 : memref<1x32x768xf32, #tpu.memory_space<hbm>> -> memref<32x768xf32, #tpu.memory_space<hbm>>
    tpu.wait_dma2 semaphore(%arg11 : memref<!tpu.dma_semaphore, #tpu.memory_space<semaphore_mem>>) src(%dma_wait3A_411 : memref<32x768xf32, #tpu.memory_space<hbm>>) dst(%dma_wait3A_407 : memref<32x768xf32, #tpu.memory_space<vmem>>)
    %dma_wait3A_412 = arith.constant 0 : i32
    %dma_wait3A_413 = arith.constant 0 : i32
    %dma_wait3A_414 = arith.constant 0 : i32
    %dma_wait3A_415 = tpu.memref_slice %arg8[%dma_wait3A_413, %dma_wait3A_414] : memref<4x32xi32, #tpu.memory_space<vmem>> -> memref<1x32xi32, #tpu.memory_space<vmem>>
    %dma_wait3A_416 = tpu.memref_squeeze %dma_wait3A_415 : memref<1x32xi32, #tpu.memory_space<vmem>> -> memref<32xi32, #tpu.memory_space<vmem>>
    %dma_wait3A_417 = arith.constant 0 : i32
    %dma_wait3A_418 = tpu.memref_slice %arg4[%dma_wait3A_412, %dma_wait3A_417] : memref<4x32xi32, #tpu.memory_space<hbm>> -> memref<1x32xi32, #tpu.memory_space<hbm>>
    %dma_wait3A_419 = tpu.memref_squeeze %dma_wait3A_418 : memref<1x32xi32, #tpu.memory_space<hbm>> -> memref<32xi32, #tpu.memory_space<hbm>>
    %dma_wait3A_420 = arith.constant 0 : i32
    %dma_wait3A_421 = tpu.memref_slice %arg8[%dma_wait3A_413, %dma_wait3A_420] : memref<4x32xi32, #tpu.memory_space<vmem>> -> memref<1x32xi32, #tpu.memory_space<vmem>>
    %dma_wait3A_422 = tpu.memref_squeeze %dma_wait3A_421 : memref<1x32xi32, #tpu.memory_space<vmem>> -> memref<32xi32, #tpu.memory_space<vmem>>
    %dma_wait3A_423 = arith.constant 0 : i32
    %dma_wait3A_424 = tpu.memref_slice %arg4[%dma_wait3A_412, %dma_wait3A_423] : memref<4x32xi32, #tpu.memory_space<hbm>> -> memref<1x32xi32, #tpu.memory_space<hbm>>
    %dma_wait3A_425 = tpu.memref_squeeze %dma_wait3A_424 : memref<1x32xi32, #tpu.memory_space<hbm>> -> memref<32xi32, #tpu.memory_space<hbm>>
    tpu.wait_dma2 semaphore(%arg12 : memref<!tpu.dma_semaphore, #tpu.memory_space<semaphore_mem>>) src(%dma_wait3A_425 : memref<32xi32, #tpu.memory_space<hbm>>) dst(%dma_wait3A_422 : memref<32xi32, #tpu.memory_space<vmem>>)
    %dma_wait3A_426 = arith.constant 0 : i32
    %dma_wait3A_427 = arith.constant 0 : i32
    %dma_wait3A_428 = arith.constant 0 : i32
    %dma_wait3A_429 = arith.constant 0 : i32
    %dma_wait3A_430 = tpu.memref_slice %arg7[%dma_wait3A_427, %dma_wait3A_428, %dma_wait3A_429] : memref<4x32x768xf32, #tpu.memory_space<vmem>> -> memref<1x32x768xf32, #tpu.memory_space<vmem>>
    %dma_wait3A_431 = tpu.memref_squeeze %dma_wait3A_430 : memref<1x32x768xf32, #tpu.memory_space<vmem>> -> memref<32x768xf32, #tpu.memory_space<vmem>>
    %dma_wait3A_432 = arith.constant 0 : i32
    %dma_wait3A_433 = arith.constant 0 : i32
    %dma_wait3A_434 = tpu.memref_slice %arg3[%dma_wait3A_426, %dma_wait3A_432, %dma_wait3A_433] : memref<4x32x768xf32, #tpu.memory_space<hbm>> -> memref<1x32x768xf32, #tpu.memory_space<hbm>>
    %dma_wait3A_435 = tpu.memref_squeeze %dma_wait3A_434 : memref<1x32x768xf32, #tpu.memory_space<hbm>> -> memref<32x768xf32, #tpu.memory_space<hbm>>
    %dma_wait3A_436 = arith.constant 0 : i32
    %dma_wait3A_437 = arith.constant 0 : i32
    %dma_wait3A_438 = tpu.memref_slice %arg7[%dma_wait3A_427, %dma_wait3A_436, %dma_wait3A_437] : memref<4x32x768xf32, #tpu.memory_space<vmem>> -> memref<1x32x768xf32, #tpu.memory_space<vmem>>
    %dma_wait3A_439 = tpu.memref_squeeze %dma_wait3A_438 : memref<1x32x768xf32, #tpu.memory_space<vmem>> -> memref<32x768xf32, #tpu.memory_space<vmem>>
    %dma_wait3A_440 = arith.constant 0 : i32
    %dma_wait3A_441 = arith.constant 0 : i32
    %dma_wait3A_442 = tpu.memref_slice %arg3[%dma_wait3A_426, %dma_wait3A_440, %dma_wait3A_441] : memref<4x32x768xf32, #tpu.memory_space<hbm>> -> memref<1x32x768xf32, #tpu.memory_space<hbm>>
    %dma_wait3A_443 = tpu.memref_squeeze %dma_wait3A_442 : memref<1x32x768xf32, #tpu.memory_space<hbm>> -> memref<32x768xf32, #tpu.memory_space<hbm>>
    tpu.wait_dma2 semaphore(%arg11 : memref<!tpu.dma_semaphore, #tpu.memory_space<semaphore_mem>>) src(%dma_wait3A_443 : memref<32x768xf32, #tpu.memory_space<hbm>>) dst(%dma_wait3A_439 : memref<32x768xf32, #tpu.memory_space<vmem>>)
    %dma_wait3A_444 = arith.constant 0 : i32
    %dma_wait3A_445 = arith.constant 0 : i32
    %dma_wait3A_446 = arith.constant 0 : i32
    %dma_wait3A_447 = tpu.memref_slice %arg8[%dma_wait3A_445, %dma_wait3A_446] : memref<4x32xi32, #tpu.memory_space<vmem>> -> memref<1x32xi32, #tpu.memory_space<vmem>>
    %dma_wait3A_448 = tpu.memref_squeeze %dma_wait3A_447 : memref<1x32xi32, #tpu.memory_space<vmem>> -> memref<32xi32, #tpu.memory_space<vmem>>
    %dma_wait3A_449 = arith.constant 0 : i32
    %dma_wait3A_450 = tpu.memref_slice %arg4[%dma_wait3A_444, %dma_wait3A_449] : memref<4x32xi32, #tpu.memory_space<hbm>> -> memref<1x32xi32, #tpu.memory_space<hbm>>
    %dma_wait3A_451 = tpu.memref_squeeze %dma_wait3A_450 : memref<1x32xi32, #tpu.memory_space<hbm>> -> memref<32xi32, #tpu.memory_space<hbm>>
    %dma_wait3A_452 = arith.constant 0 : i32
    %dma_wait3A_453 = tpu.memref_slice %arg8[%dma_wait3A_445, %dma_wait3A_452] : memref<4x32xi32, #tpu.memory_space<vmem>> -> memref<1x32xi32, #tpu.memory_space<vmem>>
    %dma_wait3A_454 = tpu.memref_squeeze %dma_wait3A_453 : memref<1x32xi32, #tpu.memory_space<vmem>> -> memref<32xi32, #tpu.memory_space<vmem>>
    %dma_wait3A_455 = arith.constant 0 : i32
    %dma_wait3A_456 = tpu.memref_slice %arg4[%dma_wait3A_444, %dma_wait3A_455] : memref<4x32xi32, #tpu.memory_space<hbm>> -> memref<1x32xi32, #tpu.memory_space<hbm>>
    %dma_wait3A_457 = tpu.memref_squeeze %dma_wait3A_456 : memref<1x32xi32, #tpu.memory_space<hbm>> -> memref<32xi32, #tpu.memory_space<hbm>>
    tpu.wait_dma2 semaphore(%arg12 : memref<!tpu.dma_semaphore, #tpu.memory_space<semaphore_mem>>) src(%dma_wait3A_457 : memref<32xi32, #tpu.memory_space<hbm>>) dst(%dma_wait3A_454 : memref<32xi32, #tpu.memory_space<vmem>>)
    %dma_wait3A_458 = arith.constant 0 : i32
    %dma_wait3A_459 = arith.constant 0 : i32
    %dma_wait3A_460 = arith.constant 0 : i32
    %dma_wait3A_461 = arith.constant 0 : i32
    %dma_wait3A_462 = tpu.memref_slice %arg7[%dma_wait3A_459, %dma_wait3A_460, %dma_wait3A_461] : memref<4x32x768xf32, #tpu.memory_space<vmem>> -> memref<1x32x768xf32, #tpu.memory_space<vmem>>
    %dma_wait3A_463 = tpu.memref_squeeze %dma_wait3A_462 : memref<1x32x768xf32, #tpu.memory_space<vmem>> -> memref<32x768xf32, #tpu.memory_space<vmem>>
    %dma_wait3A_464 = arith.constant 0 : i32
    %dma_wait3A_465 = arith.constant 0 : i32
    %dma_wait3A_466 = tpu.memref_slice %arg3[%dma_wait3A_458, %dma_wait3A_464, %dma_wait3A_465] : memref<4x32x768xf32, #tpu.memory_space<hbm>> -> memref<1x32x768xf32, #tpu.memory_space<hbm>>
    %dma_wait3A_467 = tpu.memref_squeeze %dma_wait3A_466 : memref<1x32x768xf32, #tpu.memory_space<hbm>> -> memref<32x768xf32, #tpu.memory_space<hbm>>
    %dma_wait3A_468 = arith.constant 0 : i32
    %dma_wait3A_469 = arith.constant 0 : i32
    %dma_wait3A_470 = tpu.memref_slice %arg7[%dma_wait3A_459, %dma_wait3A_468, %dma_wait3A_469] : memref<4x32x768xf32, #tpu.memory_space<vmem>> -> memref<1x32x768xf32, #tpu.memory_space<vmem>>
    %dma_wait3A_471 = tpu.memref_squeeze %dma_wait3A_470 : memref<1x32x768xf32, #tpu.memory_space<vmem>> -> memref<32x768xf32, #tpu.memory_space<vmem>>
    %dma_wait3A_472 = arith.constant 0 : i32
    %dma_wait3A_473 = arith.constant 0 : i32
    %dma_wait3A_474 = tpu.memref_slice %arg3[%dma_wait3A_458, %dma_wait3A_472, %dma_wait3A_473] : memref<4x32x768xf32, #tpu.memory_space<hbm>> -> memref<1x32x768xf32, #tpu.memory_space<hbm>>
    %dma_wait3A_475 = tpu.memref_squeeze %dma_wait3A_474 : memref<1x32x768xf32, #tpu.memory_space<hbm>> -> memref<32x768xf32, #tpu.memory_space<hbm>>
    tpu.wait_dma2 semaphore(%arg11 : memref<!tpu.dma_semaphore, #tpu.memory_space<semaphore_mem>>) src(%dma_wait3A_475 : memref<32x768xf32, #tpu.memory_space<hbm>>) dst(%dma_wait3A_471 : memref<32x768xf32, #tpu.memory_space<vmem>>)
    %dma_wait3A_476 = arith.constant 0 : i32
    %dma_wait3A_477 = arith.constant 0 : i32
    %dma_wait3A_478 = arith.constant 0 : i32
    %dma_wait3A_479 = tpu.memref_slice %arg8[%dma_wait3A_477, %dma_wait3A_478] : memref<4x32xi32, #tpu.memory_space<vmem>> -> memref<1x32xi32, #tpu.memory_space<vmem>>
    %dma_wait3A_480 = tpu.memref_squeeze %dma_wait3A_479 : memref<1x32xi32, #tpu.memory_space<vmem>> -> memref<32xi32, #tpu.memory_space<vmem>>
    %dma_wait3A_481 = arith.constant 0 : i32
    %dma_wait3A_482 = tpu.memref_slice %arg4[%dma_wait3A_476, %dma_wait3A_481] : memref<4x32xi32, #tpu.memory_space<hbm>> -> memref<1x32xi32, #tpu.memory_space<hbm>>
    %dma_wait3A_483 = tpu.memref_squeeze %dma_wait3A_482 : memref<1x32xi32, #tpu.memory_space<hbm>> -> memref<32xi32, #tpu.memory_space<hbm>>
    %dma_wait3A_484 = arith.constant 0 : i32
    %dma_wait3A_485 = tpu.memref_slice %arg8[%dma_wait3A_477, %dma_wait3A_484] : memref<4x32xi32, #tpu.memory_space<vmem>> -> memref<1x32xi32, #tpu.memory_space<vmem>>
    %dma_wait3A_486 = tpu.memref_squeeze %dma_wait3A_485 : memref<1x32xi32, #tpu.memory_space<vmem>> -> memref<32xi32, #tpu.memory_space<vmem>>
    %dma_wait3A_487 = arith.constant 0 : i32
    %dma_wait3A_488 = tpu.memref_slice %arg4[%dma_wait3A_476, %dma_wait3A_487] : memref<4x32xi32, #tpu.memory_space<hbm>> -> memref<1x32xi32, #tpu.memory_space<hbm>>
    %dma_wait3A_489 = tpu.memref_squeeze %dma_wait3A_488 : memref<1x32xi32, #tpu.memory_space<hbm>> -> memref<32xi32, #tpu.memory_space<hbm>>
    tpu.wait_dma2 semaphore(%arg12 : memref<!tpu.dma_semaphore, #tpu.memory_space<semaphore_mem>>) src(%dma_wait3A_489 : memref<32xi32, #tpu.memory_space<hbm>>) dst(%dma_wait3A_486 : memref<32xi32, #tpu.memory_space<vmem>>)
    %dma_wait3A_490 = arith.constant 0 : i32
    %dma_wait3A_491 = arith.constant 0 : i32
    %dma_wait3A_492 = arith.constant 0 : i32
    %dma_wait3A_493 = arith.constant 0 : i32
    %dma_wait3A_494 = tpu.memref_slice %arg7[%dma_wait3A_491, %dma_wait3A_492, %dma_wait3A_493] : memref<4x32x768xf32, #tpu.memory_space<vmem>> -> memref<1x32x768xf32, #tpu.memory_space<vmem>>
    %dma_wait3A_495 = tpu.memref_squeeze %dma_wait3A_494 : memref<1x32x768xf32, #tpu.memory_space<vmem>> -> memref<32x768xf32, #tpu.memory_space<vmem>>
    %dma_wait3A_496 = arith.constant 0 : i32
    %dma_wait3A_497 = arith.constant 0 : i32
    %dma_wait3A_498 = tpu.memref_slice %arg3[%dma_wait3A_490, %dma_wait3A_496, %dma_wait3A_497] : memref<4x32x768xf32, #tpu.memory_space<hbm>> -> memref<1x32x768xf32, #tpu.memory_space<hbm>>
    %dma_wait3A_499 = tpu.memref_squeeze %dma_wait3A_498 : memref<1x32x768xf32, #tpu.memory_space<hbm>> -> memref<32x768xf32, #tpu.memory_space<hbm>>
    %dma_wait3A_500 = arith.constant 0 : i32
    %dma_wait3A_501 = arith.constant 0 : i32
    %dma_wait3A_502 = tpu.memref_slice %arg7[%dma_wait3A_491, %dma_wait3A_500, %dma_wait3A_501] : memref<4x32x768xf32, #tpu.memory_space<vmem>> -> memref<1x32x768xf32, #tpu.memory_space<vmem>>
    %dma_wait3A_503 = tpu.memref_squeeze %dma_wait3A_502 : memref<1x32x768xf32, #tpu.memory_space<vmem>> -> memref<32x768xf32, #tpu.memory_space<vmem>>
    %dma_wait3A_504 = arith.constant 0 : i32
    %dma_wait3A_505 = arith.constant 0 : i32
    %dma_wait3A_506 = tpu.memref_slice %arg3[%dma_wait3A_490, %dma_wait3A_504, %dma_wait3A_505] : memref<4x32x768xf32, #tpu.memory_space<hbm>> -> memref<1x32x768xf32, #tpu.memory_space<hbm>>
    %dma_wait3A_507 = tpu.memref_squeeze %dma_wait3A_506 : memref<1x32x768xf32, #tpu.memory_space<hbm>> -> memref<32x768xf32, #tpu.memory_space<hbm>>
    tpu.wait_dma2 semaphore(%arg11 : memref<!tpu.dma_semaphore, #tpu.memory_space<semaphore_mem>>) src(%dma_wait3A_507 : memref<32x768xf32, #tpu.memory_space<hbm>>) dst(%dma_wait3A_503 : memref<32x768xf32, #tpu.memory_space<vmem>>)
    %dma_wait3A_508 = arith.constant 0 : i32
    %dma_wait3A_509 = arith.constant 0 : i32
    %dma_wait3A_510 = arith.constant 0 : i32
    %dma_wait3A_511 = tpu.memref_slice %arg8[%dma_wait3A_509, %dma_wait3A_510] : memref<4x32xi32, #tpu.memory_space<vmem>> -> memref<1x32xi32, #tpu.memory_space<vmem>>
    %dma_wait3A_512 = tpu.memref_squeeze %dma_wait3A_511 : memref<1x32xi32, #tpu.memory_space<vmem>> -> memref<32xi32, #tpu.memory_space<vmem>>
    %dma_wait3A_513 = arith.constant 0 : i32
    %dma_wait3A_514 = tpu.memref_slice %arg4[%dma_wait3A_508, %dma_wait3A_513] : memref<4x32xi32, #tpu.memory_space<hbm>> -> memref<1x32xi32, #tpu.memory_space<hbm>>
    %dma_wait3A_515 = tpu.memref_squeeze %dma_wait3A_514 : memref<1x32xi32, #tpu.memory_space<hbm>> -> memref<32xi32, #tpu.memory_space<hbm>>
    %dma_wait3A_516 = arith.constant 0 : i32
    %dma_wait3A_517 = tpu.memref_slice %arg8[%dma_wait3A_509, %dma_wait3A_516] : memref<4x32xi32, #tpu.memory_space<vmem>> -> memref<1x32xi32, #tpu.memory_space<vmem>>
    %dma_wait3A_518 = tpu.memref_squeeze %dma_wait3A_517 : memref<1x32xi32, #tpu.memory_space<vmem>> -> memref<32xi32, #tpu.memory_space<vmem>>
    %dma_wait3A_519 = arith.constant 0 : i32
    %dma_wait3A_520 = tpu.memref_slice %arg4[%dma_wait3A_508, %dma_wait3A_519] : memref<4x32xi32, #tpu.memory_space<hbm>> -> memref<1x32xi32, #tpu.memory_space<hbm>>
    %dma_wait3A_521 = tpu.memref_squeeze %dma_wait3A_520 : memref<1x32xi32, #tpu.memory_space<hbm>> -> memref<32xi32, #tpu.memory_space<hbm>>
    tpu.wait_dma2 semaphore(%arg12 : memref<!tpu.dma_semaphore, #tpu.memory_space<semaphore_mem>>) src(%dma_wait3A_521 : memref<32xi32, #tpu.memory_space<hbm>>) dst(%dma_wait3A_518 : memref<32xi32, #tpu.memory_space<vmem>>)
    return
  }
}

</mosaic_0001>

<sc_bundles>
// kernel: kernel.3.cloned.1.call-start
scs
__scs_entry_jumppad:
0x0: {  	(pc) =	sbr.rel $0x88, $3  }
0x1: {  	(tag) =	ssettag $0x0;
	lr =	simm.s32 $0x1  }
0x2: {  	[smem:$0x3F9E] =	sst lr;
	_ =	strace $0xD0000000  }
0x3: {  	_ = 	snop  }
0x4: {  	_ = 	snop  }
0x5: {  	_ = 	snop  }
0x6: {  	_ = 	snop  }
0x7: {  	_ = 	snop  }
__scs_overlays_trampoline_lowered:
0x8: {  	[smem:$0x3FAD] =	sst s0  }
0x9: {  	[smem:$0x3FAE] =	sst s1  }
0xa: {  	[smem:$0x3FAF] =	sst s2  }
0xb: {  	[smem:$0x3FB0] =	sst s3  }
0xc: {  	[smem:$0x3FB1] =	sst s4  }
0xd: {  	[smem:$0x3FB2] =	sst s5  }
0xe: {  	[smem:$0x3FB3] =	sst s6  }
0xf: {  	[smem:$0x3FB4] =	sst s7  }
0x10: {  	[smem:$0x3FB5] =	sst s8  }
0x11: {  	[smem:$0x3FB6] =	sst s9;
	s0 =	simm.s32 @!p0 $0x0  }
0x12: {  	s1 =	sld [smem:$0x3F9C];
	s0 =	simm.s32 @p0 $0x1  }
0x13: {  	[smem:$0x3FB7] =	sst s0;
	s0 =	simm.s32 @!p1 $0x0  }
0x14: {  	s2 =	sld [smem:$0x3F9B];
	s0 =	simm.s32 @p1 $0x1  }
0x15: {  	[smem:$0x3FB8] =	sst s0;
	s0 =	simm.s32 @!p2 $0x0  }
0x16: {  	s3 =	sld [smem:$0x3FDB];
	s0 =	simm.s32 @p2 $0x1  }
0x17: {  	s4 =	simm.s32 $0x1BF5;
	[smem:$0x3FBA] =	sst s0  }
0x18: {  	s0 =	sld [smem:$0x3F9D];
	_ =	swait.ge [sflag:s4], $0x0  }
0x19: {  	s7 =	sld [smem:$0x3F9E]  }
0x1a: {  	s8 =	sadd.s32 $0xFFFFE003, lr  }
0x1b: {  	s9 =	sadd.s32 $0xFFFFFEF7, lr;
	s5 =	simm.s32 $0xFFFFFFFF;
	p2 =	slt.u32 s8, $0xFFFFF086  }
0x1c: {  	p1 =	slt.u32 s9, $0xF7A;
	s5 =	simm.s32 @!p2 $0x0  }
0x1d: {  	s5 =	simm.s32 @p1 $0x1;
	p0 =	seq.s32 s7, s2  }
0x1e: {  	s7 =	smul.u32 @!p0 $0xF7A, s2;
	p2 =	seq.s32 @!p0 s5, $0x0  }
0x1f: {  	s9 =	smul.u32 $0xF7A, s1;
	s8 =	simm.s32 @!p0 $0x1BF5;
	p2 =	por !p2, p0  }
0x20: {  	[sflag:s8] =	ssyncset.s32 @!p0 $0xFFFFF086;
	s6 =	sadd.s32 @!p0 s3, s7;
	s7 =	simm.s32 @!p0 $0x108  }
0x21: {  	s3 =	sadd.s32 s3, s9;
	s6 =	sadd.s32 @!p0 $0x88, s6;
	s7 =	simm.s32 @p2 $0x1082  }
0x22: {  	[simem:s7], [sflag:s8] =	dma.local @!p0 [hbm:s6], $0xF7A  }
0x23: {  	s9 =	sor.u32 $0xD0000000, s2;
	s6 =	simm.s32 $0x108;
	_ =	swait.ge @!p0 [sflag:s8], $0x0  }
0x24: {  	s3 =	sadd.s32 $0x88, s3;
	s6 =	simm.s32 @!p1 $0x1082;
	[sflag:s4] =	ssyncset.s32 $0xFFFFF086  }
0x25: {  	[simem:s6], [sflag:s4] =	dma.local [hbm:s3], $0xF7A  }
0x26: {  	[smem:$0x3F9E] =	sst s1;
	(tag) =	ssettag s2;
	_ =	strace s9  }
0x27: {  	s1 =	sld [smem:$0x3FAE]  }
0x28: {  	s2 =	sld [smem:$0x3FAF]  }
0x29: {  	s4 =	sld [smem:$0x3FB1]  }
0x2a: {  	p0 =	seq.s32 s5, $0x0;
	s5 =	sld [smem:$0x3FB2]  }
0x2b: {  	s6 =	sld [smem:$0x3FB3]  }
0x2c: {  	s7 =	sld [smem:$0x3FB4]  }
0x2d: {  	s3 =	simm.s32 $0x108;
	s8 =	sld [smem:$0x3FB5]  }
0x2e: {  	s3 =	simm.s32 @!p0 $0x1082;
	s9 =	sld [smem:$0x3FB6]  }
0x2f: {  	lr =	sadd.s32 s0, s3;
	s0 =	sld [smem:$0x3FAD]  }
0x30: {  	s3 =	sld [smem:$0x3FB0]  }
0x31: {  	[smem:$0x3FB9] =	sst s10  }
0x32: {  	s10 =	sld [smem:$0x3FB7];
	_ =	sdelay $0x3  }
0x33: {  	p0 =	seq.s32 s10, $0x1;
	s10 =	sld [smem:$0x3FB9];
	_ =	sdelay $0x3  }
0x34: {  	[smem:$0x3FB9] =	sst s10  }
0x35: {  	s10 =	sld [smem:$0x3FB8];
	_ =	sdelay $0x3  }
0x36: {  	p1 =	seq.s32 s10, $0x1;
	s10 =	sld [smem:$0x3FB9];
	_ =	sdelay $0x3  }
0x37: {  	[smem:$0x3FB9] =	sst s10  }
0x38: {  	s10 =	sld [smem:$0x3FBA]  }
0x39: {  	_ = 	snop;
	(pc) =	sbr.ind lr, $3  }
0x3a: {  	_ = 	snop  }
0x3b: {  	_ = 	snop  }
0x3c: {  	p2 =	seq.s32 s10, $0x1;
	s10 =	sld [smem:$0x3FB9]  }
0x3d: {  	_ =	shalt  }
0x3e: {  	_ =	shalt  }
0x3f: {  	_ =	shalt  }
0x40: {  	_ =	shalt  }
0x41: {  	_ =	shalt  }
0x42: {  	_ =	shalt  }
0x43: {  	_ =	shalt  }
0x44: {  	_ =	shalt  }
0x45: {  	_ =	shalt  }
0x46: {  	_ =	shalt  }
0x47: {  	_ =	shalt  }
0x48: {  	_ =	shalt  }
0x49: {  	_ =	shalt  }
0x4a: {  	_ =	shalt  }
0x4b: {  	_ =	shalt  }
0x4c: {  	_ =	shalt  }
0x4d: {  	_ =	shalt  }
0x4e: {  	_ =	shalt  }
0x4f: {  	_ =	shalt  }
0x50: {  	_ =	shalt  }
0x51: {  	_ =	shalt  }
0x52: {  	_ =	shalt  }
0x53: {  	_ =	shalt  }
0x54: {  	_ =	shalt  }
0x55: {  	_ =	shalt  }
0x56: {  	_ =	shalt  }
0x57: {  	_ =	shalt  }
0x58: {  	_ =	shalt  }
0x59: {  	_ =	shalt  }
0x5a: {  	_ =	shalt  }
0x5b: {  	_ =	shalt  }
0x5c: {  	_ =	shalt  }
0x5d: {  	_ =	shalt  }
0x5e: {  	_ =	shalt  }
0x5f: {  	_ =	shalt  }
0x60: {  	_ =	shalt  }
0x61: {  	_ =	shalt  }
0x62: {  	_ =	shalt  }
0x63: {  	_ =	shalt  }
0x64: {  	_ =	shalt  }
0x65: {  	_ =	shalt  }
0x66: {  	_ =	shalt  }
0x67: {  	_ =	shalt  }
0x68: {  	_ =	shalt  }
0x69: {  	_ =	shalt  }
0x6a: {  	_ =	shalt  }
0x6b: {  	_ =	shalt  }
0x6c: {  	_ =	shalt  }
0x6d: {  	_ =	shalt  }
0x6e: {  	_ =	shalt  }
0x6f: {  	_ =	shalt  }
0x70: {  	_ =	shalt  }
0x71: {  	_ =	shalt  }
0x72: {  	_ =	shalt  }
0x73: {  	_ =	shalt  }
0x74: {  	_ =	shalt  }
0x75: {  	_ =	shalt  }
0x76: {  	_ =	shalt  }
0x77: {  	_ =	shalt  }
0x78: {  	_ =	shalt  }
0x79: {  	_ =	shalt  }
0x7a: {  	_ =	shalt  }
0x7b: {  	_ =	shalt  }
0x7c: {  	_ =	shalt  }
0x7d: {  	_ =	shalt  }
0x7e: {  	_ =	shalt  }
0x7f: {  	_ =	shalt  }
0x80: {  	_ =	shalt  }
0x81: {  	_ =	shalt  }
0x82: {  	_ =	shalt  }
0x83: {  	_ =	shalt  }
0x84: {  	_ =	shalt  }
0x85: {  	_ =	shalt  }
0x86: {  	_ =	shalt  }
0x87: {  	_ =	shalt  }
.Lfunc_end0:
.L_simem_size_0:
called_computation_lowered:
.L_overlay_start_0:
0x88: {  	s2 =	sld [smem:$0x3FD9]  }
0x89: {  	s3 =	sld [smem:$0x3FFE];
	_ =	sdelay $0x1  }
0x8a: {  	s1 =	srdreg.scid  }
0x8b: {  	s0 =	sand.u32 $0x1, s1  }
0x8c: {  	s14 =	sshll.u32 s0, $0xA;
	s2 =	sadd.s32 s3, s2  }
0x8d: {  	s2 =	sadd.s32 s2, s14  }
0x8e: {  	[smem:$0x3FC5] =	sst s2  }
0x8f: {  	_ = 	snop  }
0x90: {  	s2 =	sld [smem:$0x3FD0]  }
0x91: {  	s15 =	sld [smem:$0x3FC9]  }
0x92: {  	s4 =	sld [smem:$0x3FC8]  }
0x93: {  	s6 =	simm.s32 $0xA;
	s7 =	simm.s32 $0x10;
	s5 =	sld [smem:$0x3FC7]  }
0x94: {  	[smem:s7], [sflag:s6] =	dma.local [hbm:s2], $0x1  }
0x95: {  	_ =	swait.eq [sflag:s6], $0x1  }
0x96: {  	[sflag:s6] =	ssyncset.done $0x0  }
0x97: {  	[sflag:s6] =	ssyncadd.s32 $0xFFFFFFFF  }
0x98: {  	s16 =	sld [smem:$0x10];
	(tm) =	ssettm $0x1  }
0x99: {  	s17 =	sld [smem:$0x3FFB];
	_ =	sdelay $0x3  }
0x9a: {  	_ =	strace s17  }
0x9b: {  	s6 =	sld [smem:$0x3FFC];
	_ =	sdelay $0x3  }
0x9c: {  	_ =	strace s6  }
0x9d: {  	s6 =	sld [smem:$0x3FFD];
	_ =	sdelay $0x3  }
0x9e: {  	_ =	strace s6  }
0x9f: {  	_ =	strace $0x8FFFFFFF  }
0xa0: {  	s18 =	sld [smem:$0x3FDB];
	_ =	sdelay $0x1  }
0xa1: {  	s19 =	simm.s32 $_scs_section_size  }
0xa2: {  	s8 =	simm.s32 $_size__tile_overlayer_lowered;
	s9 =	simm.s32 $_tile_overlayer_lowered  }
0xa3: {  	s22 =	simm.s32 $0x1BFF;
	s21 =	sshll.u32 s9, $0x1;
	s6 =	sadd.s32 s19, s18  }
0xa4: {  	s10 =	simm.s32 $0x0;
	s20 =	sshll.u32 s8, $0x1;
	s8 =	sadd.s32 s21, s6  }
0xa5: {  	[timem:s10], [sflag:s22] =	dma.local [hbm:s8], s20  }
0xa6: {  	_ =	swait.ge [sflag:s22], s20  }
0xa7: {  	s7 =	ssub.s32 $0x0, s20;
	[sflag:s22] =	ssyncset.done $0x0  }
0xa8: {  	[sflag:s22] =	ssyncadd.s32 s7;
	_ =	sdelay $0x1  }
0xa9: {  	s23 =	simm.s32 $0x1B8B  }
0xaa: {  	_ =	swait.ge [sflag:s23], $0x1  }
0xab: {  	[sflag:s23] =	ssyncset.done $0x0  }
0xac: {  	s25 =	simm.s32 $0x1B8E;
	s24 =	sld [smem:$0x3FFE];
	[sflag:s23] =	ssyncadd.s32 $0xFFFFFFFF  }
0xad: {  	s26 =	simm.s32 $execute0_lowered;
	[smem:$0x3FD2] =	sst s25  }
0xae: {  	s8 =	sshll.u32 s26, $0x1;
	_ =	strace $0x80000046;
	[dreg:$0x1] =	wrdreg $0xFFFFFFFF  }
0xaf: {  	s28 =	simm.s32 $_size_execute0_lowered;
	s6 =	sadd.s32 s6, s8;
	[dreg:$0x0] =	wrdreg $0x0  }
0xb0: {  	s8 =	sshll.u32 s28, $0x1;
	[dreg:$0x2] =	wrdreg s6  }
0xb1: {  	[dreg:$0x3] =	wrdreg s8  }
0xb2: {  	[dreg:$0x4] =	wrdreg $0xC0  }
0xb3: {  	_ =	task [dreg:s10], $0x5FFFF  }
0xb4: {  	[dreg:$0x1] =	wrdreg $0xFFFFFFFF  }
0xb5: {  	[dreg:$0x0] =	wrdreg $0x60  }
0xb6: {  	[dreg:$0x2] =	wrdreg s15  }
0xb7: {  	[dreg:$0x3] =	wrdreg s4  }
0xb8: {  	[dreg:$0x4] =	wrdreg s5  }
0xb9: {  	[dreg:$0x5] =	wrdreg s16  }
0xba: {  	[dreg:$0x6] =	wrdreg s24  }
0xbb: {  	[dreg:$0x7] =	wrdreg $0x9  }
0xbc: {  	_ =	task.clear_ibuf [dreg:s10], $0x8FFFF;
	_ =	strace $0x90000046  }
0xbd: {  	s29 =	simm.s32 $0x9;
	_ =	strace $0x80000048  }
0xbe: {  	_ =	swait.ge [sflag:s29], $0x1  }
0xbf: {  	[sflag:s29] =	ssyncadd.s32 $0xFFFFFFFF  }
0xc0: {  	_ =	strace $0x90000048  }
0xc1: {  	_ =	sfence  }
0xc2: {  	s30 =	sld [smem:$0x0];
	_ =	sdelay $0x2  }
0xc3: {  	s31 =	sshll.u32 s1, $0xD;
	s1 =	sshrl.u32 s1, $0x2  }
0xc4: {  	s3 =	sand.u32 $0x4000, s31;
	s1 =	sadd.s32 s1, s30  }
0xc5: {  	s0 =	sor.u32 s3, s0;
	s1 =	sshll.u32 s1, $0x11  }
0xc6: {  	s0 =	sor.u32 s1, s0  }
0xc7: {  	s0 =	sadd.s32 $0x8F2B, s0  }
0xc8: {  	[sflag:s0] =	ssyncadd.remote.s32 $0x1  }
0xc9: {  	_ =	sfence.sel $0xFFFF  }
0xca: {  	[dreg:$0x0] =	wrdreg $0xFFFFFFFF;
	(pc) =	sbr.abs _section_cstart, $3  }
0xcb: {  	[dreg:$0x1] =	wrdreg $0xFFFFFFFF  }
0xcc: {  	_ =	task.clear_ibuf [dreg:s10], $0x2FFFF;
	_ =	strace $0x9FFFFFFF  }
0xcd: {  	(tm) =	ssettm $0x7FFFFFFF  }
tec
execute0_lowered:
.L_overlay_start_1:
0x0: {  	(tag) =	ssettag $0x1  }
0x1: {  	s5 =	rddreg [dreg:$0x0]  }
0x2: {  	s1 =	rddreg [dreg:$0x1]  }
0x3: {  	s2 =	rddreg [dreg:$0x2]  }
0x4: {  	s6 =	rddreg [dreg:$0x3]  }
0x5: {  	s7 =	rddreg [dreg:$0x4]  }
0x6: {  	s0 =	rddreg [dreg:$0x5];
	s4 =	simm.s32 $0x0  }
0x7: {  	s3 =	stileid.u32;
	s8 =	srdreg.scid;
	s13 =	simm.s32 $0x0  }
0x8: {  	[smem:$0x7FF] =	sst s4;
	s9 =	sshll.u32 s3, $0xE;
	s8 =	sand.u32 $0x1, s8  }
0x9: {  	s11 =	sshll.u32 s3, $0xA;
	s29 =	smul.u32 $0x300000, s3;
	_ =	strace $0x80000047  }
0xa: {  	s7 =	sadd.s32 s9, s7;
	s26 =	ssub.s32 $0x2, s8;
	s12 =	sshll.u32 s8, $0x9  }
0xb: {  	s30 =	sshll.u32 s8, $0xD;
	s8 =	smul.u32 $0x180000, s8;
	s10 =	sshrl.u32 s26, $0x1  }
.Ltmp0:
0xc: {  	s28 =	sor.u32 s12, s11;
	s7 =	sadd.s32 s30, s7;
	(pc) =	sbr.rel .LBB2_1-.Ltmp0, $4  }
0xd: {  	s31 =	sadd.s32 s29, s6;
	s11 =	simm.s32 $0x2;
	s12 =	simm.s32 $0x3  }
0xe: {  	s9 =	ssub.s32 s26, s10;
	s10 =	sshrl.u32 s28, $0x3;
	s7 =	sadd.s32 $0x800, s7  }
0xf: {  	s8 =	sadd.s32 s8, s31;
	s5 =	sadd.s32 s5, s10;
	s6 =	smax.u32 s9, $0x1  }
0x10: {  	s8 =	sadd.s32 $0xB400, s8;
	s9 =	simm.s32 $0x18000;
	s10 =	simm.s32 $0x1  }
.LBB2_5:
0x11: {  	_ =	swait.ge [sflag:s11], $0x6000  }
0x12: {  	[sflag:s11] =	ssyncset.done $0x0  }
0x13: {  	[sflag:s11] =	ssyncadd.s32 $0xFFFFA000  }
0x14: {  	_ =	swait.ge [sflag:s12], $0x80  }
0x15: {  	[sflag:s12] =	ssyncset.done $0x0  }
0x16: {  	[sflag:s12] =	ssyncadd.s32 $0xFFFFFF80  }
0x17: {  	_ =	swait.ge [sflag:s11], $0x6000  }
0x18: {  	[sflag:s11] =	ssyncset.done $0x0  }
0x19: {  	[sflag:s11] =	ssyncadd.s32 $0xFFFFA000  }
0x1a: {  	_ =	swait.ge [sflag:s12], $0x80  }
0x1b: {  	[sflag:s12] =	ssyncset.done $0x0  }
0x1c: {  	[sflag:s12] =	ssyncadd.s32 $0xFFFFFF80  }
0x1d: {  	_ =	swait.ge [sflag:s11], $0x6000  }
0x1e: {  	[sflag:s11] =	ssyncset.done $0x0  }
0x1f: {  	[sflag:s11] =	ssyncadd.s32 $0xFFFFA000  }
0x20: {  	_ =	swait.ge [sflag:s12], $0x80  }
0x21: {  	[sflag:s12] =	ssyncset.done $0x0  }
0x22: {  	[sflag:s12] =	ssyncadd.s32 $0xFFFFFF80  }
0x23: {  	_ =	swait.ge [sflag:s11], $0x6000  }
0x24: {  	[sflag:s11] =	ssyncset.done $0x0  }
0x25: {  	[sflag:s11] =	ssyncadd.s32 $0xFFFFA000  }
0x26: {  	_ =	swait.ge [sflag:s12], $0x80  }
0x27: {  	[sflag:s12] =	ssyncset.done $0x0  }
0x28: {  	[sflag:s12] =	ssyncadd.s32 $0xFFFFFF80  }
0x29: {  	_ =	swait.ge [sflag:s11], $0x6000  }
0x2a: {  	[sflag:s11] =	ssyncset.done $0x0  }
0x2b: {  	[sflag:s11] =	ssyncadd.s32 $0xFFFFA000  }
0x2c: {  	_ =	swait.ge [sflag:s12], $0x80  }
0x2d: {  	[sflag:s12] =	ssyncset.done $0x0  }
0x2e: {  	[sflag:s12] =	ssyncadd.s32 $0xFFFFFF80  }
0x2f: {  	_ =	swait.ge [sflag:s11], $0x6000  }
0x30: {  	[sflag:s11] =	ssyncset.done $0x0  }
0x31: {  	[sflag:s11] =	ssyncadd.s32 $0xFFFFA000  }
0x32: {  	_ =	swait.ge [sflag:s12], $0x80  }
0x33: {  	[sflag:s12] =	ssyncset.done $0x0  }
0x34: {  	[sflag:s12] =	ssyncadd.s32 $0xFFFFFF80  }
0x35: {  	_ =	swait.ge [sflag:s11], $0x6000  }
0x36: {  	[sflag:s11] =	ssyncset.done $0x0  }
0x37: {  	[sflag:s11] =	ssyncadd.s32 $0xFFFFA000  }
0x38: {  	_ =	swait.ge [sflag:s12], $0x80  }
0x39: {  	[sflag:s12] =	ssyncset.done $0x0  }
0x3a: {  	[sflag:s12] =	ssyncadd.s32 $0xFFFFFF80  }
0x3b: {  	_ =	swait.ge [sflag:s11], $0x6000  }
0x3c: {  	[sflag:s11] =	ssyncset.done $0x0  }
0x3d: {  	[sflag:s11] =	ssyncadd.s32 $0xFFFFA000  }
0x3e: {  	_ =	swait.ge [sflag:s12], $0x80  }
0x3f: {  	[sflag:s12] =	ssyncset.done $0x0  }
0x40: {  	[sflag:s12] =	ssyncadd.s32 $0xFFFFFF80  }
0x41: {  	_ =	swait.ge [sflag:s11], $0x6000  }
0x42: {  	[sflag:s11] =	ssyncset.done $0x0  }
0x43: {  	[sflag:s11] =	ssyncadd.s32 $0xFFFFA000  }
0x44: {  	_ =	swait.ge [sflag:s12], $0x80  }
0x45: {  	[sflag:s12] =	ssyncset.done $0x0  }
0x46: {  	[sflag:s12] =	ssyncadd.s32 $0xFFFFFF80  }
0x47: {  	_ =	swait.ge [sflag:s11], $0x6000  }
0x48: {  	[sflag:s11] =	ssyncset.done $0x0  }
0x49: {  	[sflag:s11] =	ssyncadd.s32 $0xFFFFA000  }
0x4a: {  	_ =	swait.ge [sflag:s12], $0x80  }
0x4b: {  	[sflag:s12] =	ssyncset.done $0x0  }
0x4c: {  	[sflag:s12] =	ssyncadd.s32 $0xFFFFFF80  }
0x4d: {  	_ =	swait.ge [sflag:s11], $0x6000  }
0x4e: {  	[sflag:s11] =	ssyncset.done $0x0  }
0x4f: {  	[sflag:s11] =	ssyncadd.s32 $0xFFFFA000  }
0x50: {  	_ =	swait.ge [sflag:s12], $0x80  }
0x51: {  	[sflag:s12] =	ssyncset.done $0x0  }
0x52: {  	[sflag:s12] =	ssyncadd.s32 $0xFFFFFF80  }
0x53: {  	_ =	swait.ge [sflag:s11], $0x6000  }
0x54: {  	[sflag:s11] =	ssyncset.done $0x0  }
0x55: {  	[sflag:s11] =	ssyncadd.s32 $0xFFFFA000  }
0x56: {  	_ =	swait.ge [sflag:s12], $0x80  }
0x57: {  	[sflag:s12] =	ssyncset.done $0x0  }
0x58: {  	[sflag:s12] =	ssyncadd.s32 $0xFFFFFF80  }
0x59: {  	_ =	swait.ge [sflag:s11], $0x6000  }
0x5a: {  	[sflag:s11] =	ssyncset.done $0x0  }
0x5b: {  	[sflag:s11] =	ssyncadd.s32 $0xFFFFA000  }
0x5c: {  	_ =	swait.ge [sflag:s12], $0x80  }
0x5d: {  	[sflag:s12] =	ssyncset.done $0x0  }
0x5e: {  	[sflag:s12] =	ssyncadd.s32 $0xFFFFFF80  }
0x5f: {  	_ =	swait.ge [sflag:s11], $0x6000  }
0x60: {  	[sflag:s11] =	ssyncset.done $0x0  }
0x61: {  	[sflag:s11] =	ssyncadd.s32 $0xFFFFA000  }
0x62: {  	_ =	swait.ge [sflag:s12], $0x80  }
0x63: {  	[sflag:s12] =	ssyncset.done $0x0  }
0x64: {  	[sflag:s12] =	ssyncadd.s32 $0xFFFFFF80  }
0x65: {  	_ =	swait.ge [sflag:s11], $0x6000  }
0x66: {  	[sflag:s11] =	ssyncset.done $0x0  }
0x67: {  	[sflag:s11] =	ssyncadd.s32 $0xFFFFA000  }
0x68: {  	_ =	swait.ge [sflag:s12], $0x80  }
0x69: {  	[sflag:s12] =	ssyncset.done $0x0  }
0x6a: {  	s13 =	sadd.s32 $0x1, s13;
	[sflag:s12] =	ssyncadd.s32 $0xFFFFFF80  }
0x6b: {  	p0 =	sne.s32 s13, s6;
	_ =	swait.ge [sflag:s11], $0x6000  }
.Ltmp1:
0x6c: {  	[sflag:s11] =	ssyncset.done $0x0;
	(pc) =	sbr.rel @!p0 .LBB2_6-.Ltmp1, $4  }
0x6d: {  	[sflag:s11] =	ssyncadd.s32 $0xFFFFA000  }
0x6e: {  	_ =	swait.ge [sflag:s12], $0x80  }
0x6f: {  	[sflag:s12] =	ssyncset.done $0x0  }
0x70: {  	[sflag:s12] =	ssyncadd.s32 $0xFFFFFF80  }
.LBB2_1:
0x71: {  	[tilespmem:s4], [sflag:$0x1] =	stream.linear.gather [hbm4b:s1+s4], $0x18000, $0x38;
	[tilespmem:$0x18400] =	vst v63  }
0x72: {  	_ = 	snop  }
0x73: {  	[tilespmem:s9], [sflag:$0x1] =	stream.linear.gather [hbm4b:s2+s4], $0x200, $0x38;
	[tilespmem:$0x18400] =	vst v63  }
0x74: {  	s14 =	simm.s32 $0x18200  }
0x75: {  	[tilespmem:s14], [sflag:$0x1] =	stream.linear.gather [hbm4b:s5+s4], $0x200, $0x38;
	[tilespmem:$0x18400] =	vst v63  }
0x76: {  	_ =	swait.ge [sflag:s10], $0x18000  }
0x77: {  	[sflag:s10] =	ssyncset.done $0x0  }
0x78: {  	[sflag:s10] =	ssyncadd.s32 $0xFFFE8000  }
0x79: {  	_ =	swait.ge [sflag:s10], $0x200  }
.Ltmp2:
0x7a: {  	[sflag:s10] =	ssyncset.done $0x0;
	(pc) =	sbr.rel .LBB2_2-.Ltmp2, $4  }
0x7b: {  	[sflag:s10] =	ssyncadd.s32 $0xFFFFFE00  }
0x7c: {  	_ =	swait.ge [sflag:s10], $0x200  }
0x7d: {  	[sflag:s10] =	ssyncset.done $0x0  }
0x7e: {  	s15 =	smov.u32 s8;
	s16 =	simm.s32 $0x0;
	[sflag:s10] =	ssyncadd.s32 $0xFFFFFE00  }
.LBB2_4:
0x7f: {  	s16 =	sadd.s32 $0x100, s16  }
0x80: {  	p0 =	sne.s32 s16, $0x2000  }
.Ltmp3:
0x81: {  	_ = 	snop;
	(pc) =	sbr.rel @!p0 .LBB2_5-.Ltmp3, $2  }
0x82: {  	_ =	sdelay $0x2  }
0x83: {  	s15 =	sadd.s32 $0xC000, s15;
	s14 =	sadd.s32 $0x10, s14  }
.LBB2_2:
0x84: {  	v0 =	vld [tilespmem:s14+$0x0];
	_ =	sdelay $0x4  }
0x85: {  	(v2sf) =	vpush v0, $0x0;
	_ =	sdelay $0x1  }
0x86: {  	(v2sf) =	vpush v0, $0x1;
	_ =	sdelay $0x2  }
0x87: {  	(v2sf) =	vpush v0, $0x2;
	_ =	sdelay $0x9  }
0x88: {  	s17 =	spop (v2sf);
	(v2sf) =	vpush v0, $0x3  }
0x89: {  	s19 =	sadd.s32 $0xFFFF4C00, s15;
	s18 =	smul.u32 $0x18000, s17;
	s17 =	sshll.u32 s17, $0x9  }
0x8a: {  	s28 =	sadd.s32 $0xFFFF5800, s15;
	s26 =	spop (v2sf);
	(v2sf) =	vpush v0, $0x4;
	s25 =	sshra.s32 s17, $0x2  }
0x8b: {  	s17 =	sadd.s32 s16, s7;
	s20 =	smul.u32 $0x18000, s26;
	s18 =	sshra.s32 s18, $0x2  }
0x8c: {  	[hbm4b:s19+s4] =	stream.linear.scatter [tilespmem:s18], [sflag:$0x2], $0x6000, $0x38;
	[tilespmem:$0x18400] =	vst v63  }
0x8d: {  	s29 =	sshll.u32 s26, $0x9;
	s30 =	spop (v2sf);
	(v2sf) =	vpush v0, $0x5;
	s18 =	sadd.s32 $0x18000, s25  }
0x8e: {  	[hbm4b:s17+s4] =	stream.linear.scatter [tilespmem:s18], [sflag:$0x3], $0x80, $0x38;
	[tilespmem:$0x18400] =	vst v63  }
0x8f: {  	s31 =	sadd.s32 $0x10, s17;
	s20 =	sshra.s32 s20, $0x2;
	s18 =	sshra.s32 s29, $0x2  }
0x90: {  	[hbm4b:s28+s4] =	stream.linear.scatter [tilespmem:s20], [sflag:$0x2], $0x6000, $0x38;
	[tilespmem:$0x18400] =	vst v63  }
0x91: {  	s21 =	smul.u32 $0x18000, s30;
	s23 =	sshll.u32 s30, $0x9;
	s18 =	sadd.s32 $0x18000, s18  }
0x92: {  	[hbm4b:s31+s4] =	stream.linear.scatter [tilespmem:s18], [sflag:$0x3], $0x80, $0x38;
	[tilespmem:$0x18400] =	vst v63  }
0x93: {  	s22 =	sshra.s32 s21, $0x2;
	s20 =	sadd.s32 $0xFFFF6400, s15;
	s18 =	sshra.s32 s23, $0x2  }
0x94: {  	[hbm4b:s20+s4] =	stream.linear.scatter [tilespmem:s22], [sflag:$0x2], $0x6000, $0x38;
	[tilespmem:$0x18400] =	vst v63  }
0x95: {  	s25 =	sadd.s32 $0x20, s17;
	s18 =	sadd.s32 $0x18000, s18  }
0x96: {  	[hbm4b:s25+s4] =	stream.linear.scatter [tilespmem:s18], [sflag:$0x3], $0x80, $0x38;
	[tilespmem:$0x18400] =	vst v63  }
0x97: {  	s24 =	spop (v2sf);
	(v2sf) =	vpush v0, $0x6  }
0x98: {  	s21 =	sadd.s32 $0x30, s17;
	s28 =	sadd.s32 $0xFFFF7000, s15;
	s26 =	smul.u32 $0x18000, s24  }
0x99: {  	s23 =	sadd.s32 $0xFFFF7C00, s15;
	s30 =	sshll.u32 s24, $0x9;
	s31 =	spop (v2sf);
	(v2sf) =	vpush v0, $0x7  }
0x9a: {  	s18 =	sshra.s32 s30, $0x2;
	s22 =	smul.u32 $0x18000, s31;
	s29 =	sshra.s32 s26, $0x2  }
0x9b: {  	[hbm4b:s28+s4] =	stream.linear.scatter [tilespmem:s29], [sflag:$0x2], $0x6000, $0x38;
	[tilespmem:$0x18400] =	vst v63  }
0x9c: {  	s25 =	sshll.u32 s31, $0x9;
	s18 =	sadd.s32 $0x18000, s18;
	s26 =	spop (v2sf);
	(v2sf) =	vpush v0, $0x8  }
0x9d: {  	[hbm4b:s21+s4] =	stream.linear.scatter [tilespmem:s18], [sflag:$0x3], $0x80, $0x38;
	[tilespmem:$0x18400] =	vst v63  }
0x9e: {  	s24 =	sshra.s32 s22, $0x2;
	s28 =	sadd.s32 $0x40, s17;
	s18 =	sshra.s32 s25, $0x2  }
0x9f: {  	[hbm4b:s23+s4] =	stream.linear.scatter [tilespmem:s24], [sflag:$0x2], $0x6000, $0x38;
	[tilespmem:$0x18400] =	vst v63  }
0xa0: {  	s29 =	smul.u32 $0x18000, s26;
	s21 =	sshll.u32 s26, $0x9;
	s18 =	sadd.s32 $0x18000, s18  }
0xa1: {  	[hbm4b:s28+s4] =	stream.linear.scatter [tilespmem:s18], [sflag:$0x3], $0x80, $0x38;
	[tilespmem:$0x18400] =	vst v63  }
0xa2: {  	s30 =	sadd.s32 $0xFFFF8800, s15;
	s31 =	sshra.s32 s29, $0x2;
	s18 =	sshra.s32 s21, $0x2  }
0xa3: {  	[hbm4b:s30+s4] =	stream.linear.scatter [tilespmem:s31], [sflag:$0x2], $0x6000, $0x38;
	[tilespmem:$0x18400] =	vst v63  }
0xa4: {  	s23 =	sadd.s32 $0x50, s17;
	s18 =	sadd.s32 $0x18000, s18  }
0xa5: {  	[hbm4b:s23+s4] =	stream.linear.scatter [tilespmem:s18], [sflag:$0x3], $0x80, $0x38;
	[tilespmem:$0x18400] =	vst v63  }
0xa6: {  	s22 =	spop (v2sf);
	(v2sf) =	vpush v0, $0x9  }
0xa7: {  	s20 =	sadd.s32 $0xFFFFA000, s15;
	s25 =	sadd.s32 $0xFFFF9400, s15;
	s24 =	smul.u32 $0x18000, s22  }
0xa8: {  	s30 =	sadd.s32 $0x60, s17;
	s28 =	sshll.u32 s22, $0x9;
	s29 =	spop (v2sf);
	(v2sf) =	vpush v0, $0xA  }
0xa9: {  	s18 =	sshra.s32 s28, $0x2;
	s31 =	smul.u32 $0x18000, s29;
	s26 =	sshra.s32 s24, $0x2  }
0xaa: {  	[hbm4b:s25+s4] =	stream.linear.scatter [tilespmem:s26], [sflag:$0x2], $0x6000, $0x38;
	[tilespmem:$0x18400] =	vst v63  }
0xab: {  	s23 =	sshll.u32 s29, $0x9;
	s18 =	sadd.s32 $0x18000, s18;
	s24 =	spop (v2sf);
	(v2sf) =	vpush v0, $0xB  }
0xac: {  	[hbm4b:s30+s4] =	stream.linear.scatter [tilespmem:s18], [sflag:$0x3], $0x80, $0x38;
	[tilespmem:$0x18400] =	vst v63  }
0xad: {  	s22 =	sshra.s32 s31, $0x2;
	s25 =	sadd.s32 $0x70, s17;
	s18 =	sshra.s32 s23, $0x2  }
0xae: {  	[hbm4b:s20+s4] =	stream.linear.scatter [tilespmem:s22], [sflag:$0x2], $0x6000, $0x38;
	[tilespmem:$0x18400] =	vst v63  }
0xaf: {  	s26 =	smul.u32 $0x18000, s24;
	s30 =	sshll.u32 s24, $0x9;
	s18 =	sadd.s32 $0x18000, s18  }
0xb0: {  	[hbm4b:s25+s4] =	stream.linear.scatter [tilespmem:s18], [sflag:$0x3], $0x80, $0x38;
	[tilespmem:$0x18400] =	vst v63  }
0xb1: {  	s28 =	sadd.s32 $0xFFFFAC00, s15;
	s29 =	sshra.s32 s26, $0x2;
	s18 =	sshra.s32 s30, $0x2  }
0xb2: {  	[hbm4b:s28+s4] =	stream.linear.scatter [tilespmem:s29], [sflag:$0x2], $0x6000, $0x38;
	[tilespmem:$0x18400] =	vst v63  }
0xb3: {  	s21 =	sadd.s32 $0x80, s17;
	s18 =	sadd.s32 $0x18000, s18  }
0xb4: {  	[hbm4b:s21+s4] =	stream.linear.scatter [tilespmem:s18], [sflag:$0x3], $0x80, $0x38;
	[tilespmem:$0x18400] =	vst v63  }
0xb5: {  	s31 =	spop (v2sf);
	(v2sf) =	vpush v0, $0xC  }
0xb6: {  	s23 =	sadd.s32 $0xFFFFB800, s15;
	s30 =	sadd.s32 $0xFFFFC400, s15;
	s22 =	smul.u32 $0x18000, s31  }
0xb7: {  	s28 =	sadd.s32 $0x90, s17;
	s25 =	sshll.u32 s31, $0x9;
	s26 =	spop (v2sf)  }
0xb8: {  	(v2sf) =	vpush v0, $0xD;
	s18 =	sshra.s32 s25, $0x2;
	s29 =	smul.u32 $0x18000, s26;
	s24 =	sshra.s32 s22, $0x2  }
0xb9: {  	[hbm4b:s23+s4] =	stream.linear.scatter [tilespmem:s24], [sflag:$0x2], $0x6000, $0x38;
	[tilespmem:$0x18400] =	vst v63  }
0xba: {  	s21 =	sshll.u32 s26, $0x9;
	s18 =	sadd.s32 $0x18000, s18;
	s22 =	spop (v2sf)  }
0xbb: {  	[hbm4b:s28+s4] =	stream.linear.scatter [tilespmem:s18], [sflag:$0x3], $0x80, $0x38;
	[tilespmem:$0x18400] =	vst v63  }
0xbc: {  	(v2sf) =	vpush v0, $0xE;
	s31 =	sshra.s32 s29, $0x2;
	s23 =	sadd.s32 $0xA0, s17;
	s18 =	sshra.s32 s21, $0x2  }
0xbd: {  	[hbm4b:s30+s4] =	stream.linear.scatter [tilespmem:s31], [sflag:$0x2], $0x6000, $0x38;
	[tilespmem:$0x18400] =	vst v63  }
0xbe: {  	s24 =	smul.u32 $0x18000, s22;
	s28 =	sshll.u32 s22, $0x9;
	s18 =	sadd.s32 $0x18000, s18  }
0xbf: {  	[hbm4b:s23+s4] =	stream.linear.scatter [tilespmem:s18], [sflag:$0x3], $0x80, $0x38;
	[tilespmem:$0x18400] =	vst v63  }
0xc0: {  	s25 =	sadd.s32 $0xFFFFD000, s15;
	s26 =	sshra.s32 s24, $0x2;
	s18 =	sshra.s32 s28, $0x2  }
0xc1: {  	[hbm4b:s25+s4] =	stream.linear.scatter [tilespmem:s26], [sflag:$0x2], $0x6000, $0x38;
	[tilespmem:$0x18400] =	vst v63  }
0xc2: {  	s30 =	sadd.s32 $0xB0, s17;
	s18 =	sadd.s32 $0x18000, s18  }
0xc3: {  	[hbm4b:s30+s4] =	stream.linear.scatter [tilespmem:s18], [sflag:$0x3], $0x80, $0x38;
	[tilespmem:$0x18400] =	vst v63  }
0xc4: {  	s29 =	spop (v2sf);
	(v2sf) =	vpush v0, $0xF  }
0xc5: {  	s20 =	sadd.s32 $0xFFFFDC00, s15;
	s21 =	sadd.s32 $0xD0, s17;
	s31 =	smul.u32 $0x18000, s29  }
0xc6: {  	s28 =	sadd.s32 $0xFFFFE800, s15;
	s25 =	sadd.s32 $0xC0, s17;
	s23 =	sshll.u32 s29, $0x9  }
0xc7: {  	s24 =	spop (v2sf);
	s18 =	sshra.s32 s23, $0x2;
	s22 =	sshra.s32 s31, $0x2  }
0xc8: {  	[hbm4b:s20+s4] =	stream.linear.scatter [tilespmem:s22], [sflag:$0x2], $0x6000, $0x38;
	[tilespmem:$0x18400] =	vst v63  }
0xc9: {  	s26 =	smul.u32 $0x18000, s24;
	s30 =	sshll.u32 s24, $0x9;
	s18 =	sadd.s32 $0x18000, s18  }
0xca: {  	[hbm4b:s25+s4] =	stream.linear.scatter [tilespmem:s18], [sflag:$0x3], $0x80, $0x38;
	[tilespmem:$0x18400] =	vst v63  }
0xcb: {  	s31 =	spop (v2sf);
	s29 =	sshra.s32 s26, $0x2;
	s18 =	sshra.s32 s30, $0x2  }
0xcc: {  	[hbm4b:s28+s4] =	stream.linear.scatter [tilespmem:s29], [sflag:$0x2], $0x6000, $0x38;
	[tilespmem:$0x18400] =	vst v63  }
0xcd: {  	s22 =	smul.u32 $0x18000, s31;
	s25 =	sshll.u32 s31, $0x9;
	s18 =	sadd.s32 $0x18000, s18  }
0xce: {  	[hbm4b:s21+s4] =	stream.linear.scatter [tilespmem:s18], [sflag:$0x3], $0x80, $0x38;
	[tilespmem:$0x18400] =	vst v63  }
0xcf: {  	s23 =	sadd.s32 $0xFFFFF400, s15;
	s24 =	sshra.s32 s22, $0x2;
	s18 =	sshra.s32 s25, $0x2  }
0xd0: {  	[hbm4b:s23+s4] =	stream.linear.scatter [tilespmem:s24], [sflag:$0x2], $0x6000, $0x38;
	[tilespmem:$0x18400] =	vst v63  }
0xd1: {  	s28 =	sadd.s32 $0xE0, s17;
	s18 =	sadd.s32 $0x18000, s18  }
0xd2: {  	[hbm4b:s28+s4] =	stream.linear.scatter [tilespmem:s18], [sflag:$0x3], $0x80, $0x38;
	[tilespmem:$0x18400] =	vst v63  }
0xd3: {  	s26 =	spop (v2sf)  }
0xd4: {  	p0 =	seq.s32 s16, $0x0;
	s29 =	smul.u32 $0x18000, s26  }
.Ltmp4:
0xd5: {  	s31 =	sshll.u32 s26, $0x9;
	(pc) =	sbr.rel @p0 .LBB2_4-.Ltmp4, $4  }
0xd6: {  	s18 =	sshra.s32 s31, $0x2;
	s30 =	sshra.s32 s29, $0x2  }
0xd7: {  	[hbm4b:s15+s4] =	stream.linear.scatter [tilespmem:s30], [sflag:$0x2], $0x6000, $0x38;
	[tilespmem:$0x18400] =	vst v63  }
0xd8: {  	s17 =	sadd.s32 $0xF0, s17;
	s18 =	sadd.s32 $0x18000, s18  }
0xd9: {  	[hbm4b:s17+s4] =	stream.linear.scatter [tilespmem:s18], [sflag:$0x3], $0x80, $0x38;
	[tilespmem:$0x18400] =	vst v63  }
0xda: {  	_ =	swait.ge [sflag:s11], $0x6000  }
0xdb: {  	[sflag:s11] =	ssyncset.done $0x0  }
0xdc: {  	[sflag:s11] =	ssyncadd.s32 $0xFFFFA000  }
0xdd: {  	_ =	swait.ge [sflag:s12], $0x80  }
0xde: {  	[sflag:s12] =	ssyncset.done $0x0  }
0xdf: {  	[sflag:s12] =	ssyncadd.s32 $0xFFFFFF80  }
0xe0: {  	_ =	swait.ge [sflag:s11], $0x6000  }
0xe1: {  	[sflag:s11] =	ssyncset.done $0x0  }
0xe2: {  	[sflag:s11] =	ssyncadd.s32 $0xFFFFA000  }
0xe3: {  	_ =	swait.ge [sflag:s12], $0x80  }
0xe4: {  	[sflag:s12] =	ssyncset.done $0x0  }
0xe5: {  	[sflag:s12] =	ssyncadd.s32 $0xFFFFFF80  }
0xe6: {  	_ =	swait.ge [sflag:s11], $0x6000  }
0xe7: {  	[sflag:s11] =	ssyncset.done $0x0  }
0xe8: {  	[sflag:s11] =	ssyncadd.s32 $0xFFFFA000  }
0xe9: {  	_ =	swait.ge [sflag:s12], $0x80  }
0xea: {  	[sflag:s12] =	ssyncset.done $0x0  }
0xeb: {  	[sflag:s12] =	ssyncadd.s32 $0xFFFFFF80  }
0xec: {  	_ =	swait.ge [sflag:s11], $0x6000  }
0xed: {  	[sflag:s11] =	ssyncset.done $0x0  }
0xee: {  	[sflag:s11] =	ssyncadd.s32 $0xFFFFA000  }
0xef: {  	_ =	swait.ge [sflag:s12], $0x80  }
0xf0: {  	[sflag:s12] =	ssyncset.done $0x0  }
0xf1: {  	[sflag:s12] =	ssyncadd.s32 $0xFFFFFF80  }
0xf2: {  	_ =	swait.ge [sflag:s11], $0x6000  }
0xf3: {  	[sflag:s11] =	ssyncset.done $0x0  }
0xf4: {  	[sflag:s11] =	ssyncadd.s32 $0xFFFFA000  }
0xf5: {  	_ =	swait.ge [sflag:s12], $0x80  }
0xf6: {  	[sflag:s12] =	ssyncset.done $0x0  }
0xf7: {  	[sflag:s12] =	ssyncadd.s32 $0xFFFFFF80  }
0xf8: {  	_ =	swait.ge [sflag:s11], $0x6000  }
0xf9: {  	[sflag:s11] =	ssyncset.done $0x0  }
0xfa: {  	[sflag:s11] =	ssyncadd.s32 $0xFFFFA000  }
0xfb: {  	_ =	swait.ge [sflag:s12], $0x80  }
0xfc: {  	[sflag:s12] =	ssyncset.done $0x0  }
0xfd: {  	[sflag:s12] =	ssyncadd.s32 $0xFFFFFF80  }
0xfe: {  	_ =	swait.ge [sflag:s11], $0x6000  }
0xff: {  	[sflag:s11] =	ssyncset.done $0x0  }
0x100: {  	[sflag:s11] =	ssyncadd.s32 $0xFFFFA000  }
0x101: {  	_ =	swait.ge [sflag:s12], $0x80  }
0x102: {  	[sflag:s12] =	ssyncset.done $0x0  }
0x103: {  	[sflag:s12] =	ssyncadd.s32 $0xFFFFFF80  }
0x104: {  	_ =	swait.ge [sflag:s11], $0x6000  }
0x105: {  	[sflag:s11] =	ssyncset.done $0x0  }
0x106: {  	[sflag:s11] =	ssyncadd.s32 $0xFFFFA000  }
0x107: {  	_ =	swait.ge [sflag:s12], $0x80  }
0x108: {  	[sflag:s12] =	ssyncset.done $0x0  }
0x109: {  	[sflag:s12] =	ssyncadd.s32 $0xFFFFFF80  }
0x10a: {  	_ =	swait.ge [sflag:s11], $0x6000  }
0x10b: {  	[sflag:s11] =	ssyncset.done $0x0  }
0x10c: {  	[sflag:s11] =	ssyncadd.s32 $0xFFFFA000  }
0x10d: {  	_ =	swait.ge [sflag:s12], $0x80  }
0x10e: {  	[sflag:s12] =	ssyncset.done $0x0  }
0x10f: {  	[sflag:s12] =	ssyncadd.s32 $0xFFFFFF80  }
0x110: {  	_ =	swait.ge [sflag:s11], $0x6000  }
0x111: {  	[sflag:s11] =	ssyncset.done $0x0  }
0x112: {  	[sflag:s11] =	ssyncadd.s32 $0xFFFFA000  }
0x113: {  	_ =	swait.ge [sflag:s12], $0x80  }
0x114: {  	[sflag:s12] =	ssyncset.done $0x0  }
0x115: {  	[sflag:s12] =	ssyncadd.s32 $0xFFFFFF80  }
0x116: {  	_ =	swait.ge [sflag:s11], $0x6000  }
0x117: {  	[sflag:s11] =	ssyncset.done $0x0  }
0x118: {  	[sflag:s11] =	ssyncadd.s32 $0xFFFFA000  }
0x119: {  	_ =	swait.ge [sflag:s12], $0x80  }
0x11a: {  	[sflag:s12] =	ssyncset.done $0x0  }
0x11b: {  	[sflag:s12] =	ssyncadd.s32 $0xFFFFFF80  }
0x11c: {  	_ =	swait.ge [sflag:s11], $0x6000  }
0x11d: {  	[sflag:s11] =	ssyncset.done $0x0  }
0x11e: {  	[sflag:s11] =	ssyncadd.s32 $0xFFFFA000  }
0x11f: {  	_ =	swait.ge [sflag:s12], $0x80  }
0x120: {  	[sflag:s12] =	ssyncset.done $0x0  }
0x121: {  	[sflag:s12] =	ssyncadd.s32 $0xFFFFFF80  }
0x122: {  	_ =	swait.ge [sflag:s11], $0x6000  }
0x123: {  	[sflag:s11] =	ssyncset.done $0x0  }
0x124: {  	[sflag:s11] =	ssyncadd.s32 $0xFFFFA000  }
0x125: {  	_ =	swait.ge [sflag:s12], $0x80  }
0x126: {  	[sflag:s12] =	ssyncset.done $0x0  }
0x127: {  	[sflag:s12] =	ssyncadd.s32 $0xFFFFFF80  }
0x128: {  	_ =	swait.ge [sflag:s11], $0x6000  }
0x129: {  	[sflag:s11] =	ssyncset.done $0x0  }
0x12a: {  	[sflag:s11] =	ssyncadd.s32 $0xFFFFA000  }
0x12b: {  	_ =	swait.ge [sflag:s12], $0x80  }
0x12c: {  	[sflag:s12] =	ssyncset.done $0x0  }
0x12d: {  	[sflag:s12] =	ssyncadd.s32 $0xFFFFFF80  }
0x12e: {  	_ =	swait.ge [sflag:s11], $0x6000  }
0x12f: {  	[sflag:s11] =	ssyncset.done $0x0  }
0x130: {  	[sflag:s11] =	ssyncadd.s32 $0xFFFFA000  }
0x131: {  	_ =	swait.ge [sflag:s12], $0x80  }
0x132: {  	[sflag:s12] =	ssyncset.done $0x0  }
0x133: {  	[sflag:s12] =	ssyncadd.s32 $0xFFFFFF80  }
0x134: {  	_ =	swait.ge [sflag:s11], $0x6000  }
.Ltmp5:
0x135: {  	[sflag:s11] =	ssyncset.done $0x0;
	(pc) =	sbr.rel .LBB2_4-.Ltmp5, $4  }
0x136: {  	[sflag:s11] =	ssyncadd.s32 $0xFFFFA000  }
0x137: {  	_ =	swait.ge [sflag:s12], $0x80  }
0x138: {  	[sflag:s12] =	ssyncset.done $0x0  }
0x139: {  	[sflag:s12] =	ssyncadd.s32 $0xFFFFFF80  }
.LBB2_6:
0x13a: {  	_ =	sfence.sel $0x180000  }
0x13b: {  	[bflag:$0x0] =	sbarrier.arrive $0xFFFF  }
0x13c: {  	p0 =	sne.s32 s3, $0x0;
	_ =	strace $0x90000047  }
0x13d: {  	s0 =	sadd.s32 @!p0 $0x100000, s0;
	[bflag:$0x2] =	sbarrier.arrive $0xFFFF  }
0x13e: {  	[sflag:s0] =	ssyncadd.tile.s32 @!p0 $0x1;
	_ =	shalt  }
.Lfunc_end2:
_tile_overlayer_lowered:
.L_overlay_start_2:
0x13f: {  	(tag) =	ssettag $0x2  }
0x140: {  	s0 =	rddreg [dreg:$0x0];
	s2 =	stileid.u32  }
0x141: {  	s1 =	rddreg [dreg:$0x1];
	p0 =	sne.s32 s2, $0x0  }
0x142: {  	s3 =	rddreg [dreg:$0x2];
	[bflag:$0x3] =	sbarrier.arrive $0xFFFF;
	s2 =	simm.s32 @!p0 $0x1C04  }
0x143: {  	[timem:s3], [sflag:s2] =	dma.local @!p0 [hbm:s0], s1  }
0x144: {  	s0 =	simm.s32 @!p0 $0x4  }
0x145: {  	_ =	swait.ge @!p0 [sflag:s0], s1  }
0x146: {  	s1 =	ssub.s32 @!p0 $0x0, s1;
	[sflag:s0] =	ssyncset.done @!p0 $0x0  }
0x147: {  	[sflag:s0] =	ssyncadd.s32 @!p0 s1  }
0x148: {  	[bflag:$0x3] =	sbarrier.arrive $0xFFFF  }
0x149: {  	_ =	shalt  }

</sc_bundles>
